<compile_context>
chip_gen: v7x
topology: tpu7x:2x2x1
jax: 0.10.2.dev20260603
libtpu: 0.0.44.dev20260713+nightly
codegen_flags: <defaults>
</compile_context>

<pallas_src>
import functools

import jax
import jax.numpy as jnp
from jax import lax
from jax.experimental import pallas as pl
from jax.experimental.pallas import tpu as pltpu
from jax.experimental.pallas import tpu_sc as plsc

N_ITEMS = 100000
D = 128
N = 50
NPOS_PAD = 64
BATCH = 4096

NC = 2
NS = 16
NW = NC * NS
ROWS = BATCH * N
ROWS_PER_W = ROWS // NW
CHUNK = 256
GSTREAM = 128
NCH = ROWS_PER_W // CHUNK
NBUF = 3
LANES = 16


def _build_kernel():
    mesh = plsc.VectorSubcoreMesh(core_axis_name="c", subcore_axis_name="s")

    @functools.partial(
        pl.kernel,
        mesh=mesh,
        compiler_params=pltpu.CompilerParams(skip_device_barrier=True),
        out_type=jax.ShapeDtypeStruct((ROWS, D), jnp.float32),
        scratch_types=(
            [pltpu.VMEM((ROWS_PER_W,), jnp.int32),
             pltpu.VMEM((16, D), jnp.float32),
             pltpu.VMEM((NBUF, CHUNK, D), jnp.float32)]
            + [pltpu.SemaphoreType.DMA] * (2 * NBUF)
        ),
    )
    def emb_kernel(x_hbm, table_hbm, pos_hbm, out_hbm, idx_v, pos_v, buf,
                   *sems):
        gsem = sems[:NBUF]
        ssem = sems[NBUF:]
        wid = lax.axis_index("s") * NC + lax.axis_index("c")
        row0 = wid * ROWS_PER_W
        n0 = pl.multiple_of(((NCH * wid) // (BATCH // CHUNK)) & ~7, 8)

        pltpu.sync_copy(x_hbm.at[wid], idx_v)
        pltpu.sync_copy(pos_hbm.at[pl.ds(n0, 16)], pos_v)

        def g_issue(cg, b):
            for s in range(CHUNK // GSTREAM):
                pltpu.async_copy(
                    table_hbm.at[idx_v.at[pl.ds(cg * CHUNK + s * GSTREAM,
                                                GSTREAM)]],
                    buf.at[b, pl.ds(s * GSTREAM, GSTREAM)], gsem[b])

        def g_wait(cg, b):
            for s in range(CHUNK // GSTREAM):
                pltpu.make_async_copy(
                    table_hbm.at[idx_v.at[pl.ds(cg * CHUNK + s * GSTREAM,
                                                GSTREAM)]],
                    buf.at[b, pl.ds(s * GSTREAM, GSTREAM)], gsem[b]).wait()

        def s_issue(cg, b):
            pltpu.async_copy(buf.at[b],
                             out_hbm.at[pl.ds(row0 + cg * CHUNK, CHUNK)],
                             ssem[b])

        def s_wait(b):
            pltpu.make_async_copy(buf.at[b], out_hbm.at[pl.ds(0, CHUNK)],
                                  ssem[b]).wait()

        def add_pos(cg, b):
            n_loc = (NCH * wid + cg) // (BATCH // CHUNK) - n0
            ps = [pos_v[n_loc, pl.ds(c * LANES, LANES)]
                  for c in range(D // LANES)]

            def row(r, carry):
                for c in range(D // LANES):
                    sl = pl.ds(c * LANES, LANES)
                    buf[b, r, sl] = buf[b, r, sl] + ps[c]
                return carry

            lax.fori_loop(0, CHUNK, row, 0)

        def process(cg, b):
            bn = (b + 1) % NBUF
            static = isinstance(cg, int)
            if not static or cg >= 2:
                s_wait(bn)
            if not static or cg + 1 < NCH:
                g_issue(cg + 1, bn)
            g_wait(cg, b)
            add_pos(cg, b)
            s_issue(cg, b)

        g_issue(0, 0)
        for b in range(NBUF):
            process(b, b)

        def round_body(r, carry):
            cg0 = r * NBUF
            for b in range(NBUF):
                process(cg0 + b, b)
            return carry

        lax.fori_loop(1, (NCH - 1) // NBUF, round_body, 0)

        process(NCH - 1, (NCH - 1) % NBUF)
        s_wait((NCH - 2) % NBUF)
        s_wait((NCH - 1) % NBUF)

    return emb_kernel


_EMB_KERNEL = _build_kernel()


def kernel(X, embedding, positional_embedding):
    Xt = jnp.transpose(X.astype(jnp.int32)).reshape(NW, ROWS_PER_W)
    pos_pad = jnp.pad(positional_embedding, ((0, NPOS_PAD - N), (0, 0)))
    out = _EMB_KERNEL(Xt, embedding, pos_pad)
    return jnp.transpose(out.reshape(N, BATCH, D), (1, 0, 2))

# --- scband reference (transcript-rebuilt; emitter-appended) ---
"""Pipeline reference for scband-embedding-layer-78683800862882 (READ-ONLY COPY).

The authoritative reference and input builder live on the scoring server;
editing this copy changes nothing except your own understanding.
"""

import jax, jax.numpy as jnp
import numpy as np

N_ITEMS = 100000
D = 128
N = 50
BATCH = 4096

def setup_inputs(seed: int = 0) -> dict:
    key = jax.random.key(seed)
    k_x, k_emb, k_pos = jax.random.split(key, 3)
    X = jax.random.randint(k_x, (BATCH, N), 0, N_ITEMS, dtype=jnp.int64)
    # nn.Embedding default init: N(0,1)
    embedding = jax.random.normal(k_emb, (N_ITEMS + 1, D), dtype=jnp.float32)
    # xavier_uniform for positional embedding: bound = sqrt(6/(fan_in+fan_out)) with fan_in=D, fan_out=N
    bound = float(np.sqrt(6.0 / (N + D)))
    positional_embedding = jax.random.uniform(k_pos, (N, D), dtype=jnp.float32, minval=-bound, maxval=bound)
    return {"X": X, "embedding": embedding, "positional_embedding": positional_embedding}

def reference(X, embedding, positional_embedding):
    # embed = self.embedding(X.long())
    embed = jnp.take(embedding, X, axis=0)  # [B, N, D]
    # dropout is identity in eval/reference mode
    out = embed + positional_embedding[None, :, :]
    return out

if __name__ == "__main__":
    import jax
    _d = setup_inputs()
    print(jax.jit(kernel)(*tuple(_d.values())))

</pallas_src>

<mosaic_0001>
#map = affine_map<(d0, d1) -> (0, 0)>
module attributes {stable_mosaic.version = 14 : i64} {
  func.func @emb_kernel(%arg0: i32, %arg1: i32, %arg2: memref<32x6400xi32, #tpu.memory_space<hbm>>, %arg3: memref<100001x128xf32, #tpu.memory_space<hbm>>, %arg4: memref<64x128xf32, #tpu.memory_space<hbm>>, %arg5: memref<204800x128xf32, #tpu.memory_space<hbm>>, %arg6: memref<6400xi32, #tpu.memory_space<vmem>>, %arg7: memref<16x128xf32, #tpu.memory_space<vmem>>, %arg8: memref<3x256x128xf32, #tpu.memory_space<vmem>>, %arg9: memref<!tpu.dma_semaphore, #tpu.memory_space<semaphore_mem>>, %arg10: memref<!tpu.dma_semaphore, #tpu.memory_space<semaphore_mem>>, %arg11: memref<!tpu.dma_semaphore, #tpu.memory_space<semaphore_mem>>, %arg12: memref<!tpu.dma_semaphore, #tpu.memory_space<semaphore_mem>>, %arg13: memref<!tpu.dma_semaphore, #tpu.memory_space<semaphore_mem>>, %arg14: memref<!tpu.dma_semaphore, #tpu.memory_space<semaphore_mem>>) attributes {dimension_semantics = [#tpu.dimension_semantics<core_parallel>, #tpu.dimension_semantics<subcore_parallel>], iteration_bounds = array<i64: 2, 16>, scalar_prefetch = 0 : i64, scratch_operands = 9 : i64, tpu.core_type = #tpu.core_type<sc_vector_subcore>, window_params = [{transform_indices = #map}, {transform_indices = #map}, {transform_indices = #map}, {transform_indices = #map}]} {
    %mul3A = arith.constant 2 : i32
    %mul3A_0 = arith.muli %arg1, %mul3A : i32
    %add3A = arith.addi %mul3A_0, %arg0 : i32
    %mul3A_1 = arith.constant 6400 : i32
    %mul3A_2 = arith.muli %add3A, %mul3A_1 : i32
    %mul3A_3 = arith.constant 25 : i32
    %mul3A_4 = arith.muli %mul3A_3, %add3A : i32
    %jit3A = arith.constant 16 : i32
    %div3A = arith.divsi %mul3A_4, %jit3A : i32
    %sign3A = arith.constant 0 : i32
    %sign3A_5 = arith.cmpi sgt, %mul3A_4, %sign3A : i32
    %sign3A_6 = arith.extui %sign3A_5 : i1 to i32
    %sign3A_7 = arith.constant 0 : i32
    %sign3A_8 = arith.cmpi slt, %mul3A_4, %sign3A_7 : i32
    %sign3A_9 = arith.extui %sign3A_8 : i1 to i32
    %sign3A_10 = arith.subi %sign3A_6, %sign3A_9 : i32
    %sign3A_11 = arith.constant 0 : i32
    %sign3A_12 = arith.cmpi sgt, %jit3A, %sign3A_11 : i32
    %sign3A_13 = arith.extui %sign3A_12 : i1 to i32
    %sign3A_14 = arith.constant 0 : i32
    %sign3A_15 = arith.cmpi slt, %jit3A, %sign3A_14 : i32
    %sign3A_16 = arith.extui %sign3A_15 : i1 to i32
    %sign3A_17 = arith.subi %sign3A_13, %sign3A_16 : i32
    %ne3A = arith.cmpi ne, %sign3A_10, %sign3A_17 : i32
    %rem3A = arith.remsi %mul3A_4, %jit3A : i32
    %ne3A_18 = arith.constant 0 : i32
    %ne3A_19 = arith.cmpi ne, %rem3A, %ne3A_18 : i32
    %and3A = arith.andi %ne3A, %ne3A_19 : i1
    %sub3A = arith.constant 1 : i32
    %sub3A_20 = arith.subi %div3A, %sub3A : i32
    %select_n3A = arith.select %and3A, %sub3A_20, %div3A : i32
    %and3A_21 = arith.constant -8 : i32
    %and3A_22 = arith.andi %select_n3A, %and3A_21 : i32
    %multiple_of3A = tpu.assume_multiple %and3A_22, 8 : i32
    "tpu.region"() ({
      %run_scoped3A = tpu.sem_alloc : memref<!tpu.dma_semaphore, #tpu.memory_space<semaphore_mem>>
      %dma_start3A_573 = arith.constant 0 : i32
      %dma_start3A_574 = tpu.memref_slice %arg2[%add3A, %dma_start3A_573] : memref<32x6400xi32, #tpu.memory_space<hbm>> -> memref<1x6400xi32, #tpu.memory_space<hbm>>
      %dma_start3A_575 = tpu.memref_squeeze %dma_start3A_574 : memref<1x6400xi32, #tpu.memory_space<hbm>> -> memref<6400xi32, #tpu.memory_space<hbm>>
      %dma_start3A_576 = arith.constant 0 : i32
      %dma_start3A_577 = tpu.memref_slice %arg2[%add3A, %dma_start3A_576] : memref<32x6400xi32, #tpu.memory_space<hbm>> -> memref<1x6400xi32, #tpu.memory_space<hbm>>
      %dma_start3A_578 = tpu.memref_squeeze %dma_start3A_577 : memref<1x6400xi32, #tpu.memory_space<hbm>> -> memref<6400xi32, #tpu.memory_space<hbm>>
      tpu.enqueue_dma source(%dma_start3A_578 : memref<6400xi32, #tpu.memory_space<hbm>>) target(%arg6 : memref<6400xi32, #tpu.memory_space<vmem>>) target_semaphore(%run_scoped3A : memref<!tpu.dma_semaphore, #tpu.memory_space<semaphore_mem>>)
      %dma_wait3A_579 = arith.constant 0 : i32
      %dma_wait3A_580 = tpu.memref_slice %arg2[%add3A, %dma_wait3A_579] : memref<32x6400xi32, #tpu.memory_space<hbm>> -> memref<1x6400xi32, #tpu.memory_space<hbm>>
      %dma_wait3A_581 = tpu.memref_squeeze %dma_wait3A_580 : memref<1x6400xi32, #tpu.memory_space<hbm>> -> memref<6400xi32, #tpu.memory_space<hbm>>
      %dma_wait3A_582 = arith.constant 0 : i32
      %dma_wait3A_583 = tpu.memref_slice %arg2[%add3A, %dma_wait3A_582] : memref<32x6400xi32, #tpu.memory_space<hbm>> -> memref<1x6400xi32, #tpu.memory_space<hbm>>
      %dma_wait3A_584 = tpu.memref_squeeze %dma_wait3A_583 : memref<1x6400xi32, #tpu.memory_space<hbm>> -> memref<6400xi32, #tpu.memory_space<hbm>>
      tpu.wait_dma2 semaphore(%run_scoped3A : memref<!tpu.dma_semaphore, #tpu.memory_space<semaphore_mem>>) src(%dma_wait3A_584 : memref<6400xi32, #tpu.memory_space<hbm>>) dst(%arg6 : memref<6400xi32, #tpu.memory_space<vmem>>)
      tpu.yield
    }) : () -> ()
    "tpu.region"() ({
      %run_scoped3A = tpu.sem_alloc : memref<!tpu.dma_semaphore, #tpu.memory_space<semaphore_mem>>
      %dma_start3A_573 = arith.constant 0 : i32
      %dma_start3A_574 = tpu.memref_slice %arg4[%multiple_of3A, %dma_start3A_573] : memref<64x128xf32, #tpu.memory_space<hbm>> -> memref<16x128xf32, #tpu.memory_space<hbm>>
      %dma_start3A_575 = arith.constant 0 : i32
      %dma_start3A_576 = tpu.memref_slice %arg4[%multiple_of3A, %dma_start3A_575] : memref<64x128xf32, #tpu.memory_space<hbm>> -> memref<16x128xf32, #tpu.memory_space<hbm>>
      tpu.enqueue_dma source(%dma_start3A_576 : memref<16x128xf32, #tpu.memory_space<hbm>>) target(%arg7 : memref<16x128xf32, #tpu.memory_space<vmem>>) target_semaphore(%run_scoped3A : memref<!tpu.dma_semaphore, #tpu.memory_space<semaphore_mem>>)
      %dma_wait3A_577 = arith.constant 0 : i32
      %dma_wait3A_578 = tpu.memref_slice %arg4[%multiple_of3A, %dma_wait3A_577] : memref<64x128xf32, #tpu.memory_space<hbm>> -> memref<16x128xf32, #tpu.memory_space<hbm>>
      %dma_wait3A_579 = arith.constant 0 : i32
      %dma_wait3A_580 = tpu.memref_slice %arg4[%multiple_of3A, %dma_wait3A_579] : memref<64x128xf32, #tpu.memory_space<hbm>> -> memref<16x128xf32, #tpu.memory_space<hbm>>
      tpu.wait_dma2 semaphore(%run_scoped3A : memref<!tpu.dma_semaphore, #tpu.memory_space<semaphore_mem>>) src(%dma_wait3A_580 : memref<16x128xf32, #tpu.memory_space<hbm>>) dst(%arg7 : memref<16x128xf32, #tpu.memory_space<vmem>>)
      tpu.yield
    }) : () -> ()
    %dma_start3A = arith.constant 0 : i32
    %dma_start3A_23 = arith.constant 0 : i32
    %dma_start3A_24 = arith.constant 0 : i32
    %dma_start3A_25 = tpu.memref_slice %arg8[%dma_start3A, %dma_start3A_23, %dma_start3A_24] : memref<3x256x128xf32, #tpu.memory_space<vmem>> -> memref<1x128x128xf32, #tpu.memory_space<vmem>>
    %dma_start3A_26 = tpu.memref_squeeze %dma_start3A_25 : memref<1x128x128xf32, #tpu.memory_space<vmem>> -> memref<128x128xf32, #tpu.memory_space<vmem>>
    %dma_start3A_27 = arith.constant 0 : i32
    %dma_start3A_28 = tpu.memref_slice %arg6[%dma_start3A_27] : memref<6400xi32, #tpu.memory_space<vmem>> -> memref<128xi32, #tpu.memory_space<vmem>>
    %dma_start3A_29 = arith.constant 0 : i32
    %dma_start3A_30 = arith.constant 0 : i32
    %dma_start3A_31 = tpu.memref_slice %arg3[%dma_start3A_29, %dma_start3A_30] : memref<100001x128xf32, #tpu.memory_space<hbm>> -> memref<100001x128xf32, #tpu.memory_space<hbm>>
    tpu.enqueue_indirect_dma source(%dma_start3A_31 : memref<100001x128xf32, #tpu.memory_space<hbm>>) target(%dma_start3A_26 : memref<128x128xf32, #tpu.memory_space<vmem>>) offsets(%dma_start3A_28 : memref<128xi32, #tpu.memory_space<vmem>>) semaphore(%arg9 : memref<!tpu.dma_semaphore, #tpu.memory_space<semaphore_mem>>)
    %dma_start3A_32 = arith.constant 0 : i32
    %dma_start3A_33 = arith.constant 128 : i32
    %dma_start3A_34 = arith.constant 0 : i32
    %dma_start3A_35 = tpu.memref_slice %arg8[%dma_start3A_32, %dma_start3A_33, %dma_start3A_34] : memref<3x256x128xf32, #tpu.memory_space<vmem>> -> memref<1x128x128xf32, #tpu.memory_space<vmem>>
    %dma_start3A_36 = tpu.memref_squeeze %dma_start3A_35 : memref<1x128x128xf32, #tpu.memory_space<vmem>> -> memref<128x128xf32, #tpu.memory_space<vmem>>
    %dma_start3A_37 = arith.constant 128 : i32
    %dma_start3A_38 = tpu.memref_slice %arg6[%dma_start3A_37] : memref<6400xi32, #tpu.memory_space<vmem>> -> memref<128xi32, #tpu.memory_space<vmem>>
    %dma_start3A_39 = arith.constant 0 : i32
    %dma_start3A_40 = arith.constant 0 : i32
    %dma_start3A_41 = tpu.memref_slice %arg3[%dma_start3A_39, %dma_start3A_40] : memref<100001x128xf32, #tpu.memory_space<hbm>> -> memref<100001x128xf32, #tpu.memory_space<hbm>>
    tpu.enqueue_indirect_dma source(%dma_start3A_41 : memref<100001x128xf32, #tpu.memory_space<hbm>>) target(%dma_start3A_36 : memref<128x128xf32, #tpu.memory_space<vmem>>) offsets(%dma_start3A_38 : memref<128xi32, #tpu.memory_space<vmem>>) semaphore(%arg9 : memref<!tpu.dma_semaphore, #tpu.memory_space<semaphore_mem>>)
    %dma_start3A_42 = arith.constant 1 : i32
    %dma_start3A_43 = arith.constant 0 : i32
    %dma_start3A_44 = arith.constant 0 : i32
    %dma_start3A_45 = tpu.memref_slice %arg8[%dma_start3A_42, %dma_start3A_43, %dma_start3A_44] : memref<3x256x128xf32, #tpu.memory_space<vmem>> -> memref<1x128x128xf32, #tpu.memory_space<vmem>>
    %dma_start3A_46 = tpu.memref_squeeze %dma_start3A_45 : memref<1x128x128xf32, #tpu.memory_space<vmem>> -> memref<128x128xf32, #tpu.memory_space<vmem>>
    %dma_start3A_47 = arith.constant 256 : i32
    %dma_start3A_48 = tpu.memref_slice %arg6[%dma_start3A_47] : memref<6400xi32, #tpu.memory_space<vmem>> -> memref<128xi32, #tpu.memory_space<vmem>>
    %dma_start3A_49 = arith.constant 0 : i32
    %dma_start3A_50 = arith.constant 0 : i32
    %dma_start3A_51 = tpu.memref_slice %arg3[%dma_start3A_49, %dma_start3A_50] : memref<100001x128xf32, #tpu.memory_space<hbm>> -> memref<100001x128xf32, #tpu.memory_space<hbm>>
    tpu.enqueue_indirect_dma source(%dma_start3A_51 : memref<100001x128xf32, #tpu.memory_space<hbm>>) target(%dma_start3A_46 : memref<128x128xf32, #tpu.memory_space<vmem>>) offsets(%dma_start3A_48 : memref<128xi32, #tpu.memory_space<vmem>>) semaphore(%arg10 : memref<!tpu.dma_semaphore, #tpu.memory_space<semaphore_mem>>)
    %dma_start3A_52 = arith.constant 1 : i32
    %dma_start3A_53 = arith.constant 128 : i32
    %dma_start3A_54 = arith.constant 0 : i32
    %dma_start3A_55 = tpu.memref_slice %arg8[%dma_start3A_52, %dma_start3A_53, %dma_start3A_54] : memref<3x256x128xf32, #tpu.memory_space<vmem>> -> memref<1x128x128xf32, #tpu.memory_space<vmem>>
    %dma_start3A_56 = tpu.memref_squeeze %dma_start3A_55 : memref<1x128x128xf32, #tpu.memory_space<vmem>> -> memref<128x128xf32, #tpu.memory_space<vmem>>
    %dma_start3A_57 = arith.constant 384 : i32
    %dma_start3A_58 = tpu.memref_slice %arg6[%dma_start3A_57] : memref<6400xi32, #tpu.memory_space<vmem>> -> memref<128xi32, #tpu.memory_space<vmem>>
    %dma_start3A_59 = arith.constant 0 : i32
    %dma_start3A_60 = arith.constant 0 : i32
    %dma_start3A_61 = tpu.memref_slice %arg3[%dma_start3A_59, %dma_start3A_60] : memref<100001x128xf32, #tpu.memory_space<hbm>> -> memref<100001x128xf32, #tpu.memory_space<hbm>>
    tpu.enqueue_indirect_dma source(%dma_start3A_61 : memref<100001x128xf32, #tpu.memory_space<hbm>>) target(%dma_start3A_56 : memref<128x128xf32, #tpu.memory_space<vmem>>) offsets(%dma_start3A_58 : memref<128xi32, #tpu.memory_space<vmem>>) semaphore(%arg10 : memref<!tpu.dma_semaphore, #tpu.memory_space<semaphore_mem>>)
    %dma_wait3A = arith.constant 0 : i32
    %dma_wait3A_62 = arith.constant 0 : i32
    %dma_wait3A_63 = arith.constant 0 : i32
    %dma_wait3A_64 = tpu.memref_slice %arg8[%dma_wait3A, %dma_wait3A_62, %dma_wait3A_63] : memref<3x256x128xf32, #tpu.memory_space<vmem>> -> memref<1x128x128xf32, #tpu.memory_space<vmem>>
    %dma_wait3A_65 = tpu.memref_squeeze %dma_wait3A_64 : memref<1x128x128xf32, #tpu.memory_space<vmem>> -> memref<128x128xf32, #tpu.memory_space<vmem>>
    %dma_wait3A_66 = arith.constant 0 : i32
    %dma_wait3A_67 = tpu.memref_slice %arg6[%dma_wait3A_66] : memref<6400xi32, #tpu.memory_space<vmem>> -> memref<128xi32, #tpu.memory_space<vmem>>
    %dma_wait3A_68 = arith.constant 0 : i32
    %dma_wait3A_69 = arith.constant 0 : i32
    %dma_wait3A_70 = tpu.memref_slice %arg3[%dma_wait3A_68, %dma_wait3A_69] : memref<100001x128xf32, #tpu.memory_space<hbm>> -> memref<100001x128xf32, #tpu.memory_space<hbm>>
    tpu.wait_indirect_dma semaphore(%arg9 : memref<!tpu.dma_semaphore, #tpu.memory_space<semaphore_mem>>) src(%dma_wait3A_70 : memref<100001x128xf32, #tpu.memory_space<hbm>>) dst(%dma_wait3A_65 : memref<128x128xf32, #tpu.memory_space<vmem>>)
    %dma_wait3A_71 = arith.constant 0 : i32
    %dma_wait3A_72 = arith.constant 128 : i32
    %dma_wait3A_73 = arith.constant 0 : i32
    %dma_wait3A_74 = tpu.memref_slice %arg8[%dma_wait3A_71, %dma_wait3A_72, %dma_wait3A_73] : memref<3x256x128xf32, #tpu.memory_space<vmem>> -> memref<1x128x128xf32, #tpu.memory_space<vmem>>
    %dma_wait3A_75 = tpu.memref_squeeze %dma_wait3A_74 : memref<1x128x128xf32, #tpu.memory_space<vmem>> -> memref<128x128xf32, #tpu.memory_space<vmem>>
    %dma_wait3A_76 = arith.constant 128 : i32
    %dma_wait3A_77 = tpu.memref_slice %arg6[%dma_wait3A_76] : memref<6400xi32, #tpu.memory_space<vmem>> -> memref<128xi32, #tpu.memory_space<vmem>>
    %dma_wait3A_78 = arith.constant 0 : i32
    %dma_wait3A_79 = arith.constant 0 : i32
    %dma_wait3A_80 = tpu.memref_slice %arg3[%dma_wait3A_78, %dma_wait3A_79] : memref<100001x128xf32, #tpu.memory_space<hbm>> -> memref<100001x128xf32, #tpu.memory_space<hbm>>
    tpu.wait_indirect_dma semaphore(%arg9 : memref<!tpu.dma_semaphore, #tpu.memory_space<semaphore_mem>>) src(%dma_wait3A_80 : memref<100001x128xf32, #tpu.memory_space<hbm>>) dst(%dma_wait3A_75 : memref<128x128xf32, #tpu.memory_space<vmem>>)
    %mul3A_81 = arith.constant 25 : i32
    %mul3A_82 = arith.muli %mul3A_81, %add3A : i32
    %add3A_83 = arith.constant 0 : i32
    %add3A_84 = arith.addi %mul3A_82, %add3A_83 : i32
    %jit3A_85 = arith.constant 16 : i32
    %div3A_86 = arith.divsi %add3A_84, %jit3A_85 : i32
    %sign3A_87 = arith.constant 0 : i32
    %sign3A_88 = arith.cmpi sgt, %add3A_84, %sign3A_87 : i32
    %sign3A_89 = arith.extui %sign3A_88 : i1 to i32
    %sign3A_90 = arith.constant 0 : i32
    %sign3A_91 = arith.cmpi slt, %add3A_84, %sign3A_90 : i32
    %sign3A_92 = arith.extui %sign3A_91 : i1 to i32
    %sign3A_93 = arith.subi %sign3A_89, %sign3A_92 : i32
    %sign3A_94 = arith.constant 0 : i32
    %sign3A_95 = arith.cmpi sgt, %jit3A_85, %sign3A_94 : i32
    %sign3A_96 = arith.extui %sign3A_95 : i1 to i32
    %sign3A_97 = arith.constant 0 : i32
    %sign3A_98 = arith.cmpi slt, %jit3A_85, %sign3A_97 : i32
    %sign3A_99 = arith.extui %sign3A_98 : i1 to i32
    %sign3A_100 = arith.subi %sign3A_96, %sign3A_99 : i32
    %ne3A_101 = arith.cmpi ne, %sign3A_93, %sign3A_100 : i32
    %rem3A_102 = arith.remsi %add3A_84, %jit3A_85 : i32
    %ne3A_103 = arith.constant 0 : i32
    %ne3A_104 = arith.cmpi ne, %rem3A_102, %ne3A_103 : i32
    %and3A_105 = arith.andi %ne3A_101, %ne3A_104 : i1
    %sub3A_106 = arith.constant 1 : i32
    %sub3A_107 = arith.subi %div3A_86, %sub3A_106 : i32
    %select_n3A_108 = arith.select %and3A_105, %sub3A_107, %div3A_86 : i32
    %sub3A_109 = arith.subi %select_n3A_108, %multiple_of3A : i32
    %get3A = arith.index_cast %sub3A_109 : i32 to index
    %get3A_110 = arith.constant 0 : index
    %get3A_111 = tpu.vector_load %arg7[%get3A, %get3A_110] {strides = array<i32>} : memref<16x128xf32, #tpu.memory_space<vmem>>, vector<1x16xf32>,
    %get3A_112 = vector.shape_cast %get3A_111 : vector<1x16xf32> to vector<16xf32>
    %get3A_113 = arith.index_cast %sub3A_109 : i32 to index
    %get3A_114 = arith.constant 16 : index
    %get3A_115 = tpu.vector_load %arg7[%get3A_113, %get3A_114] {strides = array<i32>} : memref<16x128xf32, #tpu.memory_space<vmem>>, vector<1x16xf32>,
    %get3A_116 = vector.shape_cast %get3A_115 : vector<1x16xf32> to vector<16xf32>
    %get3A_117 = arith.index_cast %sub3A_109 : i32 to index
    %get3A_118 = arith.constant 32 : index
    %get3A_119 = tpu.vector_load %arg7[%get3A_117, %get3A_118] {strides = array<i32>} : memref<16x128xf32, #tpu.memory_space<vmem>>, vector<1x16xf32>,
    %get3A_120 = vector.shape_cast %get3A_119 : vector<1x16xf32> to vector<16xf32>
    %get3A_121 = arith.index_cast %sub3A_109 : i32 to index
    %get3A_122 = arith.constant 48 : index
    %get3A_123 = tpu.vector_load %arg7[%get3A_121, %get3A_122] {strides = array<i32>} : memref<16x128xf32, #tpu.memory_space<vmem>>, vector<1x16xf32>,
    %get3A_124 = vector.shape_cast %get3A_123 : vector<1x16xf32> to vector<16xf32>
    %get3A_125 = arith.index_cast %sub3A_109 : i32 to index
    %get3A_126 = arith.constant 64 : index
    %get3A_127 = tpu.vector_load %arg7[%get3A_125, %get3A_126] {strides = array<i32>} : memref<16x128xf32, #tpu.memory_space<vmem>>, vector<1x16xf32>,
    %get3A_128 = vector.shape_cast %get3A_127 : vector<1x16xf32> to vector<16xf32>
    %get3A_129 = arith.index_cast %sub3A_109 : i32 to index
    %get3A_130 = arith.constant 80 : index
    %get3A_131 = tpu.vector_load %arg7[%get3A_129, %get3A_130] {strides = array<i32>} : memref<16x128xf32, #tpu.memory_space<vmem>>, vector<1x16xf32>,
    %get3A_132 = vector.shape_cast %get3A_131 : vector<1x16xf32> to vector<16xf32>
    %get3A_133 = arith.index_cast %sub3A_109 : i32 to index
    %get3A_134 = arith.constant 96 : index
    %get3A_135 = tpu.vector_load %arg7[%get3A_133, %get3A_134] {strides = array<i32>} : memref<16x128xf32, #tpu.memory_space<vmem>>, vector<1x16xf32>,
    %get3A_136 = vector.shape_cast %get3A_135 : vector<1x16xf32> to vector<16xf32>
    %get3A_137 = arith.index_cast %sub3A_109 : i32 to index
    %get3A_138 = arith.constant 112 : index
    %get3A_139 = tpu.vector_load %arg7[%get3A_137, %get3A_138] {strides = array<i32>} : memref<16x128xf32, #tpu.memory_space<vmem>>, vector<1x16xf32>,
    %get3A_140 = vector.shape_cast %get3A_139 : vector<1x16xf32> to vector<16xf32>
    %scan3A = arith.constant 0 : i32
    %scan3A_141 = arith.constant 0 : i32
    %scan3A_142 = arith.constant 256 : i32
    %scan3A_143 = arith.addi %scan3A_141, %scan3A_142 : i32
    %scan3A_144 = arith.constant 1 : i32
    scf.for %scan3A_573 = %scan3A_141 to %scan3A_143 step %scan3A_144  : i32 {
      %get3A_574 = arith.constant 0 : i32
      %get3A_575 = arith.index_cast %get3A_574 : i32 to index
      %get3A_576 = arith.index_cast %scan3A_573 : i32 to index
      %get3A_577 = arith.constant 0 : index
      %get3A_578 = tpu.vector_load %arg8[%get3A_575, %get3A_576, %get3A_577] {strides = array<i32>} : memref<3x256x128xf32, #tpu.memory_space<vmem>>, vector<1x1x16xf32>,
      %get3A_579 = vector.shape_cast %get3A_578 : vector<1x1x16xf32> to vector<16xf32>
      %add3A_580 = arith.addf %get3A_579, %get3A_112 : vector<16xf32>
      %swap3A = arith.constant 0 : i32
      %swap3A_581 = arith.index_cast %swap3A : i32 to index
      %swap3A_582 = arith.index_cast %scan3A_573 : i32 to index
      %swap3A_583 = arith.constant 0 : index
      %swap3A_584 = tpu.vector_load %arg8[%swap3A_581, %swap3A_582, %swap3A_583] {strides = array<i32>} : memref<3x256x128xf32, #tpu.memory_space<vmem>>, vector<1x1x16xf32>,
      %swap3A_585 = vector.shape_cast %swap3A_584 : vector<1x1x16xf32> to vector<16xf32>
      %swap3A_586 = vector.shape_cast %add3A_580 : vector<16xf32> to vector<1x1x16xf32>
      tpu.vector_store %arg8[%swap3A_581, %swap3A_582, %swap3A_583], %swap3A_586 {strides = array<i32>} : memref<3x256x128xf32, #tpu.memory_space<vmem>>, vector<1x1x16xf32>,
      %get3A_587 = arith.constant 0 : i32
      %get3A_588 = arith.index_cast %get3A_587 : i32 to index
      %get3A_589 = arith.index_cast %scan3A_573 : i32 to index
      %get3A_590 = arith.constant 16 : index
      %get3A_591 = tpu.vector_load %arg8[%get3A_588, %get3A_589, %get3A_590] {strides = array<i32>} : memref<3x256x128xf32, #tpu.memory_space<vmem>>, vector<1x1x16xf32>,
      %get3A_592 = vector.shape_cast %get3A_591 : vector<1x1x16xf32> to vector<16xf32>
      %add3A_593 = arith.addf %get3A_592, %get3A_116 : vector<16xf32>
      %swap3A_594 = arith.constant 0 : i32
      %swap3A_595 = arith.index_cast %swap3A_594 : i32 to index
      %swap3A_596 = arith.index_cast %scan3A_573 : i32 to index
      %swap3A_597 = arith.constant 16 : index
      %swap3A_598 = tpu.vector_load %arg8[%swap3A_595, %swap3A_596, %swap3A_597] {strides = array<i32>} : memref<3x256x128xf32, #tpu.memory_space<vmem>>, vector<1x1x16xf32>,
      %swap3A_599 = vector.shape_cast %swap3A_598 : vector<1x1x16xf32> to vector<16xf32>
      %swap3A_600 = vector.shape_cast %add3A_593 : vector<16xf32> to vector<1x1x16xf32>
      tpu.vector_store %arg8[%swap3A_595, %swap3A_596, %swap3A_597], %swap3A_600 {strides = array<i32>} : memref<3x256x128xf32, #tpu.memory_space<vmem>>, vector<1x1x16xf32>,
      %get3A_601 = arith.constant 0 : i32
      %get3A_602 = arith.index_cast %get3A_601 : i32 to index
      %get3A_603 = arith.index_cast %scan3A_573 : i32 to index
      %get3A_604 = arith.constant 32 : index
      %get3A_605 = tpu.vector_load %arg8[%get3A_602, %get3A_603, %get3A_604] {strides = array<i32>} : memref<3x256x128xf32, #tpu.memory_space<vmem>>, vector<1x1x16xf32>,
      %get3A_606 = vector.shape_cast %get3A_605 : vector<1x1x16xf32> to vector<16xf32>
      %add3A_607 = arith.addf %get3A_606, %get3A_120 : vector<16xf32>
      %swap3A_608 = arith.constant 0 : i32
      %swap3A_609 = arith.index_cast %swap3A_608 : i32 to index
      %swap3A_610 = arith.index_cast %scan3A_573 : i32 to index
      %swap3A_611 = arith.constant 32 : index
      %swap3A_612 = tpu.vector_load %arg8[%swap3A_609, %swap3A_610, %swap3A_611] {strides = array<i32>} : memref<3x256x128xf32, #tpu.memory_space<vmem>>, vector<1x1x16xf32>,
      %swap3A_613 = vector.shape_cast %swap3A_612 : vector<1x1x16xf32> to vector<16xf32>
      %swap3A_614 = vector.shape_cast %add3A_607 : vector<16xf32> to vector<1x1x16xf32>
      tpu.vector_store %arg8[%swap3A_609, %swap3A_610, %swap3A_611], %swap3A_614 {strides = array<i32>} : memref<3x256x128xf32, #tpu.memory_space<vmem>>, vector<1x1x16xf32>,
      %get3A_615 = arith.constant 0 : i32
      %get3A_616 = arith.index_cast %get3A_615 : i32 to index
      %get3A_617 = arith.index_cast %scan3A_573 : i32 to index
      %get3A_618 = arith.constant 48 : index
      %get3A_619 = tpu.vector_load %arg8[%get3A_616, %get3A_617, %get3A_618] {strides = array<i32>} : memref<3x256x128xf32, #tpu.memory_space<vmem>>, vector<1x1x16xf32>,
      %get3A_620 = vector.shape_cast %get3A_619 : vector<1x1x16xf32> to vector<16xf32>
      %add3A_621 = arith.addf %get3A_620, %get3A_124 : vector<16xf32>
      %swap3A_622 = arith.constant 0 : i32
      %swap3A_623 = arith.index_cast %swap3A_622 : i32 to index
      %swap3A_624 = arith.index_cast %scan3A_573 : i32 to index
      %swap3A_625 = arith.constant 48 : index
      %swap3A_626 = tpu.vector_load %arg8[%swap3A_623, %swap3A_624, %swap3A_625] {strides = array<i32>} : memref<3x256x128xf32, #tpu.memory_space<vmem>>, vector<1x1x16xf32>,
      %swap3A_627 = vector.shape_cast %swap3A_626 : vector<1x1x16xf32> to vector<16xf32>
      %swap3A_628 = vector.shape_cast %add3A_621 : vector<16xf32> to vector<1x1x16xf32>
      tpu.vector_store %arg8[%swap3A_623, %swap3A_624, %swap3A_625], %swap3A_628 {strides = array<i32>} : memref<3x256x128xf32, #tpu.memory_space<vmem>>, vector<1x1x16xf32>,
      %get3A_629 = arith.constant 0 : i32
      %get3A_630 = arith.index_cast %get3A_629 : i32 to index
      %get3A_631 = arith.index_cast %scan3A_573 : i32 to index
      %get3A_632 = arith.constant 64 : index
      %get3A_633 = tpu.vector_load %arg8[%get3A_630, %get3A_631, %get3A_632] {strides = array<i32>} : memref<3x256x128xf32, #tpu.memory_space<vmem>>, vector<1x1x16xf32>,
      %get3A_634 = vector.shape_cast %get3A_633 : vector<1x1x16xf32> to vector<16xf32>
      %add3A_635 = arith.addf %get3A_634, %get3A_128 : vector<16xf32>
      %swap3A_636 = arith.constant 0 : i32
      %swap3A_637 = arith.index_cast %swap3A_636 : i32 to index
      %swap3A_638 = arith.index_cast %scan3A_573 : i32 to index
      %swap3A_639 = arith.constant 64 : index
      %swap3A_640 = tpu.vector_load %arg8[%swap3A_637, %swap3A_638, %swap3A_639] {strides = array<i32>} : memref<3x256x128xf32, #tpu.memory_space<vmem>>, vector<1x1x16xf32>,
      %swap3A_641 = vector.shape_cast %swap3A_640 : vector<1x1x16xf32> to vector<16xf32>
      %swap3A_642 = vector.shape_cast %add3A_635 : vector<16xf32> to vector<1x1x16xf32>
      tpu.vector_store %arg8[%swap3A_637, %swap3A_638, %swap3A_639], %swap3A_642 {strides = array<i32>} : memref<3x256x128xf32, #tpu.memory_space<vmem>>, vector<1x1x16xf32>,
      %get3A_643 = arith.constant 0 : i32
      %get3A_644 = arith.index_cast %get3A_643 : i32 to index
      %get3A_645 = arith.index_cast %scan3A_573 : i32 to index
      %get3A_646 = arith.constant 80 : index
      %get3A_647 = tpu.vector_load %arg8[%get3A_644, %get3A_645, %get3A_646] {strides = array<i32>} : memref<3x256x128xf32, #tpu.memory_space<vmem>>, vector<1x1x16xf32>,
      %get3A_648 = vector.shape_cast %get3A_647 : vector<1x1x16xf32> to vector<16xf32>
      %add3A_649 = arith.addf %get3A_648, %get3A_132 : vector<16xf32>
      %swap3A_650 = arith.constant 0 : i32
      %swap3A_651 = arith.index_cast %swap3A_650 : i32 to index
      %swap3A_652 = arith.index_cast %scan3A_573 : i32 to index
      %swap3A_653 = arith.constant 80 : index
      %swap3A_654 = tpu.vector_load %arg8[%swap3A_651, %swap3A_652, %swap3A_653] {strides = array<i32>} : memref<3x256x128xf32, #tpu.memory_space<vmem>>, vector<1x1x16xf32>,
      %swap3A_655 = vector.shape_cast %swap3A_654 : vector<1x1x16xf32> to vector<16xf32>
      %swap3A_656 = vector.shape_cast %add3A_649 : vector<16xf32> to vector<1x1x16xf32>
      tpu.vector_store %arg8[%swap3A_651, %swap3A_652, %swap3A_653], %swap3A_656 {strides = array<i32>} : memref<3x256x128xf32, #tpu.memory_space<vmem>>, vector<1x1x16xf32>,
      %get3A_657 = arith.constant 0 : i32
      %get3A_658 = arith.index_cast %get3A_657 : i32 to index
      %get3A_659 = arith.index_cast %scan3A_573 : i32 to index
      %get3A_660 = arith.constant 96 : index
      %get3A_661 = tpu.vector_load %arg8[%get3A_658, %get3A_659, %get3A_660] {strides = array<i32>} : memref<3x256x128xf32, #tpu.memory_space<vmem>>, vector<1x1x16xf32>,
      %get3A_662 = vector.shape_cast %get3A_661 : vector<1x1x16xf32> to vector<16xf32>
      %add3A_663 = arith.addf %get3A_662, %get3A_136 : vector<16xf32>
      %swap3A_664 = arith.constant 0 : i32
      %swap3A_665 = arith.index_cast %swap3A_664 : i32 to index
      %swap3A_666 = arith.index_cast %scan3A_573 : i32 to index
      %swap3A_667 = arith.constant 96 : index
      %swap3A_668 = tpu.vector_load %arg8[%swap3A_665, %swap3A_666, %swap3A_667] {strides = array<i32>} : memref<3x256x128xf32, #tpu.memory_space<vmem>>, vector<1x1x16xf32>,
      %swap3A_669 = vector.shape_cast %swap3A_668 : vector<1x1x16xf32> to vector<16xf32>
      %swap3A_670 = vector.shape_cast %add3A_663 : vector<16xf32> to vector<1x1x16xf32>
      tpu.vector_store %arg8[%swap3A_665, %swap3A_666, %swap3A_667], %swap3A_670 {strides = array<i32>} : memref<3x256x128xf32, #tpu.memory_space<vmem>>, vector<1x1x16xf32>,
      %get3A_671 = arith.constant 0 : i32
      %get3A_672 = arith.index_cast %get3A_671 : i32 to index
      %get3A_673 = arith.index_cast %scan3A_573 : i32 to index
      %get3A_674 = arith.constant 112 : index
      %get3A_675 = tpu.vector_load %arg8[%get3A_672, %get3A_673, %get3A_674] {strides = array<i32>} : memref<3x256x128xf32, #tpu.memory_space<vmem>>, vector<1x1x16xf32>,
      %get3A_676 = vector.shape_cast %get3A_675 : vector<1x1x16xf32> to vector<16xf32>
      %add3A_677 = arith.addf %get3A_676, %get3A_140 : vector<16xf32>
      %swap3A_678 = arith.constant 0 : i32
      %swap3A_679 = arith.index_cast %swap3A_678 : i32 to index
      %swap3A_680 = arith.index_cast %scan3A_573 : i32 to index
      %swap3A_681 = arith.constant 112 : index
      %swap3A_682 = tpu.vector_load %arg8[%swap3A_679, %swap3A_680, %swap3A_681] {strides = array<i32>} : memref<3x256x128xf32, #tpu.memory_space<vmem>>, vector<1x1x16xf32>,
      %swap3A_683 = vector.shape_cast %swap3A_682 : vector<1x1x16xf32> to vector<16xf32>
      %swap3A_684 = vector.shape_cast %add3A_677 : vector<16xf32> to vector<1x1x16xf32>
      tpu.vector_store %arg8[%swap3A_679, %swap3A_680, %swap3A_681], %swap3A_684 {strides = array<i32>} : memref<3x256x128xf32, #tpu.memory_space<vmem>>, vector<1x1x16xf32>,
    }
    %scan3A_145 = arith.constant 256 : i32
    %add3A_146 = arith.constant 0 : i32
    %add3A_147 = arith.addi %mul3A_2, %add3A_146 : i32
    %dma_start3A_148 = arith.constant 0 : i32
    %dma_start3A_149 = arith.constant 0 : i32
    %dma_start3A_150 = arith.constant 0 : i32
    %dma_start3A_151 = tpu.memref_slice %arg8[%dma_start3A_148, %dma_start3A_149, %dma_start3A_150] : memref<3x256x128xf32, #tpu.memory_space<vmem>> -> memref<1x256x128xf32, #tpu.memory_space<vmem>>
    %dma_start3A_152 = tpu.memref_squeeze %dma_start3A_151 : memref<1x256x128xf32, #tpu.memory_space<vmem>> -> memref<256x128xf32, #tpu.memory_space<vmem>>
    %dma_start3A_153 = arith.constant 0 : i32
    %dma_start3A_154 = tpu.memref_slice %arg5[%add3A_147, %dma_start3A_153] : memref<204800x128xf32, #tpu.memory_space<hbm>> -> memref<256x128xf32, #tpu.memory_space<hbm>>
    %dma_start3A_155 = arith.constant 0 : i32
    %dma_start3A_156 = tpu.memref_slice %arg5[%add3A_147, %dma_start3A_155] : memref<204800x128xf32, #tpu.memory_space<hbm>> -> memref<256x128xf32, #tpu.memory_space<hbm>>
    %dma_start3A_157 = arith.constant 0 : i32
    %dma_start3A_158 = arith.constant 0 : i32
    %dma_start3A_159 = tpu.memref_slice %arg8[%dma_start3A_148, %dma_start3A_157, %dma_start3A_158] : memref<3x256x128xf32, #tpu.memory_space<vmem>> -> memref<1x256x128xf32, #tpu.memory_space<vmem>>
    %dma_start3A_160 = tpu.memref_squeeze %dma_start3A_159 : memref<1x256x128xf32, #tpu.memory_space<vmem>> -> memref<256x128xf32, #tpu.memory_space<vmem>>
    tpu.enqueue_dma source(%dma_start3A_160 : memref<256x128xf32, #tpu.memory_space<vmem>>) target(%dma_start3A_156 : memref<256x128xf32, #tpu.memory_space<hbm>>) target_semaphore(%arg12 : memref<!tpu.dma_semaphore, #tpu.memory_space<semaphore_mem>>)
    %dma_start3A_161 = arith.constant 2 : i32
    %dma_start3A_162 = arith.constant 0 : i32
    %dma_start3A_163 = arith.constant 0 : i32
    %dma_start3A_164 = tpu.memref_slice %arg8[%dma_start3A_161, %dma_start3A_162, %dma_start3A_163] : memref<3x256x128xf32, #tpu.memory_space<vmem>> -> memref<1x128x128xf32, #tpu.memory_space<vmem>>
    %dma_start3A_165 = tpu.memref_squeeze %dma_start3A_164 : memref<1x128x128xf32, #tpu.memory_space<vmem>> -> memref<128x128xf32, #tpu.memory_space<vmem>>
    %dma_start3A_166 = arith.constant 512 : i32
    %dma_start3A_167 = tpu.memref_slice %arg6[%dma_start3A_166] : memref<6400xi32, #tpu.memory_space<vmem>> -> memref<128xi32, #tpu.memory_space<vmem>>
    %dma_start3A_168 = arith.constant 0 : i32
    %dma_start3A_169 = arith.constant 0 : i32
    %dma_start3A_170 = tpu.memref_slice %arg3[%dma_start3A_168, %dma_start3A_169] : memref<100001x128xf32, #tpu.memory_space<hbm>> -> memref<100001x128xf32, #tpu.memory_space<hbm>>
    tpu.enqueue_indirect_dma source(%dma_start3A_170 : memref<100001x128xf32, #tpu.memory_space<hbm>>) target(%dma_start3A_165 : memref<128x128xf32, #tpu.memory_space<vmem>>) offsets(%dma_start3A_167 : memref<128xi32, #tpu.memory_space<vmem>>) semaphore(%arg11 : memref<!tpu.dma_semaphore, #tpu.memory_space<semaphore_mem>>)
    %dma_start3A_171 = arith.constant 2 : i32
    %dma_start3A_172 = arith.constant 128 : i32
    %dma_start3A_173 = arith.constant 0 : i32
    %dma_start3A_174 = tpu.memref_slice %arg8[%dma_start3A_171, %dma_start3A_172, %dma_start3A_173] : memref<3x256x128xf32, #tpu.memory_space<vmem>> -> memref<1x128x128xf32, #tpu.memory_space<vmem>>
    %dma_start3A_175 = tpu.memref_squeeze %dma_start3A_174 : memref<1x128x128xf32, #tpu.memory_space<vmem>> -> memref<128x128xf32, #tpu.memory_space<vmem>>
    %dma_start3A_176 = arith.constant 640 : i32
    %dma_start3A_177 = tpu.memref_slice %arg6[%dma_start3A_176] : memref<6400xi32, #tpu.memory_space<vmem>> -> memref<128xi32, #tpu.memory_space<vmem>>
    %dma_start3A_178 = arith.constant 0 : i32
    %dma_start3A_179 = arith.constant 0 : i32
    %dma_start3A_180 = tpu.memref_slice %arg3[%dma_start3A_178, %dma_start3A_179] : memref<100001x128xf32, #tpu.memory_space<hbm>> -> memref<100001x128xf32, #tpu.memory_space<hbm>>
    tpu.enqueue_indirect_dma source(%dma_start3A_180 : memref<100001x128xf32, #tpu.memory_space<hbm>>) target(%dma_start3A_175 : memref<128x128xf32, #tpu.memory_space<vmem>>) offsets(%dma_start3A_177 : memref<128xi32, #tpu.memory_space<vmem>>) semaphore(%arg11 : memref<!tpu.dma_semaphore, #tpu.memory_space<semaphore_mem>>)
    %dma_wait3A_181 = arith.constant 1 : i32
    %dma_wait3A_182 = arith.constant 0 : i32
    %dma_wait3A_183 = arith.constant 0 : i32
    %dma_wait3A_184 = tpu.memref_slice %arg8[%dma_wait3A_181, %dma_wait3A_182, %dma_wait3A_183] : memref<3x256x128xf32, #tpu.memory_space<vmem>> -> memref<1x128x128xf32, #tpu.memory_space<vmem>>
    %dma_wait3A_185 = tpu.memref_squeeze %dma_wait3A_184 : memref<1x128x128xf32, #tpu.memory_space<vmem>> -> memref<128x128xf32, #tpu.memory_space<vmem>>
    %dma_wait3A_186 = arith.constant 256 : i32
    %dma_wait3A_187 = tpu.memref_slice %arg6[%dma_wait3A_186] : memref<6400xi32, #tpu.memory_space<vmem>> -> memref<128xi32, #tpu.memory_space<vmem>>
    %dma_wait3A_188 = arith.constant 0 : i32
    %dma_wait3A_189 = arith.constant 0 : i32
    %dma_wait3A_190 = tpu.memref_slice %arg3[%dma_wait3A_188, %dma_wait3A_189] : memref<100001x128xf32, #tpu.memory_space<hbm>> -> memref<100001x128xf32, #tpu.memory_space<hbm>>
    tpu.wait_indirect_dma semaphore(%arg10 : memref<!tpu.dma_semaphore, #tpu.memory_space<semaphore_mem>>) src(%dma_wait3A_190 : memref<100001x128xf32, #tpu.memory_space<hbm>>) dst(%dma_wait3A_185 : memref<128x128xf32, #tpu.memory_space<vmem>>)
    %dma_wait3A_191 = arith.constant 1 : i32
    %dma_wait3A_192 = arith.constant 128 : i32
    %dma_wait3A_193 = arith.constant 0 : i32
    %dma_wait3A_194 = tpu.memref_slice %arg8[%dma_wait3A_191, %dma_wait3A_192, %dma_wait3A_193] : memref<3x256x128xf32, #tpu.memory_space<vmem>> -> memref<1x128x128xf32, #tpu.memory_space<vmem>>
    %dma_wait3A_195 = tpu.memref_squeeze %dma_wait3A_194 : memref<1x128x128xf32, #tpu.memory_space<vmem>> -> memref<128x128xf32, #tpu.memory_space<vmem>>
    %dma_wait3A_196 = arith.constant 384 : i32
    %dma_wait3A_197 = tpu.memref_slice %arg6[%dma_wait3A_196] : memref<6400xi32, #tpu.memory_space<vmem>> -> memref<128xi32, #tpu.memory_space<vmem>>
    %dma_wait3A_198 = arith.constant 0 : i32
    %dma_wait3A_199 = arith.constant 0 : i32
    %dma_wait3A_200 = tpu.memref_slice %arg3[%dma_wait3A_198, %dma_wait3A_199] : memref<100001x128xf32, #tpu.memory_space<hbm>> -> memref<100001x128xf32, #tpu.memory_space<hbm>>
    tpu.wait_indirect_dma semaphore(%arg10 : memref<!tpu.dma_semaphore, #tpu.memory_space<semaphore_mem>>) src(%dma_wait3A_200 : memref<100001x128xf32, #tpu.memory_space<hbm>>) dst(%dma_wait3A_195 : memref<128x128xf32, #tpu.memory_space<vmem>>)
    %mul3A_201 = arith.constant 25 : i32
    %mul3A_202 = arith.muli %mul3A_201, %add3A : i32
    %add3A_203 = arith.constant 1 : i32
    %add3A_204 = arith.addi %mul3A_202, %add3A_203 : i32
    %jit3A_205 = arith.constant 16 : i32
    %div3A_206 = arith.divsi %add3A_204, %jit3A_205 : i32
    %sign3A_207 = arith.constant 0 : i32
    %sign3A_208 = arith.cmpi sgt, %add3A_204, %sign3A_207 : i32
    %sign3A_209 = arith.extui %sign3A_208 : i1 to i32
    %sign3A_210 = arith.constant 0 : i32
    %sign3A_211 = arith.cmpi slt, %add3A_204, %sign3A_210 : i32
    %sign3A_212 = arith.extui %sign3A_211 : i1 to i32
    %sign3A_213 = arith.subi %sign3A_209, %sign3A_212 : i32
    %sign3A_214 = arith.constant 0 : i32
    %sign3A_215 = arith.cmpi sgt, %jit3A_205, %sign3A_214 : i32
    %sign3A_216 = arith.extui %sign3A_215 : i1 to i32
    %sign3A_217 = arith.constant 0 : i32
    %sign3A_218 = arith.cmpi slt, %jit3A_205, %sign3A_217 : i32
    %sign3A_219 = arith.extui %sign3A_218 : i1 to i32
    %sign3A_220 = arith.subi %sign3A_216, %sign3A_219 : i32
    %ne3A_221 = arith.cmpi ne, %sign3A_213, %sign3A_220 : i32
    %rem3A_222 = arith.remsi %add3A_204, %jit3A_205 : i32
    %ne3A_223 = arith.constant 0 : i32
    %ne3A_224 = arith.cmpi ne, %rem3A_222, %ne3A_223 : i32
    %and3A_225 = arith.andi %ne3A_221, %ne3A_224 : i1
    %sub3A_226 = arith.constant 1 : i32
    %sub3A_227 = arith.subi %div3A_206, %sub3A_226 : i32
    %select_n3A_228 = arith.select %and3A_225, %sub3A_227, %div3A_206 : i32
    %sub3A_229 = arith.subi %select_n3A_228, %multiple_of3A : i32
    %get3A_230 = arith.index_cast %sub3A_229 : i32 to index
    %get3A_231 = arith.constant 0 : index
    %get3A_232 = tpu.vector_load %arg7[%get3A_230, %get3A_231] {strides = array<i32>} : memref<16x128xf32, #tpu.memory_space<vmem>>, vector<1x16xf32>,
    %get3A_233 = vector.shape_cast %get3A_232 : vector<1x16xf32> to vector<16xf32>
    %get3A_234 = arith.index_cast %sub3A_229 : i32 to index
    %get3A_235 = arith.constant 16 : index
    %get3A_236 = tpu.vector_load %arg7[%get3A_234, %get3A_235] {strides = array<i32>} : memref<16x128xf32, #tpu.memory_space<vmem>>, vector<1x16xf32>,
    %get3A_237 = vector.shape_cast %get3A_236 : vector<1x16xf32> to vector<16xf32>
    %get3A_238 = arith.index_cast %sub3A_229 : i32 to index
    %get3A_239 = arith.constant 32 : index
    %get3A_240 = tpu.vector_load %arg7[%get3A_238, %get3A_239] {strides = array<i32>} : memref<16x128xf32, #tpu.memory_space<vmem>>, vector<1x16xf32>,
    %get3A_241 = vector.shape_cast %get3A_240 : vector<1x16xf32> to vector<16xf32>
    %get3A_242 = arith.index_cast %sub3A_229 : i32 to index
    %get3A_243 = arith.constant 48 : index
    %get3A_244 = tpu.vector_load %arg7[%get3A_242, %get3A_243] {strides = array<i32>} : memref<16x128xf32, #tpu.memory_space<vmem>>, vector<1x16xf32>,
    %get3A_245 = vector.shape_cast %get3A_244 : vector<1x16xf32> to vector<16xf32>
    %get3A_246 = arith.index_cast %sub3A_229 : i32 to index
    %get3A_247 = arith.constant 64 : index
    %get3A_248 = tpu.vector_load %arg7[%get3A_246, %get3A_247] {strides = array<i32>} : memref<16x128xf32, #tpu.memory_space<vmem>>, vector<1x16xf32>,
    %get3A_249 = vector.shape_cast %get3A_248 : vector<1x16xf32> to vector<16xf32>
    %get3A_250 = arith.index_cast %sub3A_229 : i32 to index
    %get3A_251 = arith.constant 80 : index
    %get3A_252 = tpu.vector_load %arg7[%get3A_250, %get3A_251] {strides = array<i32>} : memref<16x128xf32, #tpu.memory_space<vmem>>, vector<1x16xf32>,
    %get3A_253 = vector.shape_cast %get3A_252 : vector<1x16xf32> to vector<16xf32>
    %get3A_254 = arith.index_cast %sub3A_229 : i32 to index
    %get3A_255 = arith.constant 96 : index
    %get3A_256 = tpu.vector_load %arg7[%get3A_254, %get3A_255] {strides = array<i32>} : memref<16x128xf32, #tpu.memory_space<vmem>>, vector<1x16xf32>,
    %get3A_257 = vector.shape_cast %get3A_256 : vector<1x16xf32> to vector<16xf32>
    %get3A_258 = arith.index_cast %sub3A_229 : i32 to index
    %get3A_259 = arith.constant 112 : index
    %get3A_260 = tpu.vector_load %arg7[%get3A_258, %get3A_259] {strides = array<i32>} : memref<16x128xf32, #tpu.memory_space<vmem>>, vector<1x16xf32>,
    %get3A_261 = vector.shape_cast %get3A_260 : vector<1x16xf32> to vector<16xf32>
    %scan3A_262 = arith.constant 0 : i32
    %scan3A_263 = arith.constant 0 : i32
    %scan3A_264 = arith.constant 256 : i32
    %scan3A_265 = arith.addi %scan3A_263, %scan3A_264 : i32
    %scan3A_266 = arith.constant 1 : i32
    scf.for %scan3A_573 = %scan3A_263 to %scan3A_265 step %scan3A_266  : i32 {
      %get3A_574 = arith.constant 1 : i32
      %get3A_575 = arith.index_cast %get3A_574 : i32 to index
      %get3A_576 = arith.index_cast %scan3A_573 : i32 to index
      %get3A_577 = arith.constant 0 : index
      %get3A_578 = tpu.vector_load %arg8[%get3A_575, %get3A_576, %get3A_577] {strides = array<i32>} : memref<3x256x128xf32, #tpu.memory_space<vmem>>, vector<1x1x16xf32>,
      %get3A_579 = vector.shape_cast %get3A_578 : vector<1x1x16xf32> to vector<16xf32>
      %add3A_580 = arith.addf %get3A_579, %get3A_233 : vector<16xf32>
      %swap3A = arith.constant 1 : i32
      %swap3A_581 = arith.index_cast %swap3A : i32 to index
      %swap3A_582 = arith.index_cast %scan3A_573 : i32 to index
      %swap3A_583 = arith.constant 0 : index
      %swap3A_584 = tpu.vector_load %arg8[%swap3A_581, %swap3A_582, %swap3A_583] {strides = array<i32>} : memref<3x256x128xf32, #tpu.memory_space<vmem>>, vector<1x1x16xf32>,
      %swap3A_585 = vector.shape_cast %swap3A_584 : vector<1x1x16xf32> to vector<16xf32>
      %swap3A_586 = vector.shape_cast %add3A_580 : vector<16xf32> to vector<1x1x16xf32>
      tpu.vector_store %arg8[%swap3A_581, %swap3A_582, %swap3A_583], %swap3A_586 {strides = array<i32>} : memref<3x256x128xf32, #tpu.memory_space<vmem>>, vector<1x1x16xf32>,
      %get3A_587 = arith.constant 1 : i32
      %get3A_588 = arith.index_cast %get3A_587 : i32 to index
      %get3A_589 = arith.index_cast %scan3A_573 : i32 to index
      %get3A_590 = arith.constant 16 : index
      %get3A_591 = tpu.vector_load %arg8[%get3A_588, %get3A_589, %get3A_590] {strides = array<i32>} : memref<3x256x128xf32, #tpu.memory_space<vmem>>, vector<1x1x16xf32>,
      %get3A_592 = vector.shape_cast %get3A_591 : vector<1x1x16xf32> to vector<16xf32>
      %add3A_593 = arith.addf %get3A_592, %get3A_237 : vector<16xf32>
      %swap3A_594 = arith.constant 1 : i32
      %swap3A_595 = arith.index_cast %swap3A_594 : i32 to index
      %swap3A_596 = arith.index_cast %scan3A_573 : i32 to index
      %swap3A_597 = arith.constant 16 : index
      %swap3A_598 = tpu.vector_load %arg8[%swap3A_595, %swap3A_596, %swap3A_597] {strides = array<i32>} : memref<3x256x128xf32, #tpu.memory_space<vmem>>, vector<1x1x16xf32>,
      %swap3A_599 = vector.shape_cast %swap3A_598 : vector<1x1x16xf32> to vector<16xf32>
      %swap3A_600 = vector.shape_cast %add3A_593 : vector<16xf32> to vector<1x1x16xf32>
      tpu.vector_store %arg8[%swap3A_595, %swap3A_596, %swap3A_597], %swap3A_600 {strides = array<i32>} : memref<3x256x128xf32, #tpu.memory_space<vmem>>, vector<1x1x16xf32>,
      %get3A_601 = arith.constant 1 : i32
      %get3A_602 = arith.index_cast %get3A_601 : i32 to index
      %get3A_603 = arith.index_cast %scan3A_573 : i32 to index
      %get3A_604 = arith.constant 32 : index
      %get3A_605 = tpu.vector_load %arg8[%get3A_602, %get3A_603, %get3A_604] {strides = array<i32>} : memref<3x256x128xf32, #tpu.memory_space<vmem>>, vector<1x1x16xf32>,
      %get3A_606 = vector.shape_cast %get3A_605 : vector<1x1x16xf32> to vector<16xf32>
      %add3A_607 = arith.addf %get3A_606, %get3A_241 : vector<16xf32>
      %swap3A_608 = arith.constant 1 : i32
      %swap3A_609 = arith.index_cast %swap3A_608 : i32 to index
      %swap3A_610 = arith.index_cast %scan3A_573 : i32 to index
      %swap3A_611 = arith.constant 32 : index
      %swap3A_612 = tpu.vector_load %arg8[%swap3A_609, %swap3A_610, %swap3A_611] {strides = array<i32>} : memref<3x256x128xf32, #tpu.memory_space<vmem>>, vector<1x1x16xf32>,
      %swap3A_613 = vector.shape_cast %swap3A_612 : vector<1x1x16xf32> to vector<16xf32>
      %swap3A_614 = vector.shape_cast %add3A_607 : vector<16xf32> to vector<1x1x16xf32>
      tpu.vector_store %arg8[%swap3A_609, %swap3A_610, %swap3A_611], %swap3A_614 {strides = array<i32>} : memref<3x256x128xf32, #tpu.memory_space<vmem>>, vector<1x1x16xf32>,
      %get3A_615 = arith.constant 1 : i32
      %get3A_616 = arith.index_cast %get3A_615 : i32 to index
      %get3A_617 = arith.index_cast %scan3A_573 : i32 to index
      %get3A_618 = arith.constant 48 : index
      %get3A_619 = tpu.vector_load %arg8[%get3A_616, %get3A_617, %get3A_618] {strides = array<i32>} : memref<3x256x128xf32, #tpu.memory_space<vmem>>, vector<1x1x16xf32>,
      %get3A_620 = vector.shape_cast %get3A_619 : vector<1x1x16xf32> to vector<16xf32>
      %add3A_621 = arith.addf %get3A_620, %get3A_245 : vector<16xf32>
      %swap3A_622 = arith.constant 1 : i32
      %swap3A_623 = arith.index_cast %swap3A_622 : i32 to index
      %swap3A_624 = arith.index_cast %scan3A_573 : i32 to index
      %swap3A_625 = arith.constant 48 : index
      %swap3A_626 = tpu.vector_load %arg8[%swap3A_623, %swap3A_624, %swap3A_625] {strides = array<i32>} : memref<3x256x128xf32, #tpu.memory_space<vmem>>, vector<1x1x16xf32>,
      %swap3A_627 = vector.shape_cast %swap3A_626 : vector<1x1x16xf32> to vector<16xf32>
      %swap3A_628 = vector.shape_cast %add3A_621 : vector<16xf32> to vector<1x1x16xf32>
      tpu.vector_store %arg8[%swap3A_623, %swap3A_624, %swap3A_625], %swap3A_628 {strides = array<i32>} : memref<3x256x128xf32, #tpu.memory_space<vmem>>, vector<1x1x16xf32>,
      %get3A_629 = arith.constant 1 : i32
      %get3A_630 = arith.index_cast %get3A_629 : i32 to index
      %get3A_631 = arith.index_cast %scan3A_573 : i32 to index
      %get3A_632 = arith.constant 64 : index
      %get3A_633 = tpu.vector_load %arg8[%get3A_630, %get3A_631, %get3A_632] {strides = array<i32>} : memref<3x256x128xf32, #tpu.memory_space<vmem>>, vector<1x1x16xf32>,
      %get3A_634 = vector.shape_cast %get3A_633 : vector<1x1x16xf32> to vector<16xf32>
      %add3A_635 = arith.addf %get3A_634, %get3A_249 : vector<16xf32>
      %swap3A_636 = arith.constant 1 : i32
      %swap3A_637 = arith.index_cast %swap3A_636 : i32 to index
      %swap3A_638 = arith.index_cast %scan3A_573 : i32 to index
      %swap3A_639 = arith.constant 64 : index
      %swap3A_640 = tpu.vector_load %arg8[%swap3A_637, %swap3A_638, %swap3A_639] {strides = array<i32>} : memref<3x256x128xf32, #tpu.memory_space<vmem>>, vector<1x1x16xf32>,
      %swap3A_641 = vector.shape_cast %swap3A_640 : vector<1x1x16xf32> to vector<16xf32>
      %swap3A_642 = vector.shape_cast %add3A_635 : vector<16xf32> to vector<1x1x16xf32>
      tpu.vector_store %arg8[%swap3A_637, %swap3A_638, %swap3A_639], %swap3A_642 {strides = array<i32>} : memref<3x256x128xf32, #tpu.memory_space<vmem>>, vector<1x1x16xf32>,
      %get3A_643 = arith.constant 1 : i32
      %get3A_644 = arith.index_cast %get3A_643 : i32 to index
      %get3A_645 = arith.index_cast %scan3A_573 : i32 to index
      %get3A_646 = arith.constant 80 : index
      %get3A_647 = tpu.vector_load %arg8[%get3A_644, %get3A_645, %get3A_646] {strides = array<i32>} : memref<3x256x128xf32, #tpu.memory_space<vmem>>, vector<1x1x16xf32>,
      %get3A_648 = vector.shape_cast %get3A_647 : vector<1x1x16xf32> to vector<16xf32>
      %add3A_649 = arith.addf %get3A_648, %get3A_253 : vector<16xf32>
      %swap3A_650 = arith.constant 1 : i32
      %swap3A_651 = arith.index_cast %swap3A_650 : i32 to index
      %swap3A_652 = arith.index_cast %scan3A_573 : i32 to index
      %swap3A_653 = arith.constant 80 : index
      %swap3A_654 = tpu.vector_load %arg8[%swap3A_651, %swap3A_652, %swap3A_653] {strides = array<i32>} : memref<3x256x128xf32, #tpu.memory_space<vmem>>, vector<1x1x16xf32>,
      %swap3A_655 = vector.shape_cast %swap3A_654 : vector<1x1x16xf32> to vector<16xf32>
      %swap3A_656 = vector.shape_cast %add3A_649 : vector<16xf32> to vector<1x1x16xf32>
      tpu.vector_store %arg8[%swap3A_651, %swap3A_652, %swap3A_653], %swap3A_656 {strides = array<i32>} : memref<3x256x128xf32, #tpu.memory_space<vmem>>, vector<1x1x16xf32>,
      %get3A_657 = arith.constant 1 : i32
      %get3A_658 = arith.index_cast %get3A_657 : i32 to index
      %get3A_659 = arith.index_cast %scan3A_573 : i32 to index
      %get3A_660 = arith.constant 96 : index
      %get3A_661 = tpu.vector_load %arg8[%get3A_658, %get3A_659, %get3A_660] {strides = array<i32>} : memref<3x256x128xf32, #tpu.memory_space<vmem>>, vector<1x1x16xf32>,
      %get3A_662 = vector.shape_cast %get3A_661 : vector<1x1x16xf32> to vector<16xf32>
      %add3A_663 = arith.addf %get3A_662, %get3A_257 : vector<16xf32>
      %swap3A_664 = arith.constant 1 : i32
      %swap3A_665 = arith.index_cast %swap3A_664 : i32 to index
      %swap3A_666 = arith.index_cast %scan3A_573 : i32 to index
      %swap3A_667 = arith.constant 96 : index
      %swap3A_668 = tpu.vector_load %arg8[%swap3A_665, %swap3A_666, %swap3A_667] {strides = array<i32>} : memref<3x256x128xf32, #tpu.memory_space<vmem>>, vector<1x1x16xf32>,
      %swap3A_669 = vector.shape_cast %swap3A_668 : vector<1x1x16xf32> to vector<16xf32>
      %swap3A_670 = vector.shape_cast %add3A_663 : vector<16xf32> to vector<1x1x16xf32>
      tpu.vector_store %arg8[%swap3A_665, %swap3A_666, %swap3A_667], %swap3A_670 {strides = array<i32>} : memref<3x256x128xf32, #tpu.memory_space<vmem>>, vector<1x1x16xf32>,
      %get3A_671 = arith.constant 1 : i32
      %get3A_672 = arith.index_cast %get3A_671 : i32 to index
      %get3A_673 = arith.index_cast %scan3A_573 : i32 to index
      %get3A_674 = arith.constant 112 : index
      %get3A_675 = tpu.vector_load %arg8[%get3A_672, %get3A_673, %get3A_674] {strides = array<i32>} : memref<3x256x128xf32, #tpu.memory_space<vmem>>, vector<1x1x16xf32>,
      %get3A_676 = vector.shape_cast %get3A_675 : vector<1x1x16xf32> to vector<16xf32>
      %add3A_677 = arith.addf %get3A_676, %get3A_261 : vector<16xf32>
      %swap3A_678 = arith.constant 1 : i32
      %swap3A_679 = arith.index_cast %swap3A_678 : i32 to index
      %swap3A_680 = arith.index_cast %scan3A_573 : i32 to index
      %swap3A_681 = arith.constant 112 : index
      %swap3A_682 = tpu.vector_load %arg8[%swap3A_679, %swap3A_680, %swap3A_681] {strides = array<i32>} : memref<3x256x128xf32, #tpu.memory_space<vmem>>, vector<1x1x16xf32>,
      %swap3A_683 = vector.shape_cast %swap3A_682 : vector<1x1x16xf32> to vector<16xf32>
      %swap3A_684 = vector.shape_cast %add3A_677 : vector<16xf32> to vector<1x1x16xf32>
      tpu.vector_store %arg8[%swap3A_679, %swap3A_680, %swap3A_681], %swap3A_684 {strides = array<i32>} : memref<3x256x128xf32, #tpu.memory_space<vmem>>, vector<1x1x16xf32>,
    }
    %scan3A_267 = arith.constant 256 : i32
    %add3A_268 = arith.constant 256 : i32
    %add3A_269 = arith.addi %mul3A_2, %add3A_268 : i32
    %dma_start3A_270 = arith.constant 1 : i32
    %dma_start3A_271 = arith.constant 0 : i32
    %dma_start3A_272 = arith.constant 0 : i32
    %dma_start3A_273 = tpu.memref_slice %arg8[%dma_start3A_270, %dma_start3A_271, %dma_start3A_272] : memref<3x256x128xf32, #tpu.memory_space<vmem>> -> memref<1x256x128xf32, #tpu.memory_space<vmem>>
    %dma_start3A_274 = tpu.memref_squeeze %dma_start3A_273 : memref<1x256x128xf32, #tpu.memory_space<vmem>> -> memref<256x128xf32, #tpu.memory_space<vmem>>
    %dma_start3A_275 = arith.constant 0 : i32
    %dma_start3A_276 = tpu.memref_slice %arg5[%add3A_269, %dma_start3A_275] : memref<204800x128xf32, #tpu.memory_space<hbm>> -> memref<256x128xf32, #tpu.memory_space<hbm>>
    %dma_start3A_277 = arith.constant 0 : i32
    %dma_start3A_278 = tpu.memref_slice %arg5[%add3A_269, %dma_start3A_277] : memref<204800x128xf32, #tpu.memory_space<hbm>> -> memref<256x128xf32, #tpu.memory_space<hbm>>
    %dma_start3A_279 = arith.constant 0 : i32
    %dma_start3A_280 = arith.constant 0 : i32
    %dma_start3A_281 = tpu.memref_slice %arg8[%dma_start3A_270, %dma_start3A_279, %dma_start3A_280] : memref<3x256x128xf32, #tpu.memory_space<vmem>> -> memref<1x256x128xf32, #tpu.memory_space<vmem>>
    %dma_start3A_282 = tpu.memref_squeeze %dma_start3A_281 : memref<1x256x128xf32, #tpu.memory_space<vmem>> -> memref<256x128xf32, #tpu.memory_space<vmem>>
    tpu.enqueue_dma source(%dma_start3A_282 : memref<256x128xf32, #tpu.memory_space<vmem>>) target(%dma_start3A_278 : memref<256x128xf32, #tpu.memory_space<hbm>>) target_semaphore(%arg13 : memref<!tpu.dma_semaphore, #tpu.memory_space<semaphore_mem>>)
    %dma_wait3A_283 = arith.constant 0 : i32
    %dma_wait3A_284 = arith.constant 0 : i32
    %dma_wait3A_285 = arith.constant 0 : i32
    %dma_wait3A_286 = tpu.memref_slice %arg8[%dma_wait3A_283, %dma_wait3A_284, %dma_wait3A_285] : memref<3x256x128xf32, #tpu.memory_space<vmem>> -> memref<1x256x128xf32, #tpu.memory_space<vmem>>
    %dma_wait3A_287 = tpu.memref_squeeze %dma_wait3A_286 : memref<1x256x128xf32, #tpu.memory_space<vmem>> -> memref<256x128xf32, #tpu.memory_space<vmem>>
    %dma_wait3A_288 = arith.constant 0 : i32
    %dma_wait3A_289 = arith.constant 0 : i32
    %dma_wait3A_290 = tpu.memref_slice %arg5[%dma_wait3A_288, %dma_wait3A_289] : memref<204800x128xf32, #tpu.memory_space<hbm>> -> memref<256x128xf32, #tpu.memory_space<hbm>>
    %dma_wait3A_291 = arith.constant 0 : i32
    %dma_wait3A_292 = arith.constant 0 : i32
    %dma_wait3A_293 = tpu.memref_slice %arg5[%dma_wait3A_291, %dma_wait3A_292] : memref<204800x128xf32, #tpu.memory_space<hbm>> -> memref<256x128xf32, #tpu.memory_space<hbm>>
    %dma_wait3A_294 = arith.constant 0 : i32
    %dma_wait3A_295 = arith.constant 0 : i32
    %dma_wait3A_296 = tpu.memref_slice %arg8[%dma_wait3A_283, %dma_wait3A_294, %dma_wait3A_295] : memref<3x256x128xf32, #tpu.memory_space<vmem>> -> memref<1x256x128xf32, #tpu.memory_space<vmem>>
    %dma_wait3A_297 = tpu.memref_squeeze %dma_wait3A_296 : memref<1x256x128xf32, #tpu.memory_space<vmem>> -> memref<256x128xf32, #tpu.memory_space<vmem>>
    tpu.wait_dma2 semaphore(%arg12 : memref<!tpu.dma_semaphore, #tpu.memory_space<semaphore_mem>>) src(%dma_wait3A_297 : memref<256x128xf32, #tpu.memory_space<vmem>>) dst(%dma_wait3A_293 : memref<256x128xf32, #tpu.memory_space<hbm>>)
    %dma_start3A_298 = arith.constant 0 : i32
    %dma_start3A_299 = arith.constant 0 : i32
    %dma_start3A_300 = arith.constant 0 : i32
    %dma_start3A_301 = tpu.memref_slice %arg8[%dma_start3A_298, %dma_start3A_299, %dma_start3A_300] : memref<3x256x128xf32, #tpu.memory_space<vmem>> -> memref<1x128x128xf32, #tpu.memory_space<vmem>>
    %dma_start3A_302 = tpu.memref_squeeze %dma_start3A_301 : memref<1x128x128xf32, #tpu.memory_space<vmem>> -> memref<128x128xf32, #tpu.memory_space<vmem>>
    %dma_start3A_303 = arith.constant 768 : i32
    %dma_start3A_304 = tpu.memref_slice %arg6[%dma_start3A_303] : memref<6400xi32, #tpu.memory_space<vmem>> -> memref<128xi32, #tpu.memory_space<vmem>>
    %dma_start3A_305 = arith.constant 0 : i32
    %dma_start3A_306 = arith.constant 0 : i32
    %dma_start3A_307 = tpu.memref_slice %arg3[%dma_start3A_305, %dma_start3A_306] : memref<100001x128xf32, #tpu.memory_space<hbm>> -> memref<100001x128xf32, #tpu.memory_space<hbm>>
    tpu.enqueue_indirect_dma source(%dma_start3A_307 : memref<100001x128xf32, #tpu.memory_space<hbm>>) target(%dma_start3A_302 : memref<128x128xf32, #tpu.memory_space<vmem>>) offsets(%dma_start3A_304 : memref<128xi32, #tpu.memory_space<vmem>>) semaphore(%arg9 : memref<!tpu.dma_semaphore, #tpu.memory_space<semaphore_mem>>)
    %dma_start3A_308 = arith.constant 0 : i32
    %dma_start3A_309 = arith.constant 128 : i32
    %dma_start3A_310 = arith.constant 0 : i32
    %dma_start3A_311 = tpu.memref_slice %arg8[%dma_start3A_308, %dma_start3A_309, %dma_start3A_310] : memref<3x256x128xf32, #tpu.memory_space<vmem>> -> memref<1x128x128xf32, #tpu.memory_space<vmem>>
    %dma_start3A_312 = tpu.memref_squeeze %dma_start3A_311 : memref<1x128x128xf32, #tpu.memory_space<vmem>> -> memref<128x128xf32, #tpu.memory_space<vmem>>
    %dma_start3A_313 = arith.constant 896 : i32
    %dma_start3A_314 = tpu.memref_slice %arg6[%dma_start3A_313] : memref<6400xi32, #tpu.memory_space<vmem>> -> memref<128xi32, #tpu.memory_space<vmem>>
    %dma_start3A_315 = arith.constant 0 : i32
    %dma_start3A_316 = arith.constant 0 : i32
    %dma_start3A_317 = tpu.memref_slice %arg3[%dma_start3A_315, %dma_start3A_316] : memref<100001x128xf32, #tpu.memory_space<hbm>> -> memref<100001x128xf32, #tpu.memory_space<hbm>>
    tpu.enqueue_indirect_dma source(%dma_start3A_317 : memref<100001x128xf32, #tpu.memory_space<hbm>>) target(%dma_start3A_312 : memref<128x128xf32, #tpu.memory_space<vmem>>) offsets(%dma_start3A_314 : memref<128xi32, #tpu.memory_space<vmem>>) semaphore(%arg9 : memref<!tpu.dma_semaphore, #tpu.memory_space<semaphore_mem>>)
    %dma_wait3A_318 = arith.constant 2 : i32
    %dma_wait3A_319 = arith.constant 0 : i32
    %dma_wait3A_320 = arith.constant 0 : i32
    %dma_wait3A_321 = tpu.memref_slice %arg8[%dma_wait3A_318, %dma_wait3A_319, %dma_wait3A_320] : memref<3x256x128xf32, #tpu.memory_space<vmem>> -> memref<1x128x128xf32, #tpu.memory_space<vmem>>
    %dma_wait3A_322 = tpu.memref_squeeze %dma_wait3A_321 : memref<1x128x128xf32, #tpu.memory_space<vmem>> -> memref<128x128xf32, #tpu.memory_space<vmem>>
    %dma_wait3A_323 = arith.constant 512 : i32
    %dma_wait3A_324 = tpu.memref_slice %arg6[%dma_wait3A_323] : memref<6400xi32, #tpu.memory_space<vmem>> -> memref<128xi32, #tpu.memory_space<vmem>>
    %dma_wait3A_325 = arith.constant 0 : i32
    %dma_wait3A_326 = arith.constant 0 : i32
    %dma_wait3A_327 = tpu.memref_slice %arg3[%dma_wait3A_325, %dma_wait3A_326] : memref<100001x128xf32, #tpu.memory_space<hbm>> -> memref<100001x128xf32, #tpu.memory_space<hbm>>
    tpu.wait_indirect_dma semaphore(%arg11 : memref<!tpu.dma_semaphore, #tpu.memory_space<semaphore_mem>>) src(%dma_wait3A_327 : memref<100001x128xf32, #tpu.memory_space<hbm>>) dst(%dma_wait3A_322 : memref<128x128xf32, #tpu.memory_space<vmem>>)
    %dma_wait3A_328 = arith.constant 2 : i32
    %dma_wait3A_329 = arith.constant 128 : i32
    %dma_wait3A_330 = arith.constant 0 : i32
    %dma_wait3A_331 = tpu.memref_slice %arg8[%dma_wait3A_328, %dma_wait3A_329, %dma_wait3A_330] : memref<3x256x128xf32, #tpu.memory_space<vmem>> -> memref<1x128x128xf32, #tpu.memory_space<vmem>>
    %dma_wait3A_332 = tpu.memref_squeeze %dma_wait3A_331 : memref<1x128x128xf32, #tpu.memory_space<vmem>> -> memref<128x128xf32, #tpu.memory_space<vmem>>
    %dma_wait3A_333 = arith.constant 640 : i32
    %dma_wait3A_334 = tpu.memref_slice %arg6[%dma_wait3A_333] : memref<6400xi32, #tpu.memory_space<vmem>> -> memref<128xi32, #tpu.memory_space<vmem>>
    %dma_wait3A_335 = arith.constant 0 : i32
    %dma_wait3A_336 = arith.constant 0 : i32
    %dma_wait3A_337 = tpu.memref_slice %arg3[%dma_wait3A_335, %dma_wait3A_336] : memref<100001x128xf32, #tpu.memory_space<hbm>> -> memref<100001x128xf32, #tpu.memory_space<hbm>>
    tpu.wait_indirect_dma semaphore(%arg11 : memref<!tpu.dma_semaphore, #tpu.memory_space<semaphore_mem>>) src(%dma_wait3A_337 : memref<100001x128xf32, #tpu.memory_space<hbm>>) dst(%dma_wait3A_332 : memref<128x128xf32, #tpu.memory_space<vmem>>)
    %mul3A_338 = arith.constant 25 : i32
    %mul3A_339 = arith.muli %mul3A_338, %add3A : i32
    %add3A_340 = arith.constant 2 : i32
    %add3A_341 = arith.addi %mul3A_339, %add3A_340 : i32
    %jit3A_342 = arith.constant 16 : i32
    %div3A_343 = arith.divsi %add3A_341, %jit3A_342 : i32
    %sign3A_344 = arith.constant 0 : i32
    %sign3A_345 = arith.cmpi sgt, %add3A_341, %sign3A_344 : i32
    %sign3A_346 = arith.extui %sign3A_345 : i1 to i32
    %sign3A_347 = arith.constant 0 : i32
    %sign3A_348 = arith.cmpi slt, %add3A_341, %sign3A_347 : i32
    %sign3A_349 = arith.extui %sign3A_348 : i1 to i32
    %sign3A_350 = arith.subi %sign3A_346, %sign3A_349 : i32
    %sign3A_351 = arith.constant 0 : i32
    %sign3A_352 = arith.cmpi sgt, %jit3A_342, %sign3A_351 : i32
    %sign3A_353 = arith.extui %sign3A_352 : i1 to i32
    %sign3A_354 = arith.constant 0 : i32
    %sign3A_355 = arith.cmpi slt, %jit3A_342, %sign3A_354 : i32
    %sign3A_356 = arith.extui %sign3A_355 : i1 to i32
    %sign3A_357 = arith.subi %sign3A_353, %sign3A_356 : i32
    %ne3A_358 = arith.cmpi ne, %sign3A_350, %sign3A_357 : i32
    %rem3A_359 = arith.remsi %add3A_341, %jit3A_342 : i32
    %ne3A_360 = arith.constant 0 : i32
    %ne3A_361 = arith.cmpi ne, %rem3A_359, %ne3A_360 : i32
    %and3A_362 = arith.andi %ne3A_358, %ne3A_361 : i1
    %sub3A_363 = arith.constant 1 : i32
    %sub3A_364 = arith.subi %div3A_343, %sub3A_363 : i32
    %select_n3A_365 = arith.select %and3A_362, %sub3A_364, %div3A_343 : i32
    %sub3A_366 = arith.subi %select_n3A_365, %multiple_of3A : i32
    %get3A_367 = arith.index_cast %sub3A_366 : i32 to index
    %get3A_368 = arith.constant 0 : index
    %get3A_369 = tpu.vector_load %arg7[%get3A_367, %get3A_368] {strides = array<i32>} : memref<16x128xf32, #tpu.memory_space<vmem>>, vector<1x16xf32>,
    %get3A_370 = vector.shape_cast %get3A_369 : vector<1x16xf32> to vector<16xf32>
    %get3A_371 = arith.index_cast %sub3A_366 : i32 to index
    %get3A_372 = arith.constant 16 : index
    %get3A_373 = tpu.vector_load %arg7[%get3A_371, %get3A_372] {strides = array<i32>} : memref<16x128xf32, #tpu.memory_space<vmem>>, vector<1x16xf32>,
    %get3A_374 = vector.shape_cast %get3A_373 : vector<1x16xf32> to vector<16xf32>
    %get3A_375 = arith.index_cast %sub3A_366 : i32 to index
    %get3A_376 = arith.constant 32 : index
    %get3A_377 = tpu.vector_load %arg7[%get3A_375, %get3A_376] {strides = array<i32>} : memref<16x128xf32, #tpu.memory_space<vmem>>, vector<1x16xf32>,
    %get3A_378 = vector.shape_cast %get3A_377 : vector<1x16xf32> to vector<16xf32>
    %get3A_379 = arith.index_cast %sub3A_366 : i32 to index
    %get3A_380 = arith.constant 48 : index
    %get3A_381 = tpu.vector_load %arg7[%get3A_379, %get3A_380] {strides = array<i32>} : memref<16x128xf32, #tpu.memory_space<vmem>>, vector<1x16xf32>,
    %get3A_382 = vector.shape_cast %get3A_381 : vector<1x16xf32> to vector<16xf32>
    %get3A_383 = arith.index_cast %sub3A_366 : i32 to index
    %get3A_384 = arith.constant 64 : index
    %get3A_385 = tpu.vector_load %arg7[%get3A_383, %get3A_384] {strides = array<i32>} : memref<16x128xf32, #tpu.memory_space<vmem>>, vector<1x16xf32>,
    %get3A_386 = vector.shape_cast %get3A_385 : vector<1x16xf32> to vector<16xf32>
    %get3A_387 = arith.index_cast %sub3A_366 : i32 to index
    %get3A_388 = arith.constant 80 : index
    %get3A_389 = tpu.vector_load %arg7[%get3A_387, %get3A_388] {strides = array<i32>} : memref<16x128xf32, #tpu.memory_space<vmem>>, vector<1x16xf32>,
    %get3A_390 = vector.shape_cast %get3A_389 : vector<1x16xf32> to vector<16xf32>
    %get3A_391 = arith.index_cast %sub3A_366 : i32 to index
    %get3A_392 = arith.constant 96 : index
    %get3A_393 = tpu.vector_load %arg7[%get3A_391, %get3A_392] {strides = array<i32>} : memref<16x128xf32, #tpu.memory_space<vmem>>, vector<1x16xf32>,
    %get3A_394 = vector.shape_cast %get3A_393 : vector<1x16xf32> to vector<16xf32>
    %get3A_395 = arith.index_cast %sub3A_366 : i32 to index
    %get3A_396 = arith.constant 112 : index
    %get3A_397 = tpu.vector_load %arg7[%get3A_395, %get3A_396] {strides = array<i32>} : memref<16x128xf32, #tpu.memory_space<vmem>>, vector<1x16xf32>,
    %get3A_398 = vector.shape_cast %get3A_397 : vector<1x16xf32> to vector<16xf32>
    %scan3A_399 = arith.constant 0 : i32
    %scan3A_400 = arith.constant 0 : i32
    %scan3A_401 = arith.constant 256 : i32
    %scan3A_402 = arith.addi %scan3A_400, %scan3A_401 : i32
    %scan3A_403 = arith.constant 1 : i32
    scf.for %scan3A_573 = %scan3A_400 to %scan3A_402 step %scan3A_403  : i32 {
      %get3A_574 = arith.constant 2 : i32
      %get3A_575 = arith.index_cast %get3A_574 : i32 to index
      %get3A_576 = arith.index_cast %scan3A_573 : i32 to index
      %get3A_577 = arith.constant 0 : index
      %get3A_578 = tpu.vector_load %arg8[%get3A_575, %get3A_576, %get3A_577] {strides = array<i32>} : memref<3x256x128xf32, #tpu.memory_space<vmem>>, vector<1x1x16xf32>,
      %get3A_579 = vector.shape_cast %get3A_578 : vector<1x1x16xf32> to vector<16xf32>
      %add3A_580 = arith.addf %get3A_579, %get3A_370 : vector<16xf32>
      %swap3A = arith.constant 2 : i32
      %swap3A_581 = arith.index_cast %swap3A : i32 to index
      %swap3A_582 = arith.index_cast %scan3A_573 : i32 to index
      %swap3A_583 = arith.constant 0 : index
      %swap3A_584 = tpu.vector_load %arg8[%swap3A_581, %swap3A_582, %swap3A_583] {strides = array<i32>} : memref<3x256x128xf32, #tpu.memory_space<vmem>>, vector<1x1x16xf32>,
      %swap3A_585 = vector.shape_cast %swap3A_584 : vector<1x1x16xf32> to vector<16xf32>
      %swap3A_586 = vector.shape_cast %add3A_580 : vector<16xf32> to vector<1x1x16xf32>
      tpu.vector_store %arg8[%swap3A_581, %swap3A_582, %swap3A_583], %swap3A_586 {strides = array<i32>} : memref<3x256x128xf32, #tpu.memory_space<vmem>>, vector<1x1x16xf32>,
      %get3A_587 = arith.constant 2 : i32
      %get3A_588 = arith.index_cast %get3A_587 : i32 to index
      %get3A_589 = arith.index_cast %scan3A_573 : i32 to index
      %get3A_590 = arith.constant 16 : index
      %get3A_591 = tpu.vector_load %arg8[%get3A_588, %get3A_589, %get3A_590] {strides = array<i32>} : memref<3x256x128xf32, #tpu.memory_space<vmem>>, vector<1x1x16xf32>,
      %get3A_592 = vector.shape_cast %get3A_591 : vector<1x1x16xf32> to vector<16xf32>
      %add3A_593 = arith.addf %get3A_592, %get3A_374 : vector<16xf32>
      %swap3A_594 = arith.constant 2 : i32
      %swap3A_595 = arith.index_cast %swap3A_594 : i32 to index
      %swap3A_596 = arith.index_cast %scan3A_573 : i32 to index
      %swap3A_597 = arith.constant 16 : index
      %swap3A_598 = tpu.vector_load %arg8[%swap3A_595, %swap3A_596, %swap3A_597] {strides = array<i32>} : memref<3x256x128xf32, #tpu.memory_space<vmem>>, vector<1x1x16xf32>,
      %swap3A_599 = vector.shape_cast %swap3A_598 : vector<1x1x16xf32> to vector<16xf32>
      %swap3A_600 = vector.shape_cast %add3A_593 : vector<16xf32> to vector<1x1x16xf32>
      tpu.vector_store %arg8[%swap3A_595, %swap3A_596, %swap3A_597], %swap3A_600 {strides = array<i32>} : memref<3x256x128xf32, #tpu.memory_space<vmem>>, vector<1x1x16xf32>,
      %get3A_601 = arith.constant 2 : i32
      %get3A_602 = arith.index_cast %get3A_601 : i32 to index
      %get3A_603 = arith.index_cast %scan3A_573 : i32 to index
      %get3A_604 = arith.constant 32 : index
      %get3A_605 = tpu.vector_load %arg8[%get3A_602, %get3A_603, %get3A_604] {strides = array<i32>} : memref<3x256x128xf32, #tpu.memory_space<vmem>>, vector<1x1x16xf32>,
      %get3A_606 = vector.shape_cast %get3A_605 : vector<1x1x16xf32> to vector<16xf32>
      %add3A_607 = arith.addf %get3A_606, %get3A_378 : vector<16xf32>
      %swap3A_608 = arith.constant 2 : i32
      %swap3A_609 = arith.index_cast %swap3A_608 : i32 to index
      %swap3A_610 = arith.index_cast %scan3A_573 : i32 to index
      %swap3A_611 = arith.constant 32 : index
      %swap3A_612 = tpu.vector_load %arg8[%swap3A_609, %swap3A_610, %swap3A_611] {strides = array<i32>} : memref<3x256x128xf32, #tpu.memory_space<vmem>>, vector<1x1x16xf32>,
      %swap3A_613 = vector.shape_cast %swap3A_612 : vector<1x1x16xf32> to vector<16xf32>
      %swap3A_614 = vector.shape_cast %add3A_607 : vector<16xf32> to vector<1x1x16xf32>
      tpu.vector_store %arg8[%swap3A_609, %swap3A_610, %swap3A_611], %swap3A_614 {strides = array<i32>} : memref<3x256x128xf32, #tpu.memory_space<vmem>>, vector<1x1x16xf32>,
      %get3A_615 = arith.constant 2 : i32
      %get3A_616 = arith.index_cast %get3A_615 : i32 to index
      %get3A_617 = arith.index_cast %scan3A_573 : i32 to index
      %get3A_618 = arith.constant 48 : index
      %get3A_619 = tpu.vector_load %arg8[%get3A_616, %get3A_617, %get3A_618] {strides = array<i32>} : memref<3x256x128xf32, #tpu.memory_space<vmem>>, vector<1x1x16xf32>,
      %get3A_620 = vector.shape_cast %get3A_619 : vector<1x1x16xf32> to vector<16xf32>
      %add3A_621 = arith.addf %get3A_620, %get3A_382 : vector<16xf32>
      %swap3A_622 = arith.constant 2 : i32
      %swap3A_623 = arith.index_cast %swap3A_622 : i32 to index
      %swap3A_624 = arith.index_cast %scan3A_573 : i32 to index
      %swap3A_625 = arith.constant 48 : index
      %swap3A_626 = tpu.vector_load %arg8[%swap3A_623, %swap3A_624, %swap3A_625] {strides = array<i32>} : memref<3x256x128xf32, #tpu.memory_space<vmem>>, vector<1x1x16xf32>,
      %swap3A_627 = vector.shape_cast %swap3A_626 : vector<1x1x16xf32> to vector<16xf32>
      %swap3A_628 = vector.shape_cast %add3A_621 : vector<16xf32> to vector<1x1x16xf32>
      tpu.vector_store %arg8[%swap3A_623, %swap3A_624, %swap3A_625], %swap3A_628 {strides = array<i32>} : memref<3x256x128xf32, #tpu.memory_space<vmem>>, vector<1x1x16xf32>,
      %get3A_629 = arith.constant 2 : i32
      %get3A_630 = arith.index_cast %get3A_629 : i32 to index
      %get3A_631 = arith.index_cast %scan3A_573 : i32 to index
      %get3A_632 = arith.constant 64 : index
      %get3A_633 = tpu.vector_load %arg8[%get3A_630, %get3A_631, %get3A_632] {strides = array<i32>} : memref<3x256x128xf32, #tpu.memory_space<vmem>>, vector<1x1x16xf32>,
      %get3A_634 = vector.shape_cast %get3A_633 : vector<1x1x16xf32> to vector<16xf32>
      %add3A_635 = arith.addf %get3A_634, %get3A_386 : vector<16xf32>
      %swap3A_636 = arith.constant 2 : i32
      %swap3A_637 = arith.index_cast %swap3A_636 : i32 to index
      %swap3A_638 = arith.index_cast %scan3A_573 : i32 to index
      %swap3A_639 = arith.constant 64 : index
      %swap3A_640 = tpu.vector_load %arg8[%swap3A_637, %swap3A_638, %swap3A_639] {strides = array<i32>} : memref<3x256x128xf32, #tpu.memory_space<vmem>>, vector<1x1x16xf32>,
      %swap3A_641 = vector.shape_cast %swap3A_640 : vector<1x1x16xf32> to vector<16xf32>
      %swap3A_642 = vector.shape_cast %add3A_635 : vector<16xf32> to vector<1x1x16xf32>
      tpu.vector_store %arg8[%swap3A_637, %swap3A_638, %swap3A_639], %swap3A_642 {strides = array<i32>} : memref<3x256x128xf32, #tpu.memory_space<vmem>>, vector<1x1x16xf32>,
      %get3A_643 = arith.constant 2 : i32
      %get3A_644 = arith.index_cast %get3A_643 : i32 to index
      %get3A_645 = arith.index_cast %scan3A_573 : i32 to index
      %get3A_646 = arith.constant 80 : index
      %get3A_647 = tpu.vector_load %arg8[%get3A_644, %get3A_645, %get3A_646] {strides = array<i32>} : memref<3x256x128xf32, #tpu.memory_space<vmem>>, vector<1x1x16xf32>,
      %get3A_648 = vector.shape_cast %get3A_647 : vector<1x1x16xf32> to vector<16xf32>
      %add3A_649 = arith.addf %get3A_648, %get3A_390 : vector<16xf32>
      %swap3A_650 = arith.constant 2 : i32
      %swap3A_651 = arith.index_cast %swap3A_650 : i32 to index
      %swap3A_652 = arith.index_cast %scan3A_573 : i32 to index
      %swap3A_653 = arith.constant 80 : index
      %swap3A_654 = tpu.vector_load %arg8[%swap3A_651, %swap3A_652, %swap3A_653] {strides = array<i32>} : memref<3x256x128xf32, #tpu.memory_space<vmem>>, vector<1x1x16xf32>,
      %swap3A_655 = vector.shape_cast %swap3A_654 : vector<1x1x16xf32> to vector<16xf32>
      %swap3A_656 = vector.shape_cast %add3A_649 : vector<16xf32> to vector<1x1x16xf32>
      tpu.vector_store %arg8[%swap3A_651, %swap3A_652, %swap3A_653], %swap3A_656 {strides = array<i32>} : memref<3x256x128xf32, #tpu.memory_space<vmem>>, vector<1x1x16xf32>,
      %get3A_657 = arith.constant 2 : i32
      %get3A_658 = arith.index_cast %get3A_657 : i32 to index
      %get3A_659 = arith.index_cast %scan3A_573 : i32 to index
      %get3A_660 = arith.constant 96 : index
      %get3A_661 = tpu.vector_load %arg8[%get3A_658, %get3A_659, %get3A_660] {strides = array<i32>} : memref<3x256x128xf32, #tpu.memory_space<vmem>>, vector<1x1x16xf32>,
      %get3A_662 = vector.shape_cast %get3A_661 : vector<1x1x16xf32> to vector<16xf32>
      %add3A_663 = arith.addf %get3A_662, %get3A_394 : vector<16xf32>
      %swap3A_664 = arith.constant 2 : i32
      %swap3A_665 = arith.index_cast %swap3A_664 : i32 to index
      %swap3A_666 = arith.index_cast %scan3A_573 : i32 to index
      %swap3A_667 = arith.constant 96 : index
      %swap3A_668 = tpu.vector_load %arg8[%swap3A_665, %swap3A_666, %swap3A_667] {strides = array<i32>} : memref<3x256x128xf32, #tpu.memory_space<vmem>>, vector<1x1x16xf32>,
      %swap3A_669 = vector.shape_cast %swap3A_668 : vector<1x1x16xf32> to vector<16xf32>
      %swap3A_670 = vector.shape_cast %add3A_663 : vector<16xf32> to vector<1x1x16xf32>
      tpu.vector_store %arg8[%swap3A_665, %swap3A_666, %swap3A_667], %swap3A_670 {strides = array<i32>} : memref<3x256x128xf32, #tpu.memory_space<vmem>>, vector<1x1x16xf32>,
      %get3A_671 = arith.constant 2 : i32
      %get3A_672 = arith.index_cast %get3A_671 : i32 to index
      %get3A_673 = arith.index_cast %scan3A_573 : i32 to index
      %get3A_674 = arith.constant 112 : index
      %get3A_675 = tpu.vector_load %arg8[%get3A_672, %get3A_673, %get3A_674] {strides = array<i32>} : memref<3x256x128xf32, #tpu.memory_space<vmem>>, vector<1x1x16xf32>,
      %get3A_676 = vector.shape_cast %get3A_675 : vector<1x1x16xf32> to vector<16xf32>
      %add3A_677 = arith.addf %get3A_676, %get3A_398 : vector<16xf32>
      %swap3A_678 = arith.constant 2 : i32
      %swap3A_679 = arith.index_cast %swap3A_678 : i32 to index
      %swap3A_680 = arith.index_cast %scan3A_573 : i32 to index
      %swap3A_681 = arith.constant 112 : index
      %swap3A_682 = tpu.vector_load %arg8[%swap3A_679, %swap3A_680, %swap3A_681] {strides = array<i32>} : memref<3x256x128xf32, #tpu.memory_space<vmem>>, vector<1x1x16xf32>,
      %swap3A_683 = vector.shape_cast %swap3A_682 : vector<1x1x16xf32> to vector<16xf32>
      %swap3A_684 = vector.shape_cast %add3A_677 : vector<16xf32> to vector<1x1x16xf32>
      tpu.vector_store %arg8[%swap3A_679, %swap3A_680, %swap3A_681], %swap3A_684 {strides = array<i32>} : memref<3x256x128xf32, #tpu.memory_space<vmem>>, vector<1x1x16xf32>,
    }
    %scan3A_404 = arith.constant 256 : i32
    %add3A_405 = arith.constant 512 : i32
    %add3A_406 = arith.addi %mul3A_2, %add3A_405 : i32
    %dma_start3A_407 = arith.constant 2 : i32
    %dma_start3A_408 = arith.constant 0 : i32
    %dma_start3A_409 = arith.constant 0 : i32
    %dma_start3A_410 = tpu.memref_slice %arg8[%dma_start3A_407, %dma_start3A_408, %dma_start3A_409] : memref<3x256x128xf32, #tpu.memory_space<vmem>> -> memref<1x256x128xf32, #tpu.memory_space<vmem>>
    %dma_start3A_411 = tpu.memref_squeeze %dma_start3A_410 : memref<1x256x128xf32, #tpu.memory_space<vmem>> -> memref<256x128xf32, #tpu.memory_space<vmem>>
    %dma_start3A_412 = arith.constant 0 : i32
    %dma_start3A_413 = tpu.memref_slice %arg5[%add3A_406, %dma_start3A_412] : memref<204800x128xf32, #tpu.memory_space<hbm>> -> memref<256x128xf32, #tpu.memory_space<hbm>>
    %dma_start3A_414 = arith.constant 0 : i32
    %dma_start3A_415 = tpu.memref_slice %arg5[%add3A_406, %dma_start3A_414] : memref<204800x128xf32, #tpu.memory_space<hbm>> -> memref<256x128xf32, #tpu.memory_space<hbm>>
    %dma_start3A_416 = arith.constant 0 : i32
    %dma_start3A_417 = arith.constant 0 : i32
    %dma_start3A_418 = tpu.memref_slice %arg8[%dma_start3A_407, %dma_start3A_416, %dma_start3A_417] : memref<3x256x128xf32, #tpu.memory_space<vmem>> -> memref<1x256x128xf32, #tpu.memory_space<vmem>>
    %dma_start3A_419 = tpu.memref_squeeze %dma_start3A_418 : memref<1x256x128xf32, #tpu.memory_space<vmem>> -> memref<256x128xf32, #tpu.memory_space<vmem>>
    tpu.enqueue_dma source(%dma_start3A_419 : memref<256x128xf32, #tpu.memory_space<vmem>>) target(%dma_start3A_415 : memref<256x128xf32, #tpu.memory_space<hbm>>) target_semaphore(%arg14 : memref<!tpu.dma_semaphore, #tpu.memory_space<semaphore_mem>>)
    %scan3A_420 = arith.constant 0 : i32
    %scan3A_421 = arith.constant 1 : i32
    %scan3A_422 = arith.constant 7 : i32
    %scan3A_423 = arith.addi %scan3A_421, %scan3A_422 : i32
    %scan3A_424 = arith.constant 1 : i32
    scf.for %scan3A_573 = %scan3A_421 to %scan3A_423 step %scan3A_424  : i32 {
      %mul3A_574 = arith.constant 3 : i32
      %mul3A_575 = arith.muli %scan3A_573, %mul3A_574 : i32
      %add3A_576 = arith.constant 0 : i32
      %add3A_577 = arith.addi %mul3A_575, %add3A_576 : i32
      %dma_wait3A_578 = arith.constant 1 : i32
      %dma_wait3A_579 = arith.constant 0 : i32
      %dma_wait3A_580 = arith.constant 0 : i32
      %dma_wait3A_581 = tpu.memref_slice %arg8[%dma_wait3A_578, %dma_wait3A_579, %dma_wait3A_580] : memref<3x256x128xf32, #tpu.memory_space<vmem>> -> memref<1x256x128xf32, #tpu.memory_space<vmem>>
      %dma_wait3A_582 = tpu.memref_squeeze %dma_wait3A_581 : memref<1x256x128xf32, #tpu.memory_space<vmem>> -> memref<256x128xf32, #tpu.memory_space<vmem>>
      %dma_wait3A_583 = arith.constant 0 : i32
      %dma_wait3A_584 = arith.constant 0 : i32
      %dma_wait3A_585 = tpu.memref_slice %arg5[%dma_wait3A_583, %dma_wait3A_584] : memref<204800x128xf32, #tpu.memory_space<hbm>> -> memref<256x128xf32, #tpu.memory_space<hbm>>
      %dma_wait3A_586 = arith.constant 0 : i32
      %dma_wait3A_587 = arith.constant 0 : i32
      %dma_wait3A_588 = tpu.memref_slice %arg5[%dma_wait3A_586, %dma_wait3A_587] : memref<204800x128xf32, #tpu.memory_space<hbm>> -> memref<256x128xf32, #tpu.memory_space<hbm>>
      %dma_wait3A_589 = arith.constant 0 : i32
      %dma_wait3A_590 = arith.constant 0 : i32
      %dma_wait3A_591 = tpu.memref_slice %arg8[%dma_wait3A_578, %dma_wait3A_589, %dma_wait3A_590] : memref<3x256x128xf32, #tpu.memory_space<vmem>> -> memref<1x256x128xf32, #tpu.memory_space<vmem>>
      %dma_wait3A_592 = tpu.memref_squeeze %dma_wait3A_591 : memref<1x256x128xf32, #tpu.memory_space<vmem>> -> memref<256x128xf32, #tpu.memory_space<vmem>>
      tpu.wait_dma2 semaphore(%arg13 : memref<!tpu.dma_semaphore, #tpu.memory_space<semaphore_mem>>) src(%dma_wait3A_592 : memref<256x128xf32, #tpu.memory_space<vmem>>) dst(%dma_wait3A_588 : memref<256x128xf32, #tpu.memory_space<hbm>>)
      %add3A_593 = arith.constant 1 : i32
      %add3A_594 = arith.addi %add3A_577, %add3A_593 : i32
      %mul3A_595 = arith.constant 256 : i32
      %mul3A_596 = arith.muli %add3A_594, %mul3A_595 : i32
      %add3A_597 = arith.constant 0 : i32
      %add3A_598 = arith.addi %mul3A_596, %add3A_597 : i32
      %dma_start3A_599 = arith.constant 1 : i32
      %dma_start3A_600 = arith.constant 0 : i32
      %dma_start3A_601 = arith.constant 0 : i32
      %dma_start3A_602 = tpu.memref_slice %arg8[%dma_start3A_599, %dma_start3A_600, %dma_start3A_601] : memref<3x256x128xf32, #tpu.memory_space<vmem>> -> memref<1x128x128xf32, #tpu.memory_space<vmem>>
      %dma_start3A_603 = tpu.memref_squeeze %dma_start3A_602 : memref<1x128x128xf32, #tpu.memory_space<vmem>> -> memref<128x128xf32, #tpu.memory_space<vmem>>
      %dma_start3A_604 = tpu.memref_slice %arg6[%add3A_598] : memref<6400xi32, #tpu.memory_space<vmem>> -> memref<128xi32, #tpu.memory_space<vmem>>
      %dma_start3A_605 = arith.constant 0 : i32
      %dma_start3A_606 = arith.constant 0 : i32
      %dma_start3A_607 = tpu.memref_slice %arg3[%dma_start3A_605, %dma_start3A_606] : memref<100001x128xf32, #tpu.memory_space<hbm>> -> memref<100001x128xf32, #tpu.memory_space<hbm>>
      tpu.enqueue_indirect_dma source(%dma_start3A_607 : memref<100001x128xf32, #tpu.memory_space<hbm>>) target(%dma_start3A_603 : memref<128x128xf32, #tpu.memory_space<vmem>>) offsets(%dma_start3A_604 : memref<128xi32, #tpu.memory_space<vmem>>) semaphore(%arg10 : memref<!tpu.dma_semaphore, #tpu.memory_space<semaphore_mem>>)
      %mul3A_608 = arith.constant 256 : i32
      %mul3A_609 = arith.muli %add3A_594, %mul3A_608 : i32
      %add3A_610 = arith.constant 128 : i32
      %add3A_611 = arith.addi %mul3A_609, %add3A_610 : i32
      %dma_start3A_612 = arith.constant 1 : i32
      %dma_start3A_613 = arith.constant 128 : i32
      %dma_start3A_614 = arith.constant 0 : i32
      %dma_start3A_615 = tpu.memref_slice %arg8[%dma_start3A_612, %dma_start3A_613, %dma_start3A_614] : memref<3x256x128xf32, #tpu.memory_space<vmem>> -> memref<1x128x128xf32, #tpu.memory_space<vmem>>
      %dma_start3A_616 = tpu.memref_squeeze %dma_start3A_615 : memref<1x128x128xf32, #tpu.memory_space<vmem>> -> memref<128x128xf32, #tpu.memory_space<vmem>>
      %dma_start3A_617 = tpu.memref_slice %arg6[%add3A_611] : memref<6400xi32, #tpu.memory_space<vmem>> -> memref<128xi32, #tpu.memory_space<vmem>>
      %dma_start3A_618 = arith.constant 0 : i32
      %dma_start3A_619 = arith.constant 0 : i32
      %dma_start3A_620 = tpu.memref_slice %arg3[%dma_start3A_618, %dma_start3A_619] : memref<100001x128xf32, #tpu.memory_space<hbm>> -> memref<100001x128xf32, #tpu.memory_space<hbm>>
      tpu.enqueue_indirect_dma source(%dma_start3A_620 : memref<100001x128xf32, #tpu.memory_space<hbm>>) target(%dma_start3A_616 : memref<128x128xf32, #tpu.memory_space<vmem>>) offsets(%dma_start3A_617 : memref<128xi32, #tpu.memory_space<vmem>>) semaphore(%arg10 : memref<!tpu.dma_semaphore, #tpu.memory_space<semaphore_mem>>)
      %mul3A_621 = arith.constant 256 : i32
      %mul3A_622 = arith.muli %add3A_577, %mul3A_621 : i32
      %add3A_623 = arith.constant 0 : i32
      %add3A_624 = arith.addi %mul3A_622, %add3A_623 : i32
      %dma_wait3A_625 = arith.constant 0 : i32
      %dma_wait3A_626 = arith.constant 0 : i32
      %dma_wait3A_627 = arith.constant 0 : i32
      %dma_wait3A_628 = tpu.memref_slice %arg8[%dma_wait3A_625, %dma_wait3A_626, %dma_wait3A_627] : memref<3x256x128xf32, #tpu.memory_space<vmem>> -> memref<1x128x128xf32, #tpu.memory_space<vmem>>
      %dma_wait3A_629 = tpu.memref_squeeze %dma_wait3A_628 : memref<1x128x128xf32, #tpu.memory_space<vmem>> -> memref<128x128xf32, #tpu.memory_space<vmem>>
      %dma_wait3A_630 = tpu.memref_slice %arg6[%add3A_624] : memref<6400xi32, #tpu.memory_space<vmem>> -> memref<128xi32, #tpu.memory_space<vmem>>
      %dma_wait3A_631 = arith.constant 0 : i32
      %dma_wait3A_632 = arith.constant 0 : i32
      %dma_wait3A_633 = tpu.memref_slice %arg3[%dma_wait3A_631, %dma_wait3A_632] : memref<100001x128xf32, #tpu.memory_space<hbm>> -> memref<100001x128xf32, #tpu.memory_space<hbm>>
      tpu.wait_indirect_dma semaphore(%arg9 : memref<!tpu.dma_semaphore, #tpu.memory_space<semaphore_mem>>) src(%dma_wait3A_633 : memref<100001x128xf32, #tpu.memory_space<hbm>>) dst(%dma_wait3A_629 : memref<128x128xf32, #tpu.memory_space<vmem>>)
      %mul3A_634 = arith.constant 256 : i32
      %mul3A_635 = arith.muli %add3A_577, %mul3A_634 : i32
      %add3A_636 = arith.constant 128 : i32
      %add3A_637 = arith.addi %mul3A_635, %add3A_636 : i32
      %dma_wait3A_638 = arith.constant 0 : i32
      %dma_wait3A_639 = arith.constant 128 : i32
      %dma_wait3A_640 = arith.constant 0 : i32
      %dma_wait3A_641 = tpu.memref_slice %arg8[%dma_wait3A_638, %dma_wait3A_639, %dma_wait3A_640] : memref<3x256x128xf32, #tpu.memory_space<vmem>> -> memref<1x128x128xf32, #tpu.memory_space<vmem>>
      %dma_wait3A_642 = tpu.memref_squeeze %dma_wait3A_641 : memref<1x128x128xf32, #tpu.memory_space<vmem>> -> memref<128x128xf32, #tpu.memory_space<vmem>>
      %dma_wait3A_643 = tpu.memref_slice %arg6[%add3A_637] : memref<6400xi32, #tpu.memory_space<vmem>> -> memref<128xi32, #tpu.memory_space<vmem>>
      %dma_wait3A_644 = arith.constant 0 : i32
      %dma_wait3A_645 = arith.constant 0 : i32
      %dma_wait3A_646 = tpu.memref_slice %arg3[%dma_wait3A_644, %dma_wait3A_645] : memref<100001x128xf32, #tpu.memory_space<hbm>> -> memref<100001x128xf32, #tpu.memory_space<hbm>>
      tpu.wait_indirect_dma semaphore(%arg9 : memref<!tpu.dma_semaphore, #tpu.memory_space<semaphore_mem>>) src(%dma_wait3A_646 : memref<100001x128xf32, #tpu.memory_space<hbm>>) dst(%dma_wait3A_642 : memref<128x128xf32, #tpu.memory_space<vmem>>)
      %mul3A_647 = arith.constant 25 : i32
      %mul3A_648 = arith.muli %mul3A_647, %add3A : i32
      %add3A_649 = arith.addi %mul3A_648, %add3A_577 : i32
      %jit3A_650 = arith.constant 16 : i32
      %div3A_651 = arith.divsi %add3A_649, %jit3A_650 : i32
      %sign3A_652 = arith.constant 0 : i32
      %sign3A_653 = arith.cmpi sgt, %add3A_649, %sign3A_652 : i32
      %sign3A_654 = arith.extui %sign3A_653 : i1 to i32
      %sign3A_655 = arith.constant 0 : i32
      %sign3A_656 = arith.cmpi slt, %add3A_649, %sign3A_655 : i32
      %sign3A_657 = arith.extui %sign3A_656 : i1 to i32
      %sign3A_658 = arith.subi %sign3A_654, %sign3A_657 : i32
      %sign3A_659 = arith.constant 0 : i32
      %sign3A_660 = arith.cmpi sgt, %jit3A_650, %sign3A_659 : i32
      %sign3A_661 = arith.extui %sign3A_660 : i1 to i32
      %sign3A_662 = arith.constant 0 : i32
      %sign3A_663 = arith.cmpi slt, %jit3A_650, %sign3A_662 : i32
      %sign3A_664 = arith.extui %sign3A_663 : i1 to i32
      %sign3A_665 = arith.subi %sign3A_661, %sign3A_664 : i32
      %ne3A_666 = arith.cmpi ne, %sign3A_658, %sign3A_665 : i32
      %rem3A_667 = arith.remsi %add3A_649, %jit3A_650 : i32
      %ne3A_668 = arith.constant 0 : i32
      %ne3A_669 = arith.cmpi ne, %rem3A_667, %ne3A_668 : i32
      %and3A_670 = arith.andi %ne3A_666, %ne3A_669 : i1
      %sub3A_671 = arith.constant 1 : i32
      %sub3A_672 = arith.subi %div3A_651, %sub3A_671 : i32
      %select_n3A_673 = arith.select %and3A_670, %sub3A_672, %div3A_651 : i32
      %sub3A_674 = arith.subi %select_n3A_673, %multiple_of3A : i32
      %get3A_675 = arith.index_cast %sub3A_674 : i32 to index
      %get3A_676 = arith.constant 0 : index
      %get3A_677 = tpu.vector_load %arg7[%get3A_675, %get3A_676] {strides = array<i32>} : memref<16x128xf32, #tpu.memory_space<vmem>>, vector<1x16xf32>,
      %get3A_678 = vector.shape_cast %get3A_677 : vector<1x16xf32> to vector<16xf32>
      %get3A_679 = arith.index_cast %sub3A_674 : i32 to index
      %get3A_680 = arith.constant 16 : index
      %get3A_681 = tpu.vector_load %arg7[%get3A_679, %get3A_680] {strides = array<i32>} : memref<16x128xf32, #tpu.memory_space<vmem>>, vector<1x16xf32>,
      %get3A_682 = vector.shape_cast %get3A_681 : vector<1x16xf32> to vector<16xf32>
      %get3A_683 = arith.index_cast %sub3A_674 : i32 to index
      %get3A_684 = arith.constant 32 : index
      %get3A_685 = tpu.vector_load %arg7[%get3A_683, %get3A_684] {strides = array<i32>} : memref<16x128xf32, #tpu.memory_space<vmem>>, vector<1x16xf32>,
      %get3A_686 = vector.shape_cast %get3A_685 : vector<1x16xf32> to vector<16xf32>
      %get3A_687 = arith.index_cast %sub3A_674 : i32 to index
      %get3A_688 = arith.constant 48 : index
      %get3A_689 = tpu.vector_load %arg7[%get3A_687, %get3A_688] {strides = array<i32>} : memref<16x128xf32, #tpu.memory_space<vmem>>, vector<1x16xf32>,
      %get3A_690 = vector.shape_cast %get3A_689 : vector<1x16xf32> to vector<16xf32>
      %get3A_691 = arith.index_cast %sub3A_674 : i32 to index
      %get3A_692 = arith.constant 64 : index
      %get3A_693 = tpu.vector_load %arg7[%get3A_691, %get3A_692] {strides = array<i32>} : memref<16x128xf32, #tpu.memory_space<vmem>>, vector<1x16xf32>,
      %get3A_694 = vector.shape_cast %get3A_693 : vector<1x16xf32> to vector<16xf32>
      %get3A_695 = arith.index_cast %sub3A_674 : i32 to index
      %get3A_696 = arith.constant 80 : index
      %get3A_697 = tpu.vector_load %arg7[%get3A_695, %get3A_696] {strides = array<i32>} : memref<16x128xf32, #tpu.memory_space<vmem>>, vector<1x16xf32>,
      %get3A_698 = vector.shape_cast %get3A_697 : vector<1x16xf32> to vector<16xf32>
      %get3A_699 = arith.index_cast %sub3A_674 : i32 to index
      %get3A_700 = arith.constant 96 : index
      %get3A_701 = tpu.vector_load %arg7[%get3A_699, %get3A_700] {strides = array<i32>} : memref<16x128xf32, #tpu.memory_space<vmem>>, vector<1x16xf32>,
      %get3A_702 = vector.shape_cast %get3A_701 : vector<1x16xf32> to vector<16xf32>
      %get3A_703 = arith.index_cast %sub3A_674 : i32 to index
      %get3A_704 = arith.constant 112 : index
      %get3A_705 = tpu.vector_load %arg7[%get3A_703, %get3A_704] {strides = array<i32>} : memref<16x128xf32, #tpu.memory_space<vmem>>, vector<1x16xf32>,
      %get3A_706 = vector.shape_cast %get3A_705 : vector<1x16xf32> to vector<16xf32>
      %scan3A_707 = arith.constant 0 : i32
      %scan3A_708 = arith.constant 0 : i32
      %scan3A_709 = arith.constant 256 : i32
      %scan3A_710 = arith.addi %scan3A_708, %scan3A_709 : i32
      %scan3A_711 = arith.constant 1 : i32
      scf.for %scan3A_1035 = %scan3A_708 to %scan3A_710 step %scan3A_711  : i32 {
        %get3A_1036 = arith.constant 0 : i32
        %get3A_1037 = arith.index_cast %get3A_1036 : i32 to index
        %get3A_1038 = arith.index_cast %scan3A_1035 : i32 to index
        %get3A_1039 = arith.constant 0 : index
        %get3A_1040 = tpu.vector_load %arg8[%get3A_1037, %get3A_1038, %get3A_1039] {strides = array<i32>} : memref<3x256x128xf32, #tpu.memory_space<vmem>>, vector<1x1x16xf32>,
        %get3A_1041 = vector.shape_cast %get3A_1040 : vector<1x1x16xf32> to vector<16xf32>
        %add3A_1042 = arith.addf %get3A_1041, %get3A_678 : vector<16xf32>
        %swap3A = arith.constant 0 : i32
        %swap3A_1043 = arith.index_cast %swap3A : i32 to index
        %swap3A_1044 = arith.index_cast %scan3A_1035 : i32 to index
        %swap3A_1045 = arith.constant 0 : index
        %swap3A_1046 = tpu.vector_load %arg8[%swap3A_1043, %swap3A_1044, %swap3A_1045] {strides = array<i32>} : memref<3x256x128xf32, #tpu.memory_space<vmem>>, vector<1x1x16xf32>,
        %swap3A_1047 = vector.shape_cast %swap3A_1046 : vector<1x1x16xf32> to vector<16xf32>
        %swap3A_1048 = vector.shape_cast %add3A_1042 : vector<16xf32> to vector<1x1x16xf32>
        tpu.vector_store %arg8[%swap3A_1043, %swap3A_1044, %swap3A_1045], %swap3A_1048 {strides = array<i32>} : memref<3x256x128xf32, #tpu.memory_space<vmem>>, vector<1x1x16xf32>,
        %get3A_1049 = arith.constant 0 : i32
        %get3A_1050 = arith.index_cast %get3A_1049 : i32 to index
        %get3A_1051 = arith.index_cast %scan3A_1035 : i32 to index
        %get3A_1052 = arith.constant 16 : index
        %get3A_1053 = tpu.vector_load %arg8[%get3A_1050, %get3A_1051, %get3A_1052] {strides = array<i32>} : memref<3x256x128xf32, #tpu.memory_space<vmem>>, vector<1x1x16xf32>,
        %get3A_1054 = vector.shape_cast %get3A_1053 : vector<1x1x16xf32> to vector<16xf32>
        %add3A_1055 = arith.addf %get3A_1054, %get3A_682 : vector<16xf32>
        %swap3A_1056 = arith.constant 0 : i32
        %swap3A_1057 = arith.index_cast %swap3A_1056 : i32 to index
        %swap3A_1058 = arith.index_cast %scan3A_1035 : i32 to index
        %swap3A_1059 = arith.constant 16 : index
        %swap3A_1060 = tpu.vector_load %arg8[%swap3A_1057, %swap3A_1058, %swap3A_1059] {strides = array<i32>} : memref<3x256x128xf32, #tpu.memory_space<vmem>>, vector<1x1x16xf32>,
        %swap3A_1061 = vector.shape_cast %swap3A_1060 : vector<1x1x16xf32> to vector<16xf32>
        %swap3A_1062 = vector.shape_cast %add3A_1055 : vector<16xf32> to vector<1x1x16xf32>
        tpu.vector_store %arg8[%swap3A_1057, %swap3A_1058, %swap3A_1059], %swap3A_1062 {strides = array<i32>} : memref<3x256x128xf32, #tpu.memory_space<vmem>>, vector<1x1x16xf32>,
        %get3A_1063 = arith.constant 0 : i32
        %get3A_1064 = arith.index_cast %get3A_1063 : i32 to index
        %get3A_1065 = arith.index_cast %scan3A_1035 : i32 to index
        %get3A_1066 = arith.constant 32 : index
        %get3A_1067 = tpu.vector_load %arg8[%get3A_1064, %get3A_1065, %get3A_1066] {strides = array<i32>} : memref<3x256x128xf32, #tpu.memory_space<vmem>>, vector<1x1x16xf32>,
        %get3A_1068 = vector.shape_cast %get3A_1067 : vector<1x1x16xf32> to vector<16xf32>
        %add3A_1069 = arith.addf %get3A_1068, %get3A_686 : vector<16xf32>
        %swap3A_1070 = arith.constant 0 : i32
        %swap3A_1071 = arith.index_cast %swap3A_1070 : i32 to index
        %swap3A_1072 = arith.index_cast %scan3A_1035 : i32 to index
        %swap3A_1073 = arith.constant 32 : index
        %swap3A_1074 = tpu.vector_load %arg8[%swap3A_1071, %swap3A_1072, %swap3A_1073] {strides = array<i32>} : memref<3x256x128xf32, #tpu.memory_space<vmem>>, vector<1x1x16xf32>,
        %swap3A_1075 = vector.shape_cast %swap3A_1074 : vector<1x1x16xf32> to vector<16xf32>
        %swap3A_1076 = vector.shape_cast %add3A_1069 : vector<16xf32> to vector<1x1x16xf32>
        tpu.vector_store %arg8[%swap3A_1071, %swap3A_1072, %swap3A_1073], %swap3A_1076 {strides = array<i32>} : memref<3x256x128xf32, #tpu.memory_space<vmem>>, vector<1x1x16xf32>,
        %get3A_1077 = arith.constant 0 : i32
        %get3A_1078 = arith.index_cast %get3A_1077 : i32 to index
        %get3A_1079 = arith.index_cast %scan3A_1035 : i32 to index
        %get3A_1080 = arith.constant 48 : index
        %get3A_1081 = tpu.vector_load %arg8[%get3A_1078, %get3A_1079, %get3A_1080] {strides = array<i32>} : memref<3x256x128xf32, #tpu.memory_space<vmem>>, vector<1x1x16xf32>,
        %get3A_1082 = vector.shape_cast %get3A_1081 : vector<1x1x16xf32> to vector<16xf32>
        %add3A_1083 = arith.addf %get3A_1082, %get3A_690 : vector<16xf32>
        %swap3A_1084 = arith.constant 0 : i32
        %swap3A_1085 = arith.index_cast %swap3A_1084 : i32 to index
        %swap3A_1086 = arith.index_cast %scan3A_1035 : i32 to index
        %swap3A_1087 = arith.constant 48 : index
        %swap3A_1088 = tpu.vector_load %arg8[%swap3A_1085, %swap3A_1086, %swap3A_1087] {strides = array<i32>} : memref<3x256x128xf32, #tpu.memory_space<vmem>>, vector<1x1x16xf32>,
        %swap3A_1089 = vector.shape_cast %swap3A_1088 : vector<1x1x16xf32> to vector<16xf32>
        %swap3A_1090 = vector.shape_cast %add3A_1083 : vector<16xf32> to vector<1x1x16xf32>
        tpu.vector_store %arg8[%swap3A_1085, %swap3A_1086, %swap3A_1087], %swap3A_1090 {strides = array<i32>} : memref<3x256x128xf32, #tpu.memory_space<vmem>>, vector<1x1x16xf32>,
        %get3A_1091 = arith.constant 0 : i32
        %get3A_1092 = arith.index_cast %get3A_1091 : i32 to index
        %get3A_1093 = arith.index_cast %scan3A_1035 : i32 to index
        %get3A_1094 = arith.constant 64 : index
        %get3A_1095 = tpu.vector_load %arg8[%get3A_1092, %get3A_1093, %get3A_1094] {strides = array<i32>} : memref<3x256x128xf32, #tpu.memory_space<vmem>>, vector<1x1x16xf32>,
        %get3A_1096 = vector.shape_cast %get3A_1095 : vector<1x1x16xf32> to vector<16xf32>
        %add3A_1097 = arith.addf %get3A_1096, %get3A_694 : vector<16xf32>
        %swap3A_1098 = arith.constant 0 : i32
        %swap3A_1099 = arith.index_cast %swap3A_1098 : i32 to index
        %swap3A_1100 = arith.index_cast %scan3A_1035 : i32 to index
        %swap3A_1101 = arith.constant 64 : index
        %swap3A_1102 = tpu.vector_load %arg8[%swap3A_1099, %swap3A_1100, %swap3A_1101] {strides = array<i32>} : memref<3x256x128xf32, #tpu.memory_space<vmem>>, vector<1x1x16xf32>,
        %swap3A_1103 = vector.shape_cast %swap3A_1102 : vector<1x1x16xf32> to vector<16xf32>
        %swap3A_1104 = vector.shape_cast %add3A_1097 : vector<16xf32> to vector<1x1x16xf32>
        tpu.vector_store %arg8[%swap3A_1099, %swap3A_1100, %swap3A_1101], %swap3A_1104 {strides = array<i32>} : memref<3x256x128xf32, #tpu.memory_space<vmem>>, vector<1x1x16xf32>,
        %get3A_1105 = arith.constant 0 : i32
        %get3A_1106 = arith.index_cast %get3A_1105 : i32 to index
        %get3A_1107 = arith.index_cast %scan3A_1035 : i32 to index
        %get3A_1108 = arith.constant 80 : index
        %get3A_1109 = tpu.vector_load %arg8[%get3A_1106, %get3A_1107, %get3A_1108] {strides = array<i32>} : memref<3x256x128xf32, #tpu.memory_space<vmem>>, vector<1x1x16xf32>,
        %get3A_1110 = vector.shape_cast %get3A_1109 : vector<1x1x16xf32> to vector<16xf32>
        %add3A_1111 = arith.addf %get3A_1110, %get3A_698 : vector<16xf32>
        %swap3A_1112 = arith.constant 0 : i32
        %swap3A_1113 = arith.index_cast %swap3A_1112 : i32 to index
        %swap3A_1114 = arith.index_cast %scan3A_1035 : i32 to index
        %swap3A_1115 = arith.constant 80 : index
        %swap3A_1116 = tpu.vector_load %arg8[%swap3A_1113, %swap3A_1114, %swap3A_1115] {strides = array<i32>} : memref<3x256x128xf32, #tpu.memory_space<vmem>>, vector<1x1x16xf32>,
        %swap3A_1117 = vector.shape_cast %swap3A_1116 : vector<1x1x16xf32> to vector<16xf32>
        %swap3A_1118 = vector.shape_cast %add3A_1111 : vector<16xf32> to vector<1x1x16xf32>
        tpu.vector_store %arg8[%swap3A_1113, %swap3A_1114, %swap3A_1115], %swap3A_1118 {strides = array<i32>} : memref<3x256x128xf32, #tpu.memory_space<vmem>>, vector<1x1x16xf32>,
        %get3A_1119 = arith.constant 0 : i32
        %get3A_1120 = arith.index_cast %get3A_1119 : i32 to index
        %get3A_1121 = arith.index_cast %scan3A_1035 : i32 to index
        %get3A_1122 = arith.constant 96 : index
        %get3A_1123 = tpu.vector_load %arg8[%get3A_1120, %get3A_1121, %get3A_1122] {strides = array<i32>} : memref<3x256x128xf32, #tpu.memory_space<vmem>>, vector<1x1x16xf32>,
        %get3A_1124 = vector.shape_cast %get3A_1123 : vector<1x1x16xf32> to vector<16xf32>
        %add3A_1125 = arith.addf %get3A_1124, %get3A_702 : vector<16xf32>
        %swap3A_1126 = arith.constant 0 : i32
        %swap3A_1127 = arith.index_cast %swap3A_1126 : i32 to index
        %swap3A_1128 = arith.index_cast %scan3A_1035 : i32 to index
        %swap3A_1129 = arith.constant 96 : index
        %swap3A_1130 = tpu.vector_load %arg8[%swap3A_1127, %swap3A_1128, %swap3A_1129] {strides = array<i32>} : memref<3x256x128xf32, #tpu.memory_space<vmem>>, vector<1x1x16xf32>,
        %swap3A_1131 = vector.shape_cast %swap3A_1130 : vector<1x1x16xf32> to vector<16xf32>
        %swap3A_1132 = vector.shape_cast %add3A_1125 : vector<16xf32> to vector<1x1x16xf32>
        tpu.vector_store %arg8[%swap3A_1127, %swap3A_1128, %swap3A_1129], %swap3A_1132 {strides = array<i32>} : memref<3x256x128xf32, #tpu.memory_space<vmem>>, vector<1x1x16xf32>,
        %get3A_1133 = arith.constant 0 : i32
        %get3A_1134 = arith.index_cast %get3A_1133 : i32 to index
        %get3A_1135 = arith.index_cast %scan3A_1035 : i32 to index
        %get3A_1136 = arith.constant 112 : index
        %get3A_1137 = tpu.vector_load %arg8[%get3A_1134, %get3A_1135, %get3A_1136] {strides = array<i32>} : memref<3x256x128xf32, #tpu.memory_space<vmem>>, vector<1x1x16xf32>,
        %get3A_1138 = vector.shape_cast %get3A_1137 : vector<1x1x16xf32> to vector<16xf32>
        %add3A_1139 = arith.addf %get3A_1138, %get3A_706 : vector<16xf32>
        %swap3A_1140 = arith.constant 0 : i32
        %swap3A_1141 = arith.index_cast %swap3A_1140 : i32 to index
        %swap3A_1142 = arith.index_cast %scan3A_1035 : i32 to index
        %swap3A_1143 = arith.constant 112 : index
        %swap3A_1144 = tpu.vector_load %arg8[%swap3A_1141, %swap3A_1142, %swap3A_1143] {strides = array<i32>} : memref<3x256x128xf32, #tpu.memory_space<vmem>>, vector<1x1x16xf32>,
        %swap3A_1145 = vector.shape_cast %swap3A_1144 : vector<1x1x16xf32> to vector<16xf32>
        %swap3A_1146 = vector.shape_cast %add3A_1139 : vector<16xf32> to vector<1x1x16xf32>
        tpu.vector_store %arg8[%swap3A_1141, %swap3A_1142, %swap3A_1143], %swap3A_1146 {strides = array<i32>} : memref<3x256x128xf32, #tpu.memory_space<vmem>>, vector<1x1x16xf32>,
      }
      %scan3A_712 = arith.constant 256 : i32
      %mul3A_713 = arith.constant 256 : i32
      %mul3A_714 = arith.muli %add3A_577, %mul3A_713 : i32
      %add3A_715 = arith.addi %mul3A_2, %mul3A_714 : i32
      %dma_start3A_716 = arith.constant 0 : i32
      %dma_start3A_717 = arith.constant 0 : i32
      %dma_start3A_718 = arith.constant 0 : i32
      %dma_start3A_719 = tpu.memref_slice %arg8[%dma_start3A_716, %dma_start3A_717, %dma_start3A_718] : memref<3x256x128xf32, #tpu.memory_space<vmem>> -> memref<1x256x128xf32, #tpu.memory_space<vmem>>
      %dma_start3A_720 = tpu.memref_squeeze %dma_start3A_719 : memref<1x256x128xf32, #tpu.memory_space<vmem>> -> memref<256x128xf32, #tpu.memory_space<vmem>>
      %dma_start3A_721 = arith.constant 0 : i32
      %dma_start3A_722 = tpu.memref_slice %arg5[%add3A_715, %dma_start3A_721] : memref<204800x128xf32, #tpu.memory_space<hbm>> -> memref<256x128xf32, #tpu.memory_space<hbm>>
      %dma_start3A_723 = arith.constant 0 : i32
      %dma_start3A_724 = tpu.memref_slice %arg5[%add3A_715, %dma_start3A_723] : memref<204800x128xf32, #tpu.memory_space<hbm>> -> memref<256x128xf32, #tpu.memory_space<hbm>>
      %dma_start3A_725 = arith.constant 0 : i32
      %dma_start3A_726 = arith.constant 0 : i32
      %dma_start3A_727 = tpu.memref_slice %arg8[%dma_start3A_716, %dma_start3A_725, %dma_start3A_726] : memref<3x256x128xf32, #tpu.memory_space<vmem>> -> memref<1x256x128xf32, #tpu.memory_space<vmem>>
      %dma_start3A_728 = tpu.memref_squeeze %dma_start3A_727 : memref<1x256x128xf32, #tpu.memory_space<vmem>> -> memref<256x128xf32, #tpu.memory_space<vmem>>
      tpu.enqueue_dma source(%dma_start3A_728 : memref<256x128xf32, #tpu.memory_space<vmem>>) target(%dma_start3A_724 : memref<256x128xf32, #tpu.memory_space<hbm>>) target_semaphore(%arg12 : memref<!tpu.dma_semaphore, #tpu.memory_space<semaphore_mem>>)
      %add3A_729 = arith.constant 1 : i32
      %add3A_730 = arith.addi %mul3A_575, %add3A_729 : i32
      %dma_wait3A_731 = arith.constant 2 : i32
      %dma_wait3A_732 = arith.constant 0 : i32
      %dma_wait3A_733 = arith.constant 0 : i32
      %dma_wait3A_734 = tpu.memref_slice %arg8[%dma_wait3A_731, %dma_wait3A_732, %dma_wait3A_733] : memref<3x256x128xf32, #tpu.memory_space<vmem>> -> memref<1x256x128xf32, #tpu.memory_space<vmem>>
      %dma_wait3A_735 = tpu.memref_squeeze %dma_wait3A_734 : memref<1x256x128xf32, #tpu.memory_space<vmem>> -> memref<256x128xf32, #tpu.memory_space<vmem>>
      %dma_wait3A_736 = arith.constant 0 : i32
      %dma_wait3A_737 = arith.constant 0 : i32
      %dma_wait3A_738 = tpu.memref_slice %arg5[%dma_wait3A_736, %dma_wait3A_737] : memref<204800x128xf32, #tpu.memory_space<hbm>> -> memref<256x128xf32, #tpu.memory_space<hbm>>
      %dma_wait3A_739 = arith.constant 0 : i32
      %dma_wait3A_740 = arith.constant 0 : i32
      %dma_wait3A_741 = tpu.memref_slice %arg5[%dma_wait3A_739, %dma_wait3A_740] : memref<204800x128xf32, #tpu.memory_space<hbm>> -> memref<256x128xf32, #tpu.memory_space<hbm>>
      %dma_wait3A_742 = arith.constant 0 : i32
      %dma_wait3A_743 = arith.constant 0 : i32
      %dma_wait3A_744 = tpu.memref_slice %arg8[%dma_wait3A_731, %dma_wait3A_742, %dma_wait3A_743] : memref<3x256x128xf32, #tpu.memory_space<vmem>> -> memref<1x256x128xf32, #tpu.memory_space<vmem>>
      %dma_wait3A_745 = tpu.memref_squeeze %dma_wait3A_744 : memref<1x256x128xf32, #tpu.memory_space<vmem>> -> memref<256x128xf32, #tpu.memory_space<vmem>>
      tpu.wait_dma2 semaphore(%arg14 : memref<!tpu.dma_semaphore, #tpu.memory_space<semaphore_mem>>) src(%dma_wait3A_745 : memref<256x128xf32, #tpu.memory_space<vmem>>) dst(%dma_wait3A_741 : memref<256x128xf32, #tpu.memory_space<hbm>>)
      %add3A_746 = arith.constant 1 : i32
      %add3A_747 = arith.addi %add3A_730, %add3A_746 : i32
      %mul3A_748 = arith.constant 256 : i32
      %mul3A_749 = arith.muli %add3A_747, %mul3A_748 : i32
      %add3A_750 = arith.constant 0 : i32
      %add3A_751 = arith.addi %mul3A_749, %add3A_750 : i32
      %dma_start3A_752 = arith.constant 2 : i32
      %dma_start3A_753 = arith.constant 0 : i32
      %dma_start3A_754 = arith.constant 0 : i32
      %dma_start3A_755 = tpu.memref_slice %arg8[%dma_start3A_752, %dma_start3A_753, %dma_start3A_754] : memref<3x256x128xf32, #tpu.memory_space<vmem>> -> memref<1x128x128xf32, #tpu.memory_space<vmem>>
      %dma_start3A_756 = tpu.memref_squeeze %dma_start3A_755 : memref<1x128x128xf32, #tpu.memory_space<vmem>> -> memref<128x128xf32, #tpu.memory_space<vmem>>
      %dma_start3A_757 = tpu.memref_slice %arg6[%add3A_751] : memref<6400xi32, #tpu.memory_space<vmem>> -> memref<128xi32, #tpu.memory_space<vmem>>
      %dma_start3A_758 = arith.constant 0 : i32
      %dma_start3A_759 = arith.constant 0 : i32
      %dma_start3A_760 = tpu.memref_slice %arg3[%dma_start3A_758, %dma_start3A_759] : memref<100001x128xf32, #tpu.memory_space<hbm>> -> memref<100001x128xf32, #tpu.memory_space<hbm>>
      tpu.enqueue_indirect_dma source(%dma_start3A_760 : memref<100001x128xf32, #tpu.memory_space<hbm>>) target(%dma_start3A_756 : memref<128x128xf32, #tpu.memory_space<vmem>>) offsets(%dma_start3A_757 : memref<128xi32, #tpu.memory_space<vmem>>) semaphore(%arg11 : memref<!tpu.dma_semaphore, #tpu.memory_space<semaphore_mem>>)
      %mul3A_761 = arith.constant 256 : i32
      %mul3A_762 = arith.muli %add3A_747, %mul3A_761 : i32
      %add3A_763 = arith.constant 128 : i32
      %add3A_764 = arith.addi %mul3A_762, %add3A_763 : i32
      %dma_start3A_765 = arith.constant 2 : i32
      %dma_start3A_766 = arith.constant 128 : i32
      %dma_start3A_767 = arith.constant 0 : i32
      %dma_start3A_768 = tpu.memref_slice %arg8[%dma_start3A_765, %dma_start3A_766, %dma_start3A_767] : memref<3x256x128xf32, #tpu.memory_space<vmem>> -> memref<1x128x128xf32, #tpu.memory_space<vmem>>
      %dma_start3A_769 = tpu.memref_squeeze %dma_start3A_768 : memref<1x128x128xf32, #tpu.memory_space<vmem>> -> memref<128x128xf32, #tpu.memory_space<vmem>>
      %dma_start3A_770 = tpu.memref_slice %arg6[%add3A_764] : memref<6400xi32, #tpu.memory_space<vmem>> -> memref<128xi32, #tpu.memory_space<vmem>>
      %dma_start3A_771 = arith.constant 0 : i32
      %dma_start3A_772 = arith.constant 0 : i32
      %dma_start3A_773 = tpu.memref_slice %arg3[%dma_start3A_771, %dma_start3A_772] : memref<100001x128xf32, #tpu.memory_space<hbm>> -> memref<100001x128xf32, #tpu.memory_space<hbm>>
      tpu.enqueue_indirect_dma source(%dma_start3A_773 : memref<100001x128xf32, #tpu.memory_space<hbm>>) target(%dma_start3A_769 : memref<128x128xf32, #tpu.memory_space<vmem>>) offsets(%dma_start3A_770 : memref<128xi32, #tpu.memory_space<vmem>>) semaphore(%arg11 : memref<!tpu.dma_semaphore, #tpu.memory_space<semaphore_mem>>)
      %mul3A_774 = arith.constant 256 : i32
      %mul3A_775 = arith.muli %add3A_730, %mul3A_774 : i32
      %add3A_776 = arith.constant 0 : i32
      %add3A_777 = arith.addi %mul3A_775, %add3A_776 : i32
      %dma_wait3A_778 = arith.constant 1 : i32
      %dma_wait3A_779 = arith.constant 0 : i32
      %dma_wait3A_780 = arith.constant 0 : i32
      %dma_wait3A_781 = tpu.memref_slice %arg8[%dma_wait3A_778, %dma_wait3A_779, %dma_wait3A_780] : memref<3x256x128xf32, #tpu.memory_space<vmem>> -> memref<1x128x128xf32, #tpu.memory_space<vmem>>
      %dma_wait3A_782 = tpu.memref_squeeze %dma_wait3A_781 : memref<1x128x128xf32, #tpu.memory_space<vmem>> -> memref<128x128xf32, #tpu.memory_space<vmem>>
      %dma_wait3A_783 = tpu.memref_slice %arg6[%add3A_777] : memref<6400xi32, #tpu.memory_space<vmem>> -> memref<128xi32, #tpu.memory_space<vmem>>
      %dma_wait3A_784 = arith.constant 0 : i32
      %dma_wait3A_785 = arith.constant 0 : i32
      %dma_wait3A_786 = tpu.memref_slice %arg3[%dma_wait3A_784, %dma_wait3A_785] : memref<100001x128xf32, #tpu.memory_space<hbm>> -> memref<100001x128xf32, #tpu.memory_space<hbm>>
      tpu.wait_indirect_dma semaphore(%arg10 : memref<!tpu.dma_semaphore, #tpu.memory_space<semaphore_mem>>) src(%dma_wait3A_786 : memref<100001x128xf32, #tpu.memory_space<hbm>>) dst(%dma_wait3A_782 : memref<128x128xf32, #tpu.memory_space<vmem>>)
      %mul3A_787 = arith.constant 256 : i32
      %mul3A_788 = arith.muli %add3A_730, %mul3A_787 : i32
      %add3A_789 = arith.constant 128 : i32
      %add3A_790 = arith.addi %mul3A_788, %add3A_789 : i32
      %dma_wait3A_791 = arith.constant 1 : i32
      %dma_wait3A_792 = arith.constant 128 : i32
      %dma_wait3A_793 = arith.constant 0 : i32
      %dma_wait3A_794 = tpu.memref_slice %arg8[%dma_wait3A_791, %dma_wait3A_792, %dma_wait3A_793] : memref<3x256x128xf32, #tpu.memory_space<vmem>> -> memref<1x128x128xf32, #tpu.memory_space<vmem>>
      %dma_wait3A_795 = tpu.memref_squeeze %dma_wait3A_794 : memref<1x128x128xf32, #tpu.memory_space<vmem>> -> memref<128x128xf32, #tpu.memory_space<vmem>>
      %dma_wait3A_796 = tpu.memref_slice %arg6[%add3A_790] : memref<6400xi32, #tpu.memory_space<vmem>> -> memref<128xi32, #tpu.memory_space<vmem>>
      %dma_wait3A_797 = arith.constant 0 : i32
      %dma_wait3A_798 = arith.constant 0 : i32
      %dma_wait3A_799 = tpu.memref_slice %arg3[%dma_wait3A_797, %dma_wait3A_798] : memref<100001x128xf32, #tpu.memory_space<hbm>> -> memref<100001x128xf32, #tpu.memory_space<hbm>>
      tpu.wait_indirect_dma semaphore(%arg10 : memref<!tpu.dma_semaphore, #tpu.memory_space<semaphore_mem>>) src(%dma_wait3A_799 : memref<100001x128xf32, #tpu.memory_space<hbm>>) dst(%dma_wait3A_795 : memref<128x128xf32, #tpu.memory_space<vmem>>)
      %mul3A_800 = arith.constant 25 : i32
      %mul3A_801 = arith.muli %mul3A_800, %add3A : i32
      %add3A_802 = arith.addi %mul3A_801, %add3A_730 : i32
      %jit3A_803 = arith.constant 16 : i32
      %div3A_804 = arith.divsi %add3A_802, %jit3A_803 : i32
      %sign3A_805 = arith.constant 0 : i32
      %sign3A_806 = arith.cmpi sgt, %add3A_802, %sign3A_805 : i32
      %sign3A_807 = arith.extui %sign3A_806 : i1 to i32
      %sign3A_808 = arith.constant 0 : i32
      %sign3A_809 = arith.cmpi slt, %add3A_802, %sign3A_808 : i32
      %sign3A_810 = arith.extui %sign3A_809 : i1 to i32
      %sign3A_811 = arith.subi %sign3A_807, %sign3A_810 : i32
      %sign3A_812 = arith.constant 0 : i32
      %sign3A_813 = arith.cmpi sgt, %jit3A_803, %sign3A_812 : i32
      %sign3A_814 = arith.extui %sign3A_813 : i1 to i32
      %sign3A_815 = arith.constant 0 : i32
      %sign3A_816 = arith.cmpi slt, %jit3A_803, %sign3A_815 : i32
      %sign3A_817 = arith.extui %sign3A_816 : i1 to i32
      %sign3A_818 = arith.subi %sign3A_814, %sign3A_817 : i32
      %ne3A_819 = arith.cmpi ne, %sign3A_811, %sign3A_818 : i32
      %rem3A_820 = arith.remsi %add3A_802, %jit3A_803 : i32
      %ne3A_821 = arith.constant 0 : i32
      %ne3A_822 = arith.cmpi ne, %rem3A_820, %ne3A_821 : i32
      %and3A_823 = arith.andi %ne3A_819, %ne3A_822 : i1
      %sub3A_824 = arith.constant 1 : i32
      %sub3A_825 = arith.subi %div3A_804, %sub3A_824 : i32
      %select_n3A_826 = arith.select %and3A_823, %sub3A_825, %div3A_804 : i32
      %sub3A_827 = arith.subi %select_n3A_826, %multiple_of3A : i32
      %get3A_828 = arith.index_cast %sub3A_827 : i32 to index
      %get3A_829 = arith.constant 0 : index
      %get3A_830 = tpu.vector_load %arg7[%get3A_828, %get3A_829] {strides = array<i32>} : memref<16x128xf32, #tpu.memory_space<vmem>>, vector<1x16xf32>,
      %get3A_831 = vector.shape_cast %get3A_830 : vector<1x16xf32> to vector<16xf32>
      %get3A_832 = arith.index_cast %sub3A_827 : i32 to index
      %get3A_833 = arith.constant 16 : index
      %get3A_834 = tpu.vector_load %arg7[%get3A_832, %get3A_833] {strides = array<i32>} : memref<16x128xf32, #tpu.memory_space<vmem>>, vector<1x16xf32>,
      %get3A_835 = vector.shape_cast %get3A_834 : vector<1x16xf32> to vector<16xf32>
      %get3A_836 = arith.index_cast %sub3A_827 : i32 to index
      %get3A_837 = arith.constant 32 : index
      %get3A_838 = tpu.vector_load %arg7[%get3A_836, %get3A_837] {strides = array<i32>} : memref<16x128xf32, #tpu.memory_space<vmem>>, vector<1x16xf32>,
      %get3A_839 = vector.shape_cast %get3A_838 : vector<1x16xf32> to vector<16xf32>
      %get3A_840 = arith.index_cast %sub3A_827 : i32 to index
      %get3A_841 = arith.constant 48 : index
      %get3A_842 = tpu.vector_load %arg7[%get3A_840, %get3A_841] {strides = array<i32>} : memref<16x128xf32, #tpu.memory_space<vmem>>, vector<1x16xf32>,
      %get3A_843 = vector.shape_cast %get3A_842 : vector<1x16xf32> to vector<16xf32>
      %get3A_844 = arith.index_cast %sub3A_827 : i32 to index
      %get3A_845 = arith.constant 64 : index
      %get3A_846 = tpu.vector_load %arg7[%get3A_844, %get3A_845] {strides = array<i32>} : memref<16x128xf32, #tpu.memory_space<vmem>>, vector<1x16xf32>,
      %get3A_847 = vector.shape_cast %get3A_846 : vector<1x16xf32> to vector<16xf32>
      %get3A_848 = arith.index_cast %sub3A_827 : i32 to index
      %get3A_849 = arith.constant 80 : index
      %get3A_850 = tpu.vector_load %arg7[%get3A_848, %get3A_849] {strides = array<i32>} : memref<16x128xf32, #tpu.memory_space<vmem>>, vector<1x16xf32>,
      %get3A_851 = vector.shape_cast %get3A_850 : vector<1x16xf32> to vector<16xf32>
      %get3A_852 = arith.index_cast %sub3A_827 : i32 to index
      %get3A_853 = arith.constant 96 : index
      %get3A_854 = tpu.vector_load %arg7[%get3A_852, %get3A_853] {strides = array<i32>} : memref<16x128xf32, #tpu.memory_space<vmem>>, vector<1x16xf32>,
      %get3A_855 = vector.shape_cast %get3A_854 : vector<1x16xf32> to vector<16xf32>
      %get3A_856 = arith.index_cast %sub3A_827 : i32 to index
      %get3A_857 = arith.constant 112 : index
      %get3A_858 = tpu.vector_load %arg7[%get3A_856, %get3A_857] {strides = array<i32>} : memref<16x128xf32, #tpu.memory_space<vmem>>, vector<1x16xf32>,
      %get3A_859 = vector.shape_cast %get3A_858 : vector<1x16xf32> to vector<16xf32>
      %scan3A_860 = arith.constant 0 : i32
      %scan3A_861 = arith.constant 0 : i32
      %scan3A_862 = arith.constant 256 : i32
      %scan3A_863 = arith.addi %scan3A_861, %scan3A_862 : i32
      %scan3A_864 = arith.constant 1 : i32
      scf.for %scan3A_1035 = %scan3A_861 to %scan3A_863 step %scan3A_864  : i32 {
        %get3A_1036 = arith.constant 1 : i32
        %get3A_1037 = arith.index_cast %get3A_1036 : i32 to index
        %get3A_1038 = arith.index_cast %scan3A_1035 : i32 to index
        %get3A_1039 = arith.constant 0 : index
        %get3A_1040 = tpu.vector_load %arg8[%get3A_1037, %get3A_1038, %get3A_1039] {strides = array<i32>} : memref<3x256x128xf32, #tpu.memory_space<vmem>>, vector<1x1x16xf32>,
        %get3A_1041 = vector.shape_cast %get3A_1040 : vector<1x1x16xf32> to vector<16xf32>
        %add3A_1042 = arith.addf %get3A_1041, %get3A_831 : vector<16xf32>
        %swap3A = arith.constant 1 : i32
        %swap3A_1043 = arith.index_cast %swap3A : i32 to index
        %swap3A_1044 = arith.index_cast %scan3A_1035 : i32 to index
        %swap3A_1045 = arith.constant 0 : index
        %swap3A_1046 = tpu.vector_load %arg8[%swap3A_1043, %swap3A_1044, %swap3A_1045] {strides = array<i32>} : memref<3x256x128xf32, #tpu.memory_space<vmem>>, vector<1x1x16xf32>,
        %swap3A_1047 = vector.shape_cast %swap3A_1046 : vector<1x1x16xf32> to vector<16xf32>
        %swap3A_1048 = vector.shape_cast %add3A_1042 : vector<16xf32> to vector<1x1x16xf32>
        tpu.vector_store %arg8[%swap3A_1043, %swap3A_1044, %swap3A_1045], %swap3A_1048 {strides = array<i32>} : memref<3x256x128xf32, #tpu.memory_space<vmem>>, vector<1x1x16xf32>,
        %get3A_1049 = arith.constant 1 : i32
        %get3A_1050 = arith.index_cast %get3A_1049 : i32 to index
        %get3A_1051 = arith.index_cast %scan3A_1035 : i32 to index
        %get3A_1052 = arith.constant 16 : index
        %get3A_1053 = tpu.vector_load %arg8[%get3A_1050, %get3A_1051, %get3A_1052] {strides = array<i32>} : memref<3x256x128xf32, #tpu.memory_space<vmem>>, vector<1x1x16xf32>,
        %get3A_1054 = vector.shape_cast %get3A_1053 : vector<1x1x16xf32> to vector<16xf32>
        %add3A_1055 = arith.addf %get3A_1054, %get3A_835 : vector<16xf32>
        %swap3A_1056 = arith.constant 1 : i32
        %swap3A_1057 = arith.index_cast %swap3A_1056 : i32 to index
        %swap3A_1058 = arith.index_cast %scan3A_1035 : i32 to index
        %swap3A_1059 = arith.constant 16 : index
        %swap3A_1060 = tpu.vector_load %arg8[%swap3A_1057, %swap3A_1058, %swap3A_1059] {strides = array<i32>} : memref<3x256x128xf32, #tpu.memory_space<vmem>>, vector<1x1x16xf32>,
        %swap3A_1061 = vector.shape_cast %swap3A_1060 : vector<1x1x16xf32> to vector<16xf32>
        %swap3A_1062 = vector.shape_cast %add3A_1055 : vector<16xf32> to vector<1x1x16xf32>
        tpu.vector_store %arg8[%swap3A_1057, %swap3A_1058, %swap3A_1059], %swap3A_1062 {strides = array<i32>} : memref<3x256x128xf32, #tpu.memory_space<vmem>>, vector<1x1x16xf32>,
        %get3A_1063 = arith.constant 1 : i32
        %get3A_1064 = arith.index_cast %get3A_1063 : i32 to index
        %get3A_1065 = arith.index_cast %scan3A_1035 : i32 to index
        %get3A_1066 = arith.constant 32 : index
        %get3A_1067 = tpu.vector_load %arg8[%get3A_1064, %get3A_1065, %get3A_1066] {strides = array<i32>} : memref<3x256x128xf32, #tpu.memory_space<vmem>>, vector<1x1x16xf32>,
        %get3A_1068 = vector.shape_cast %get3A_1067 : vector<1x1x16xf32> to vector<16xf32>
        %add3A_1069 = arith.addf %get3A_1068, %get3A_839 : vector<16xf32>
        %swap3A_1070 = arith.constant 1 : i32
        %swap3A_1071 = arith.index_cast %swap3A_1070 : i32 to index
        %swap3A_1072 = arith.index_cast %scan3A_1035 : i32 to index
        %swap3A_1073 = arith.constant 32 : index
        %swap3A_1074 = tpu.vector_load %arg8[%swap3A_1071, %swap3A_1072, %swap3A_1073] {strides = array<i32>} : memref<3x256x128xf32, #tpu.memory_space<vmem>>, vector<1x1x16xf32>,
        %swap3A_1075 = vector.shape_cast %swap3A_1074 : vector<1x1x16xf32> to vector<16xf32>
        %swap3A_1076 = vector.shape_cast %add3A_1069 : vector<16xf32> to vector<1x1x16xf32>
        tpu.vector_store %arg8[%swap3A_1071, %swap3A_1072, %swap3A_1073], %swap3A_1076 {strides = array<i32>} : memref<3x256x128xf32, #tpu.memory_space<vmem>>, vector<1x1x16xf32>,
        %get3A_1077 = arith.constant 1 : i32
        %get3A_1078 = arith.index_cast %get3A_1077 : i32 to index
        %get3A_1079 = arith.index_cast %scan3A_1035 : i32 to index
        %get3A_1080 = arith.constant 48 : index
        %get3A_1081 = tpu.vector_load %arg8[%get3A_1078, %get3A_1079, %get3A_1080] {strides = array<i32>} : memref<3x256x128xf32, #tpu.memory_space<vmem>>, vector<1x1x16xf32>,
        %get3A_1082 = vector.shape_cast %get3A_1081 : vector<1x1x16xf32> to vector<16xf32>
        %add3A_1083 = arith.addf %get3A_1082, %get3A_843 : vector<16xf32>
        %swap3A_1084 = arith.constant 1 : i32
        %swap3A_1085 = arith.index_cast %swap3A_1084 : i32 to index
        %swap3A_1086 = arith.index_cast %scan3A_1035 : i32 to index
        %swap3A_1087 = arith.constant 48 : index
        %swap3A_1088 = tpu.vector_load %arg8[%swap3A_1085, %swap3A_1086, %swap3A_1087] {strides = array<i32>} : memref<3x256x128xf32, #tpu.memory_space<vmem>>, vector<1x1x16xf32>,
        %swap3A_1089 = vector.shape_cast %swap3A_1088 : vector<1x1x16xf32> to vector<16xf32>
        %swap3A_1090 = vector.shape_cast %add3A_1083 : vector<16xf32> to vector<1x1x16xf32>
        tpu.vector_store %arg8[%swap3A_1085, %swap3A_1086, %swap3A_1087], %swap3A_1090 {strides = array<i32>} : memref<3x256x128xf32, #tpu.memory_space<vmem>>, vector<1x1x16xf32>,
        %get3A_1091 = arith.constant 1 : i32
        %get3A_1092 = arith.index_cast %get3A_1091 : i32 to index
        %get3A_1093 = arith.index_cast %scan3A_1035 : i32 to index
        %get3A_1094 = arith.constant 64 : index
        %get3A_1095 = tpu.vector_load %arg8[%get3A_1092, %get3A_1093, %get3A_1094] {strides = array<i32>} : memref<3x256x128xf32, #tpu.memory_space<vmem>>, vector<1x1x16xf32>,
        %get3A_1096 = vector.shape_cast %get3A_1095 : vector<1x1x16xf32> to vector<16xf32>
        %add3A_1097 = arith.addf %get3A_1096, %get3A_847 : vector<16xf32>
        %swap3A_1098 = arith.constant 1 : i32
        %swap3A_1099 = arith.index_cast %swap3A_1098 : i32 to index
        %swap3A_1100 = arith.index_cast %scan3A_1035 : i32 to index
        %swap3A_1101 = arith.constant 64 : index
        %swap3A_1102 = tpu.vector_load %arg8[%swap3A_1099, %swap3A_1100, %swap3A_1101] {strides = array<i32>} : memref<3x256x128xf32, #tpu.memory_space<vmem>>, vector<1x1x16xf32>,
        %swap3A_1103 = vector.shape_cast %swap3A_1102 : vector<1x1x16xf32> to vector<16xf32>
        %swap3A_1104 = vector.shape_cast %add3A_1097 : vector<16xf32> to vector<1x1x16xf32>
        tpu.vector_store %arg8[%swap3A_1099, %swap3A_1100, %swap3A_1101], %swap3A_1104 {strides = array<i32>} : memref<3x256x128xf32, #tpu.memory_space<vmem>>, vector<1x1x16xf32>,
        %get3A_1105 = arith.constant 1 : i32
        %get3A_1106 = arith.index_cast %get3A_1105 : i32 to index
        %get3A_1107 = arith.index_cast %scan3A_1035 : i32 to index
        %get3A_1108 = arith.constant 80 : index
        %get3A_1109 = tpu.vector_load %arg8[%get3A_1106, %get3A_1107, %get3A_1108] {strides = array<i32>} : memref<3x256x128xf32, #tpu.memory_space<vmem>>, vector<1x1x16xf32>,
        %get3A_1110 = vector.shape_cast %get3A_1109 : vector<1x1x16xf32> to vector<16xf32>
        %add3A_1111 = arith.addf %get3A_1110, %get3A_851 : vector<16xf32>
        %swap3A_1112 = arith.constant 1 : i32
        %swap3A_1113 = arith.index_cast %swap3A_1112 : i32 to index
        %swap3A_1114 = arith.index_cast %scan3A_1035 : i32 to index
        %swap3A_1115 = arith.constant 80 : index
        %swap3A_1116 = tpu.vector_load %arg8[%swap3A_1113, %swap3A_1114, %swap3A_1115] {strides = array<i32>} : memref<3x256x128xf32, #tpu.memory_space<vmem>>, vector<1x1x16xf32>,
        %swap3A_1117 = vector.shape_cast %swap3A_1116 : vector<1x1x16xf32> to vector<16xf32>
        %swap3A_1118 = vector.shape_cast %add3A_1111 : vector<16xf32> to vector<1x1x16xf32>
        tpu.vector_store %arg8[%swap3A_1113, %swap3A_1114, %swap3A_1115], %swap3A_1118 {strides = array<i32>} : memref<3x256x128xf32, #tpu.memory_space<vmem>>, vector<1x1x16xf32>,
        %get3A_1119 = arith.constant 1 : i32
        %get3A_1120 = arith.index_cast %get3A_1119 : i32 to index
        %get3A_1121 = arith.index_cast %scan3A_1035 : i32 to index
        %get3A_1122 = arith.constant 96 : index
        %get3A_1123 = tpu.vector_load %arg8[%get3A_1120, %get3A_1121, %get3A_1122] {strides = array<i32>} : memref<3x256x128xf32, #tpu.memory_space<vmem>>, vector<1x1x16xf32>,
        %get3A_1124 = vector.shape_cast %get3A_1123 : vector<1x1x16xf32> to vector<16xf32>
        %add3A_1125 = arith.addf %get3A_1124, %get3A_855 : vector<16xf32>
        %swap3A_1126 = arith.constant 1 : i32
        %swap3A_1127 = arith.index_cast %swap3A_1126 : i32 to index
        %swap3A_1128 = arith.index_cast %scan3A_1035 : i32 to index
        %swap3A_1129 = arith.constant 96 : index
        %swap3A_1130 = tpu.vector_load %arg8[%swap3A_1127, %swap3A_1128, %swap3A_1129] {strides = array<i32>} : memref<3x256x128xf32, #tpu.memory_space<vmem>>, vector<1x1x16xf32>,
        %swap3A_1131 = vector.shape_cast %swap3A_1130 : vector<1x1x16xf32> to vector<16xf32>
        %swap3A_1132 = vector.shape_cast %add3A_1125 : vector<16xf32> to vector<1x1x16xf32>
        tpu.vector_store %arg8[%swap3A_1127, %swap3A_1128, %swap3A_1129], %swap3A_1132 {strides = array<i32>} : memref<3x256x128xf32, #tpu.memory_space<vmem>>, vector<1x1x16xf32>,
        %get3A_1133 = arith.constant 1 : i32
        %get3A_1134 = arith.index_cast %get3A_1133 : i32 to index
        %get3A_1135 = arith.index_cast %scan3A_1035 : i32 to index
        %get3A_1136 = arith.constant 112 : index
        %get3A_1137 = tpu.vector_load %arg8[%get3A_1134, %get3A_1135, %get3A_1136] {strides = array<i32>} : memref<3x256x128xf32, #tpu.memory_space<vmem>>, vector<1x1x16xf32>,
        %get3A_1138 = vector.shape_cast %get3A_1137 : vector<1x1x16xf32> to vector<16xf32>
        %add3A_1139 = arith.addf %get3A_1138, %get3A_859 : vector<16xf32>
        %swap3A_1140 = arith.constant 1 : i32
        %swap3A_1141 = arith.index_cast %swap3A_1140 : i32 to index
        %swap3A_1142 = arith.index_cast %scan3A_1035 : i32 to index
        %swap3A_1143 = arith.constant 112 : index
        %swap3A_1144 = tpu.vector_load %arg8[%swap3A_1141, %swap3A_1142, %swap3A_1143] {strides = array<i32>} : memref<3x256x128xf32, #tpu.memory_space<vmem>>, vector<1x1x16xf32>,
        %swap3A_1145 = vector.shape_cast %swap3A_1144 : vector<1x1x16xf32> to vector<16xf32>
        %swap3A_1146 = vector.shape_cast %add3A_1139 : vector<16xf32> to vector<1x1x16xf32>
        tpu.vector_store %arg8[%swap3A_1141, %swap3A_1142, %swap3A_1143], %swap3A_1146 {strides = array<i32>} : memref<3x256x128xf32, #tpu.memory_space<vmem>>, vector<1x1x16xf32>,
      }
      %scan3A_865 = arith.constant 256 : i32
      %mul3A_866 = arith.constant 256 : i32
      %mul3A_867 = arith.muli %add3A_730, %mul3A_866 : i32
      %add3A_868 = arith.addi %mul3A_2, %mul3A_867 : i32
      %dma_start3A_869 = arith.constant 1 : i32
      %dma_start3A_870 = arith.constant 0 : i32
      %dma_start3A_871 = arith.constant 0 : i32
      %dma_start3A_872 = tpu.memref_slice %arg8[%dma_start3A_869, %dma_start3A_870, %dma_start3A_871] : memref<3x256x128xf32, #tpu.memory_space<vmem>> -> memref<1x256x128xf32, #tpu.memory_space<vmem>>
      %dma_start3A_873 = tpu.memref_squeeze %dma_start3A_872 : memref<1x256x128xf32, #tpu.memory_space<vmem>> -> memref<256x128xf32, #tpu.memory_space<vmem>>
      %dma_start3A_874 = arith.constant 0 : i32
      %dma_start3A_875 = tpu.memref_slice %arg5[%add3A_868, %dma_start3A_874] : memref<204800x128xf32, #tpu.memory_space<hbm>> -> memref<256x128xf32, #tpu.memory_space<hbm>>
      %dma_start3A_876 = arith.constant 0 : i32
      %dma_start3A_877 = tpu.memref_slice %arg5[%add3A_868, %dma_start3A_876] : memref<204800x128xf32, #tpu.memory_space<hbm>> -> memref<256x128xf32, #tpu.memory_space<hbm>>
      %dma_start3A_878 = arith.constant 0 : i32
      %dma_start3A_879 = arith.constant 0 : i32
      %dma_start3A_880 = tpu.memref_slice %arg8[%dma_start3A_869, %dma_start3A_878, %dma_start3A_879] : memref<3x256x128xf32, #tpu.memory_space<vmem>> -> memref<1x256x128xf32, #tpu.memory_space<vmem>>
      %dma_start3A_881 = tpu.memref_squeeze %dma_start3A_880 : memref<1x256x128xf32, #tpu.memory_space<vmem>> -> memref<256x128xf32, #tpu.memory_space<vmem>>
      tpu.enqueue_dma source(%dma_start3A_881 : memref<256x128xf32, #tpu.memory_space<vmem>>) target(%dma_start3A_877 : memref<256x128xf32, #tpu.memory_space<hbm>>) target_semaphore(%arg13 : memref<!tpu.dma_semaphore, #tpu.memory_space<semaphore_mem>>)
      %add3A_882 = arith.constant 2 : i32
      %add3A_883 = arith.addi %mul3A_575, %add3A_882 : i32
      %dma_wait3A_884 = arith.constant 0 : i32
      %dma_wait3A_885 = arith.constant 0 : i32
      %dma_wait3A_886 = arith.constant 0 : i32
      %dma_wait3A_887 = tpu.memref_slice %arg8[%dma_wait3A_884, %dma_wait3A_885, %dma_wait3A_886] : memref<3x256x128xf32, #tpu.memory_space<vmem>> -> memref<1x256x128xf32, #tpu.memory_space<vmem>>
      %dma_wait3A_888 = tpu.memref_squeeze %dma_wait3A_887 : memref<1x256x128xf32, #tpu.memory_space<vmem>> -> memref<256x128xf32, #tpu.memory_space<vmem>>
      %dma_wait3A_889 = arith.constant 0 : i32
      %dma_wait3A_890 = arith.constant 0 : i32
      %dma_wait3A_891 = tpu.memref_slice %arg5[%dma_wait3A_889, %dma_wait3A_890] : memref<204800x128xf32, #tpu.memory_space<hbm>> -> memref<256x128xf32, #tpu.memory_space<hbm>>
      %dma_wait3A_892 = arith.constant 0 : i32
      %dma_wait3A_893 = arith.constant 0 : i32
      %dma_wait3A_894 = tpu.memref_slice %arg5[%dma_wait3A_892, %dma_wait3A_893] : memref<204800x128xf32, #tpu.memory_space<hbm>> -> memref<256x128xf32, #tpu.memory_space<hbm>>
      %dma_wait3A_895 = arith.constant 0 : i32
      %dma_wait3A_896 = arith.constant 0 : i32
      %dma_wait3A_897 = tpu.memref_slice %arg8[%dma_wait3A_884, %dma_wait3A_895, %dma_wait3A_896] : memref<3x256x128xf32, #tpu.memory_space<vmem>> -> memref<1x256x128xf32, #tpu.memory_space<vmem>>
      %dma_wait3A_898 = tpu.memref_squeeze %dma_wait3A_897 : memref<1x256x128xf32, #tpu.memory_space<vmem>> -> memref<256x128xf32, #tpu.memory_space<vmem>>
      tpu.wait_dma2 semaphore(%arg12 : memref<!tpu.dma_semaphore, #tpu.memory_space<semaphore_mem>>) src(%dma_wait3A_898 : memref<256x128xf32, #tpu.memory_space<vmem>>) dst(%dma_wait3A_894 : memref<256x128xf32, #tpu.memory_space<hbm>>)
      %add3A_899 = arith.constant 1 : i32
      %add3A_900 = arith.addi %add3A_883, %add3A_899 : i32
      %mul3A_901 = arith.constant 256 : i32
      %mul3A_902 = arith.muli %add3A_900, %mul3A_901 : i32
      %add3A_903 = arith.constant 0 : i32
      %add3A_904 = arith.addi %mul3A_902, %add3A_903 : i32
      %dma_start3A_905 = arith.constant 0 : i32
      %dma_start3A_906 = arith.constant 0 : i32
      %dma_start3A_907 = arith.constant 0 : i32
      %dma_start3A_908 = tpu.memref_slice %arg8[%dma_start3A_905, %dma_start3A_906, %dma_start3A_907] : memref<3x256x128xf32, #tpu.memory_space<vmem>> -> memref<1x128x128xf32, #tpu.memory_space<vmem>>
      %dma_start3A_909 = tpu.memref_squeeze %dma_start3A_908 : memref<1x128x128xf32, #tpu.memory_space<vmem>> -> memref<128x128xf32, #tpu.memory_space<vmem>>
      %dma_start3A_910 = tpu.memref_slice %arg6[%add3A_904] : memref<6400xi32, #tpu.memory_space<vmem>> -> memref<128xi32, #tpu.memory_space<vmem>>
      %dma_start3A_911 = arith.constant 0 : i32
      %dma_start3A_912 = arith.constant 0 : i32
      %dma_start3A_913 = tpu.memref_slice %arg3[%dma_start3A_911, %dma_start3A_912] : memref<100001x128xf32, #tpu.memory_space<hbm>> -> memref<100001x128xf32, #tpu.memory_space<hbm>>
      tpu.enqueue_indirect_dma source(%dma_start3A_913 : memref<100001x128xf32, #tpu.memory_space<hbm>>) target(%dma_start3A_909 : memref<128x128xf32, #tpu.memory_space<vmem>>) offsets(%dma_start3A_910 : memref<128xi32, #tpu.memory_space<vmem>>) semaphore(%arg9 : memref<!tpu.dma_semaphore, #tpu.memory_space<semaphore_mem>>)
      %mul3A_914 = arith.constant 256 : i32
      %mul3A_915 = arith.muli %add3A_900, %mul3A_914 : i32
      %add3A_916 = arith.constant 128 : i32
      %add3A_917 = arith.addi %mul3A_915, %add3A_916 : i32
      %dma_start3A_918 = arith.constant 0 : i32
      %dma_start3A_919 = arith.constant 128 : i32
      %dma_start3A_920 = arith.constant 0 : i32
      %dma_start3A_921 = tpu.memref_slice %arg8[%dma_start3A_918, %dma_start3A_919, %dma_start3A_920] : memref<3x256x128xf32, #tpu.memory_space<vmem>> -> memref<1x128x128xf32, #tpu.memory_space<vmem>>
      %dma_start3A_922 = tpu.memref_squeeze %dma_start3A_921 : memref<1x128x128xf32, #tpu.memory_space<vmem>> -> memref<128x128xf32, #tpu.memory_space<vmem>>
      %dma_start3A_923 = tpu.memref_slice %arg6[%add3A_917] : memref<6400xi32, #tpu.memory_space<vmem>> -> memref<128xi32, #tpu.memory_space<vmem>>
      %dma_start3A_924 = arith.constant 0 : i32
      %dma_start3A_925 = arith.constant 0 : i32
      %dma_start3A_926 = tpu.memref_slice %arg3[%dma_start3A_924, %dma_start3A_925] : memref<100001x128xf32, #tpu.memory_space<hbm>> -> memref<100001x128xf32, #tpu.memory_space<hbm>>
      tpu.enqueue_indirect_dma source(%dma_start3A_926 : memref<100001x128xf32, #tpu.memory_space<hbm>>) target(%dma_start3A_922 : memref<128x128xf32, #tpu.memory_space<vmem>>) offsets(%dma_start3A_923 : memref<128xi32, #tpu.memory_space<vmem>>) semaphore(%arg9 : memref<!tpu.dma_semaphore, #tpu.memory_space<semaphore_mem>>)
      %mul3A_927 = arith.constant 256 : i32
      %mul3A_928 = arith.muli %add3A_883, %mul3A_927 : i32
      %add3A_929 = arith.constant 0 : i32
      %add3A_930 = arith.addi %mul3A_928, %add3A_929 : i32
      %dma_wait3A_931 = arith.constant 2 : i32
      %dma_wait3A_932 = arith.constant 0 : i32
      %dma_wait3A_933 = arith.constant 0 : i32
      %dma_wait3A_934 = tpu.memref_slice %arg8[%dma_wait3A_931, %dma_wait3A_932, %dma_wait3A_933] : memref<3x256x128xf32, #tpu.memory_space<vmem>> -> memref<1x128x128xf32, #tpu.memory_space<vmem>>
      %dma_wait3A_935 = tpu.memref_squeeze %dma_wait3A_934 : memref<1x128x128xf32, #tpu.memory_space<vmem>> -> memref<128x128xf32, #tpu.memory_space<vmem>>
      %dma_wait3A_936 = tpu.memref_slice %arg6[%add3A_930] : memref<6400xi32, #tpu.memory_space<vmem>> -> memref<128xi32, #tpu.memory_space<vmem>>
      %dma_wait3A_937 = arith.constant 0 : i32
      %dma_wait3A_938 = arith.constant 0 : i32
      %dma_wait3A_939 = tpu.memref_slice %arg3[%dma_wait3A_937, %dma_wait3A_938] : memref<100001x128xf32, #tpu.memory_space<hbm>> -> memref<100001x128xf32, #tpu.memory_space<hbm>>
      tpu.wait_indirect_dma semaphore(%arg11 : memref<!tpu.dma_semaphore, #tpu.memory_space<semaphore_mem>>) src(%dma_wait3A_939 : memref<100001x128xf32, #tpu.memory_space<hbm>>) dst(%dma_wait3A_935 : memref<128x128xf32, #tpu.memory_space<vmem>>)
      %mul3A_940 = arith.constant 256 : i32
      %mul3A_941 = arith.muli %add3A_883, %mul3A_940 : i32
      %add3A_942 = arith.constant 128 : i32
      %add3A_943 = arith.addi %mul3A_941, %add3A_942 : i32
      %dma_wait3A_944 = arith.constant 2 : i32
      %dma_wait3A_945 = arith.constant 128 : i32
      %dma_wait3A_946 = arith.constant 0 : i32
      %dma_wait3A_947 = tpu.memref_slice %arg8[%dma_wait3A_944, %dma_wait3A_945, %dma_wait3A_946] : memref<3x256x128xf32, #tpu.memory_space<vmem>> -> memref<1x128x128xf32, #tpu.memory_space<vmem>>
      %dma_wait3A_948 = tpu.memref_squeeze %dma_wait3A_947 : memref<1x128x128xf32, #tpu.memory_space<vmem>> -> memref<128x128xf32, #tpu.memory_space<vmem>>
      %dma_wait3A_949 = tpu.memref_slice %arg6[%add3A_943] : memref<6400xi32, #tpu.memory_space<vmem>> -> memref<128xi32, #tpu.memory_space<vmem>>
      %dma_wait3A_950 = arith.constant 0 : i32
      %dma_wait3A_951 = arith.constant 0 : i32
      %dma_wait3A_952 = tpu.memref_slice %arg3[%dma_wait3A_950, %dma_wait3A_951] : memref<100001x128xf32, #tpu.memory_space<hbm>> -> memref<100001x128xf32, #tpu.memory_space<hbm>>
      tpu.wait_indirect_dma semaphore(%arg11 : memref<!tpu.dma_semaphore, #tpu.memory_space<semaphore_mem>>) src(%dma_wait3A_952 : memref<100001x128xf32, #tpu.memory_space<hbm>>) dst(%dma_wait3A_948 : memref<128x128xf32, #tpu.memory_space<vmem>>)
      %mul3A_953 = arith.constant 25 : i32
      %mul3A_954 = arith.muli %mul3A_953, %add3A : i32
      %add3A_955 = arith.addi %mul3A_954, %add3A_883 : i32
      %jit3A_956 = arith.constant 16 : i32
      %div3A_957 = arith.divsi %add3A_955, %jit3A_956 : i32
      %sign3A_958 = arith.constant 0 : i32
      %sign3A_959 = arith.cmpi sgt, %add3A_955, %sign3A_958 : i32
      %sign3A_960 = arith.extui %sign3A_959 : i1 to i32
      %sign3A_961 = arith.constant 0 : i32
      %sign3A_962 = arith.cmpi slt, %add3A_955, %sign3A_961 : i32
      %sign3A_963 = arith.extui %sign3A_962 : i1 to i32
      %sign3A_964 = arith.subi %sign3A_960, %sign3A_963 : i32
      %sign3A_965 = arith.constant 0 : i32
      %sign3A_966 = arith.cmpi sgt, %jit3A_956, %sign3A_965 : i32
      %sign3A_967 = arith.extui %sign3A_966 : i1 to i32
      %sign3A_968 = arith.constant 0 : i32
      %sign3A_969 = arith.cmpi slt, %jit3A_956, %sign3A_968 : i32
      %sign3A_970 = arith.extui %sign3A_969 : i1 to i32
      %sign3A_971 = arith.subi %sign3A_967, %sign3A_970 : i32
      %ne3A_972 = arith.cmpi ne, %sign3A_964, %sign3A_971 : i32
      %rem3A_973 = arith.remsi %add3A_955, %jit3A_956 : i32
      %ne3A_974 = arith.constant 0 : i32
      %ne3A_975 = arith.cmpi ne, %rem3A_973, %ne3A_974 : i32
      %and3A_976 = arith.andi %ne3A_972, %ne3A_975 : i1
      %sub3A_977 = arith.constant 1 : i32
      %sub3A_978 = arith.subi %div3A_957, %sub3A_977 : i32
      %select_n3A_979 = arith.select %and3A_976, %sub3A_978, %div3A_957 : i32
      %sub3A_980 = arith.subi %select_n3A_979, %multiple_of3A : i32
      %get3A_981 = arith.index_cast %sub3A_980 : i32 to index
      %get3A_982 = arith.constant 0 : index
      %get3A_983 = tpu.vector_load %arg7[%get3A_981, %get3A_982] {strides = array<i32>} : memref<16x128xf32, #tpu.memory_space<vmem>>, vector<1x16xf32>,
      %get3A_984 = vector.shape_cast %get3A_983 : vector<1x16xf32> to vector<16xf32>
      %get3A_985 = arith.index_cast %sub3A_980 : i32 to index
      %get3A_986 = arith.constant 16 : index
      %get3A_987 = tpu.vector_load %arg7[%get3A_985, %get3A_986] {strides = array<i32>} : memref<16x128xf32, #tpu.memory_space<vmem>>, vector<1x16xf32>,
      %get3A_988 = vector.shape_cast %get3A_987 : vector<1x16xf32> to vector<16xf32>
      %get3A_989 = arith.index_cast %sub3A_980 : i32 to index
      %get3A_990 = arith.constant 32 : index
      %get3A_991 = tpu.vector_load %arg7[%get3A_989, %get3A_990] {strides = array<i32>} : memref<16x128xf32, #tpu.memory_space<vmem>>, vector<1x16xf32>,
      %get3A_992 = vector.shape_cast %get3A_991 : vector<1x16xf32> to vector<16xf32>
      %get3A_993 = arith.index_cast %sub3A_980 : i32 to index
      %get3A_994 = arith.constant 48 : index
      %get3A_995 = tpu.vector_load %arg7[%get3A_993, %get3A_994] {strides = array<i32>} : memref<16x128xf32, #tpu.memory_space<vmem>>, vector<1x16xf32>,
      %get3A_996 = vector.shape_cast %get3A_995 : vector<1x16xf32> to vector<16xf32>
      %get3A_997 = arith.index_cast %sub3A_980 : i32 to index
      %get3A_998 = arith.constant 64 : index
      %get3A_999 = tpu.vector_load %arg7[%get3A_997, %get3A_998] {strides = array<i32>} : memref<16x128xf32, #tpu.memory_space<vmem>>, vector<1x16xf32>,
      %get3A_1000 = vector.shape_cast %get3A_999 : vector<1x16xf32> to vector<16xf32>
      %get3A_1001 = arith.index_cast %sub3A_980 : i32 to index
      %get3A_1002 = arith.constant 80 : index
      %get3A_1003 = tpu.vector_load %arg7[%get3A_1001, %get3A_1002] {strides = array<i32>} : memref<16x128xf32, #tpu.memory_space<vmem>>, vector<1x16xf32>,
      %get3A_1004 = vector.shape_cast %get3A_1003 : vector<1x16xf32> to vector<16xf32>
      %get3A_1005 = arith.index_cast %sub3A_980 : i32 to index
      %get3A_1006 = arith.constant 96 : index
      %get3A_1007 = tpu.vector_load %arg7[%get3A_1005, %get3A_1006] {strides = array<i32>} : memref<16x128xf32, #tpu.memory_space<vmem>>, vector<1x16xf32>,
      %get3A_1008 = vector.shape_cast %get3A_1007 : vector<1x16xf32> to vector<16xf32>
      %get3A_1009 = arith.index_cast %sub3A_980 : i32 to index
      %get3A_1010 = arith.constant 112 : index
      %get3A_1011 = tpu.vector_load %arg7[%get3A_1009, %get3A_1010] {strides = array<i32>} : memref<16x128xf32, #tpu.memory_space<vmem>>, vector<1x16xf32>,
      %get3A_1012 = vector.shape_cast %get3A_1011 : vector<1x16xf32> to vector<16xf32>
      %scan3A_1013 = arith.constant 0 : i32
      %scan3A_1014 = arith.constant 0 : i32
      %scan3A_1015 = arith.constant 256 : i32
      %scan3A_1016 = arith.addi %scan3A_1014, %scan3A_1015 : i32
      %scan3A_1017 = arith.constant 1 : i32
      scf.for %scan3A_1035 = %scan3A_1014 to %scan3A_1016 step %scan3A_1017  : i32 {
        %get3A_1036 = arith.constant 2 : i32
        %get3A_1037 = arith.index_cast %get3A_1036 : i32 to index
        %get3A_1038 = arith.index_cast %scan3A_1035 : i32 to index
        %get3A_1039 = arith.constant 0 : index
        %get3A_1040 = tpu.vector_load %arg8[%get3A_1037, %get3A_1038, %get3A_1039] {strides = array<i32>} : memref<3x256x128xf32, #tpu.memory_space<vmem>>, vector<1x1x16xf32>,
        %get3A_1041 = vector.shape_cast %get3A_1040 : vector<1x1x16xf32> to vector<16xf32>
        %add3A_1042 = arith.addf %get3A_1041, %get3A_984 : vector<16xf32>
        %swap3A = arith.constant 2 : i32
        %swap3A_1043 = arith.index_cast %swap3A : i32 to index
        %swap3A_1044 = arith.index_cast %scan3A_1035 : i32 to index
        %swap3A_1045 = arith.constant 0 : index
        %swap3A_1046 = tpu.vector_load %arg8[%swap3A_1043, %swap3A_1044, %swap3A_1045] {strides = array<i32>} : memref<3x256x128xf32, #tpu.memory_space<vmem>>, vector<1x1x16xf32>,
        %swap3A_1047 = vector.shape_cast %swap3A_1046 : vector<1x1x16xf32> to vector<16xf32>
        %swap3A_1048 = vector.shape_cast %add3A_1042 : vector<16xf32> to vector<1x1x16xf32>
        tpu.vector_store %arg8[%swap3A_1043, %swap3A_1044, %swap3A_1045], %swap3A_1048 {strides = array<i32>} : memref<3x256x128xf32, #tpu.memory_space<vmem>>, vector<1x1x16xf32>,
        %get3A_1049 = arith.constant 2 : i32
        %get3A_1050 = arith.index_cast %get3A_1049 : i32 to index
        %get3A_1051 = arith.index_cast %scan3A_1035 : i32 to index
        %get3A_1052 = arith.constant 16 : index
        %get3A_1053 = tpu.vector_load %arg8[%get3A_1050, %get3A_1051, %get3A_1052] {strides = array<i32>} : memref<3x256x128xf32, #tpu.memory_space<vmem>>, vector<1x1x16xf32>,
        %get3A_1054 = vector.shape_cast %get3A_1053 : vector<1x1x16xf32> to vector<16xf32>
        %add3A_1055 = arith.addf %get3A_1054, %get3A_988 : vector<16xf32>
        %swap3A_1056 = arith.constant 2 : i32
        %swap3A_1057 = arith.index_cast %swap3A_1056 : i32 to index
        %swap3A_1058 = arith.index_cast %scan3A_1035 : i32 to index
        %swap3A_1059 = arith.constant 16 : index
        %swap3A_1060 = tpu.vector_load %arg8[%swap3A_1057, %swap3A_1058, %swap3A_1059] {strides = array<i32>} : memref<3x256x128xf32, #tpu.memory_space<vmem>>, vector<1x1x16xf32>,
        %swap3A_1061 = vector.shape_cast %swap3A_1060 : vector<1x1x16xf32> to vector<16xf32>
        %swap3A_1062 = vector.shape_cast %add3A_1055 : vector<16xf32> to vector<1x1x16xf32>
        tpu.vector_store %arg8[%swap3A_1057, %swap3A_1058, %swap3A_1059], %swap3A_1062 {strides = array<i32>} : memref<3x256x128xf32, #tpu.memory_space<vmem>>, vector<1x1x16xf32>,
        %get3A_1063 = arith.constant 2 : i32
        %get3A_1064 = arith.index_cast %get3A_1063 : i32 to index
        %get3A_1065 = arith.index_cast %scan3A_1035 : i32 to index
        %get3A_1066 = arith.constant 32 : index
        %get3A_1067 = tpu.vector_load %arg8[%get3A_1064, %get3A_1065, %get3A_1066] {strides = array<i32>} : memref<3x256x128xf32, #tpu.memory_space<vmem>>, vector<1x1x16xf32>,
        %get3A_1068 = vector.shape_cast %get3A_1067 : vector<1x1x16xf32> to vector<16xf32>
        %add3A_1069 = arith.addf %get3A_1068, %get3A_992 : vector<16xf32>
        %swap3A_1070 = arith.constant 2 : i32
        %swap3A_1071 = arith.index_cast %swap3A_1070 : i32 to index
        %swap3A_1072 = arith.index_cast %scan3A_1035 : i32 to index
        %swap3A_1073 = arith.constant 32 : index
        %swap3A_1074 = tpu.vector_load %arg8[%swap3A_1071, %swap3A_1072, %swap3A_1073] {strides = array<i32>} : memref<3x256x128xf32, #tpu.memory_space<vmem>>, vector<1x1x16xf32>,
        %swap3A_1075 = vector.shape_cast %swap3A_1074 : vector<1x1x16xf32> to vector<16xf32>
        %swap3A_1076 = vector.shape_cast %add3A_1069 : vector<16xf32> to vector<1x1x16xf32>
        tpu.vector_store %arg8[%swap3A_1071, %swap3A_1072, %swap3A_1073], %swap3A_1076 {strides = array<i32>} : memref<3x256x128xf32, #tpu.memory_space<vmem>>, vector<1x1x16xf32>,
        %get3A_1077 = arith.constant 2 : i32
        %get3A_1078 = arith.index_cast %get3A_1077 : i32 to index
        %get3A_1079 = arith.index_cast %scan3A_1035 : i32 to index
        %get3A_1080 = arith.constant 48 : index
        %get3A_1081 = tpu.vector_load %arg8[%get3A_1078, %get3A_1079, %get3A_1080] {strides = array<i32>} : memref<3x256x128xf32, #tpu.memory_space<vmem>>, vector<1x1x16xf32>,
        %get3A_1082 = vector.shape_cast %get3A_1081 : vector<1x1x16xf32> to vector<16xf32>
        %add3A_1083 = arith.addf %get3A_1082, %get3A_996 : vector<16xf32>
        %swap3A_1084 = arith.constant 2 : i32
        %swap3A_1085 = arith.index_cast %swap3A_1084 : i32 to index
        %swap3A_1086 = arith.index_cast %scan3A_1035 : i32 to index
        %swap3A_1087 = arith.constant 48 : index
        %swap3A_1088 = tpu.vector_load %arg8[%swap3A_1085, %swap3A_1086, %swap3A_1087] {strides = array<i32>} : memref<3x256x128xf32, #tpu.memory_space<vmem>>, vector<1x1x16xf32>,
        %swap3A_1089 = vector.shape_cast %swap3A_1088 : vector<1x1x16xf32> to vector<16xf32>
        %swap3A_1090 = vector.shape_cast %add3A_1083 : vector<16xf32> to vector<1x1x16xf32>
        tpu.vector_store %arg8[%swap3A_1085, %swap3A_1086, %swap3A_1087], %swap3A_1090 {strides = array<i32>} : memref<3x256x128xf32, #tpu.memory_space<vmem>>, vector<1x1x16xf32>,
        %get3A_1091 = arith.constant 2 : i32
        %get3A_1092 = arith.index_cast %get3A_1091 : i32 to index
        %get3A_1093 = arith.index_cast %scan3A_1035 : i32 to index
        %get3A_1094 = arith.constant 64 : index
        %get3A_1095 = tpu.vector_load %arg8[%get3A_1092, %get3A_1093, %get3A_1094] {strides = array<i32>} : memref<3x256x128xf32, #tpu.memory_space<vmem>>, vector<1x1x16xf32>,
        %get3A_1096 = vector.shape_cast %get3A_1095 : vector<1x1x16xf32> to vector<16xf32>
        %add3A_1097 = arith.addf %get3A_1096, %get3A_1000 : vector<16xf32>
        %swap3A_1098 = arith.constant 2 : i32
        %swap3A_1099 = arith.index_cast %swap3A_1098 : i32 to index
        %swap3A_1100 = arith.index_cast %scan3A_1035 : i32 to index
        %swap3A_1101 = arith.constant 64 : index
        %swap3A_1102 = tpu.vector_load %arg8[%swap3A_1099, %swap3A_1100, %swap3A_1101] {strides = array<i32>} : memref<3x256x128xf32, #tpu.memory_space<vmem>>, vector<1x1x16xf32>,
        %swap3A_1103 = vector.shape_cast %swap3A_1102 : vector<1x1x16xf32> to vector<16xf32>
        %swap3A_1104 = vector.shape_cast %add3A_1097 : vector<16xf32> to vector<1x1x16xf32>
        tpu.vector_store %arg8[%swap3A_1099, %swap3A_1100, %swap3A_1101], %swap3A_1104 {strides = array<i32>} : memref<3x256x128xf32, #tpu.memory_space<vmem>>, vector<1x1x16xf32>,
        %get3A_1105 = arith.constant 2 : i32
        %get3A_1106 = arith.index_cast %get3A_1105 : i32 to index
        %get3A_1107 = arith.index_cast %scan3A_1035 : i32 to index
        %get3A_1108 = arith.constant 80 : index
        %get3A_1109 = tpu.vector_load %arg8[%get3A_1106, %get3A_1107, %get3A_1108] {strides = array<i32>} : memref<3x256x128xf32, #tpu.memory_space<vmem>>, vector<1x1x16xf32>,
        %get3A_1110 = vector.shape_cast %get3A_1109 : vector<1x1x16xf32> to vector<16xf32>
        %add3A_1111 = arith.addf %get3A_1110, %get3A_1004 : vector<16xf32>
        %swap3A_1112 = arith.constant 2 : i32
        %swap3A_1113 = arith.index_cast %swap3A_1112 : i32 to index
        %swap3A_1114 = arith.index_cast %scan3A_1035 : i32 to index
        %swap3A_1115 = arith.constant 80 : index
        %swap3A_1116 = tpu.vector_load %arg8[%swap3A_1113, %swap3A_1114, %swap3A_1115] {strides = array<i32>} : memref<3x256x128xf32, #tpu.memory_space<vmem>>, vector<1x1x16xf32>,
        %swap3A_1117 = vector.shape_cast %swap3A_1116 : vector<1x1x16xf32> to vector<16xf32>
        %swap3A_1118 = vector.shape_cast %add3A_1111 : vector<16xf32> to vector<1x1x16xf32>
        tpu.vector_store %arg8[%swap3A_1113, %swap3A_1114, %swap3A_1115], %swap3A_1118 {strides = array<i32>} : memref<3x256x128xf32, #tpu.memory_space<vmem>>, vector<1x1x16xf32>,
        %get3A_1119 = arith.constant 2 : i32
        %get3A_1120 = arith.index_cast %get3A_1119 : i32 to index
        %get3A_1121 = arith.index_cast %scan3A_1035 : i32 to index
        %get3A_1122 = arith.constant 96 : index
        %get3A_1123 = tpu.vector_load %arg8[%get3A_1120, %get3A_1121, %get3A_1122] {strides = array<i32>} : memref<3x256x128xf32, #tpu.memory_space<vmem>>, vector<1x1x16xf32>,
        %get3A_1124 = vector.shape_cast %get3A_1123 : vector<1x1x16xf32> to vector<16xf32>
        %add3A_1125 = arith.addf %get3A_1124, %get3A_1008 : vector<16xf32>
        %swap3A_1126 = arith.constant 2 : i32
        %swap3A_1127 = arith.index_cast %swap3A_1126 : i32 to index
        %swap3A_1128 = arith.index_cast %scan3A_1035 : i32 to index
        %swap3A_1129 = arith.constant 96 : index
        %swap3A_1130 = tpu.vector_load %arg8[%swap3A_1127, %swap3A_1128, %swap3A_1129] {strides = array<i32>} : memref<3x256x128xf32, #tpu.memory_space<vmem>>, vector<1x1x16xf32>,
        %swap3A_1131 = vector.shape_cast %swap3A_1130 : vector<1x1x16xf32> to vector<16xf32>
        %swap3A_1132 = vector.shape_cast %add3A_1125 : vector<16xf32> to vector<1x1x16xf32>
        tpu.vector_store %arg8[%swap3A_1127, %swap3A_1128, %swap3A_1129], %swap3A_1132 {strides = array<i32>} : memref<3x256x128xf32, #tpu.memory_space<vmem>>, vector<1x1x16xf32>,
        %get3A_1133 = arith.constant 2 : i32
        %get3A_1134 = arith.index_cast %get3A_1133 : i32 to index
        %get3A_1135 = arith.index_cast %scan3A_1035 : i32 to index
        %get3A_1136 = arith.constant 112 : index
        %get3A_1137 = tpu.vector_load %arg8[%get3A_1134, %get3A_1135, %get3A_1136] {strides = array<i32>} : memref<3x256x128xf32, #tpu.memory_space<vmem>>, vector<1x1x16xf32>,
        %get3A_1138 = vector.shape_cast %get3A_1137 : vector<1x1x16xf32> to vector<16xf32>
        %add3A_1139 = arith.addf %get3A_1138, %get3A_1012 : vector<16xf32>
        %swap3A_1140 = arith.constant 2 : i32
        %swap3A_1141 = arith.index_cast %swap3A_1140 : i32 to index
        %swap3A_1142 = arith.index_cast %scan3A_1035 : i32 to index
        %swap3A_1143 = arith.constant 112 : index
        %swap3A_1144 = tpu.vector_load %arg8[%swap3A_1141, %swap3A_1142, %swap3A_1143] {strides = array<i32>} : memref<3x256x128xf32, #tpu.memory_space<vmem>>, vector<1x1x16xf32>,
        %swap3A_1145 = vector.shape_cast %swap3A_1144 : vector<1x1x16xf32> to vector<16xf32>
        %swap3A_1146 = vector.shape_cast %add3A_1139 : vector<16xf32> to vector<1x1x16xf32>
        tpu.vector_store %arg8[%swap3A_1141, %swap3A_1142, %swap3A_1143], %swap3A_1146 {strides = array<i32>} : memref<3x256x128xf32, #tpu.memory_space<vmem>>, vector<1x1x16xf32>,
      }
      %scan3A_1018 = arith.constant 256 : i32
      %mul3A_1019 = arith.constant 256 : i32
      %mul3A_1020 = arith.muli %add3A_883, %mul3A_1019 : i32
      %add3A_1021 = arith.addi %mul3A_2, %mul3A_1020 : i32
      %dma_start3A_1022 = arith.constant 2 : i32
      %dma_start3A_1023 = arith.constant 0 : i32
      %dma_start3A_1024 = arith.constant 0 : i32
      %dma_start3A_1025 = tpu.memref_slice %arg8[%dma_start3A_1022, %dma_start3A_1023, %dma_start3A_1024] : memref<3x256x128xf32, #tpu.memory_space<vmem>> -> memref<1x256x128xf32, #tpu.memory_space<vmem>>
      %dma_start3A_1026 = tpu.memref_squeeze %dma_start3A_1025 : memref<1x256x128xf32, #tpu.memory_space<vmem>> -> memref<256x128xf32, #tpu.memory_space<vmem>>
      %dma_start3A_1027 = arith.constant 0 : i32
      %dma_start3A_1028 = tpu.memref_slice %arg5[%add3A_1021, %dma_start3A_1027] : memref<204800x128xf32, #tpu.memory_space<hbm>> -> memref<256x128xf32, #tpu.memory_space<hbm>>
      %dma_start3A_1029 = arith.constant 0 : i32
      %dma_start3A_1030 = tpu.memref_slice %arg5[%add3A_1021, %dma_start3A_1029] : memref<204800x128xf32, #tpu.memory_space<hbm>> -> memref<256x128xf32, #tpu.memory_space<hbm>>
      %dma_start3A_1031 = arith.constant 0 : i32
      %dma_start3A_1032 = arith.constant 0 : i32
      %dma_start3A_1033 = tpu.memref_slice %arg8[%dma_start3A_1022, %dma_start3A_1031, %dma_start3A_1032] : memref<3x256x128xf32, #tpu.memory_space<vmem>> -> memref<1x256x128xf32, #tpu.memory_space<vmem>>
      %dma_start3A_1034 = tpu.memref_squeeze %dma_start3A_1033 : memref<1x256x128xf32, #tpu.memory_space<vmem>> -> memref<256x128xf32, #tpu.memory_space<vmem>>
      tpu.enqueue_dma source(%dma_start3A_1034 : memref<256x128xf32, #tpu.memory_space<vmem>>) target(%dma_start3A_1030 : memref<256x128xf32, #tpu.memory_space<hbm>>) target_semaphore(%arg14 : memref<!tpu.dma_semaphore, #tpu.memory_space<semaphore_mem>>)
    }
    %scan3A_425 = arith.constant 7 : i32
    %dma_wait3A_426 = arith.constant 1 : i32
    %dma_wait3A_427 = arith.constant 0 : i32
    %dma_wait3A_428 = arith.constant 0 : i32
    %dma_wait3A_429 = tpu.memref_slice %arg8[%dma_wait3A_426, %dma_wait3A_427, %dma_wait3A_428] : memref<3x256x128xf32, #tpu.memory_space<vmem>> -> memref<1x256x128xf32, #tpu.memory_space<vmem>>
    %dma_wait3A_430 = tpu.memref_squeeze %dma_wait3A_429 : memref<1x256x128xf32, #tpu.memory_space<vmem>> -> memref<256x128xf32, #tpu.memory_space<vmem>>
    %dma_wait3A_431 = arith.constant 0 : i32
    %dma_wait3A_432 = arith.constant 0 : i32
    %dma_wait3A_433 = tpu.memref_slice %arg5[%dma_wait3A_431, %dma_wait3A_432] : memref<204800x128xf32, #tpu.memory_space<hbm>> -> memref<256x128xf32, #tpu.memory_space<hbm>>
    %dma_wait3A_434 = arith.constant 0 : i32
    %dma_wait3A_435 = arith.constant 0 : i32
    %dma_wait3A_436 = tpu.memref_slice %arg5[%dma_wait3A_434, %dma_wait3A_435] : memref<204800x128xf32, #tpu.memory_space<hbm>> -> memref<256x128xf32, #tpu.memory_space<hbm>>
    %dma_wait3A_437 = arith.constant 0 : i32
    %dma_wait3A_438 = arith.constant 0 : i32
    %dma_wait3A_439 = tpu.memref_slice %arg8[%dma_wait3A_426, %dma_wait3A_437, %dma_wait3A_438] : memref<3x256x128xf32, #tpu.memory_space<vmem>> -> memref<1x256x128xf32, #tpu.memory_space<vmem>>
    %dma_wait3A_440 = tpu.memref_squeeze %dma_wait3A_439 : memref<1x256x128xf32, #tpu.memory_space<vmem>> -> memref<256x128xf32, #tpu.memory_space<vmem>>
    tpu.wait_dma2 semaphore(%arg13 : memref<!tpu.dma_semaphore, #tpu.memory_space<semaphore_mem>>) src(%dma_wait3A_440 : memref<256x128xf32, #tpu.memory_space<vmem>>) dst(%dma_wait3A_436 : memref<256x128xf32, #tpu.memory_space<hbm>>)
    %dma_wait3A_441 = arith.constant 0 : i32
    %dma_wait3A_442 = arith.constant 0 : i32
    %dma_wait3A_443 = arith.constant 0 : i32
    %dma_wait3A_444 = tpu.memref_slice %arg8[%dma_wait3A_441, %dma_wait3A_442, %dma_wait3A_443] : memref<3x256x128xf32, #tpu.memory_space<vmem>> -> memref<1x128x128xf32, #tpu.memory_space<vmem>>
    %dma_wait3A_445 = tpu.memref_squeeze %dma_wait3A_444 : memref<1x128x128xf32, #tpu.memory_space<vmem>> -> memref<128x128xf32, #tpu.memory_space<vmem>>
    %dma_wait3A_446 = arith.constant 6144 : i32
    %dma_wait3A_447 = tpu.memref_slice %arg6[%dma_wait3A_446] : memref<6400xi32, #tpu.memory_space<vmem>> -> memref<128xi32, #tpu.memory_space<vmem>>
    %dma_wait3A_448 = arith.constant 0 : i32
    %dma_wait3A_449 = arith.constant 0 : i32
    %dma_wait3A_450 = tpu.memref_slice %arg3[%dma_wait3A_448, %dma_wait3A_449] : memref<100001x128xf32, #tpu.memory_space<hbm>> -> memref<100001x128xf32, #tpu.memory_space<hbm>>
    tpu.wait_indirect_dma semaphore(%arg9 : memref<!tpu.dma_semaphore, #tpu.memory_space<semaphore_mem>>) src(%dma_wait3A_450 : memref<100001x128xf32, #tpu.memory_space<hbm>>) dst(%dma_wait3A_445 : memref<128x128xf32, #tpu.memory_space<vmem>>)
    %dma_wait3A_451 = arith.constant 0 : i32
    %dma_wait3A_452 = arith.constant 128 : i32
    %dma_wait3A_453 = arith.constant 0 : i32
    %dma_wait3A_454 = tpu.memref_slice %arg8[%dma_wait3A_451, %dma_wait3A_452, %dma_wait3A_453] : memref<3x256x128xf32, #tpu.memory_space<vmem>> -> memref<1x128x128xf32, #tpu.memory_space<vmem>>
    %dma_wait3A_455 = tpu.memref_squeeze %dma_wait3A_454 : memref<1x128x128xf32, #tpu.memory_space<vmem>> -> memref<128x128xf32, #tpu.memory_space<vmem>>
    %dma_wait3A_456 = arith.constant 6272 : i32
    %dma_wait3A_457 = tpu.memref_slice %arg6[%dma_wait3A_456] : memref<6400xi32, #tpu.memory_space<vmem>> -> memref<128xi32, #tpu.memory_space<vmem>>
    %dma_wait3A_458 = arith.constant 0 : i32
    %dma_wait3A_459 = arith.constant 0 : i32
    %dma_wait3A_460 = tpu.memref_slice %arg3[%dma_wait3A_458, %dma_wait3A_459] : memref<100001x128xf32, #tpu.memory_space<hbm>> -> memref<100001x128xf32, #tpu.memory_space<hbm>>
    tpu.wait_indirect_dma semaphore(%arg9 : memref<!tpu.dma_semaphore, #tpu.memory_space<semaphore_mem>>) src(%dma_wait3A_460 : memref<100001x128xf32, #tpu.memory_space<hbm>>) dst(%dma_wait3A_455 : memref<128x128xf32, #tpu.memory_space<vmem>>)
    %mul3A_461 = arith.constant 25 : i32
    %mul3A_462 = arith.muli %mul3A_461, %add3A : i32
    %add3A_463 = arith.constant 24 : i32
    %add3A_464 = arith.addi %mul3A_462, %add3A_463 : i32
    %jit3A_465 = arith.constant 16 : i32
    %div3A_466 = arith.divsi %add3A_464, %jit3A_465 : i32
    %sign3A_467 = arith.constant 0 : i32
    %sign3A_468 = arith.cmpi sgt, %add3A_464, %sign3A_467 : i32
    %sign3A_469 = arith.extui %sign3A_468 : i1 to i32
    %sign3A_470 = arith.constant 0 : i32
    %sign3A_471 = arith.cmpi slt, %add3A_464, %sign3A_470 : i32
    %sign3A_472 = arith.extui %sign3A_471 : i1 to i32
    %sign3A_473 = arith.subi %sign3A_469, %sign3A_472 : i32
    %sign3A_474 = arith.constant 0 : i32
    %sign3A_475 = arith.cmpi sgt, %jit3A_465, %sign3A_474 : i32
    %sign3A_476 = arith.extui %sign3A_475 : i1 to i32
    %sign3A_477 = arith.constant 0 : i32
    %sign3A_478 = arith.cmpi slt, %jit3A_465, %sign3A_477 : i32
    %sign3A_479 = arith.extui %sign3A_478 : i1 to i32
    %sign3A_480 = arith.subi %sign3A_476, %sign3A_479 : i32
    %ne3A_481 = arith.cmpi ne, %sign3A_473, %sign3A_480 : i32
    %rem3A_482 = arith.remsi %add3A_464, %jit3A_465 : i32
    %ne3A_483 = arith.constant 0 : i32
    %ne3A_484 = arith.cmpi ne, %rem3A_482, %ne3A_483 : i32
    %and3A_485 = arith.andi %ne3A_481, %ne3A_484 : i1
    %sub3A_486 = arith.constant 1 : i32
    %sub3A_487 = arith.subi %div3A_466, %sub3A_486 : i32
    %select_n3A_488 = arith.select %and3A_485, %sub3A_487, %div3A_466 : i32
    %sub3A_489 = arith.subi %select_n3A_488, %multiple_of3A : i32
    %get3A_490 = arith.index_cast %sub3A_489 : i32 to index
    %get3A_491 = arith.constant 0 : index
    %get3A_492 = tpu.vector_load %arg7[%get3A_490, %get3A_491] {strides = array<i32>} : memref<16x128xf32, #tpu.memory_space<vmem>>, vector<1x16xf32>,
    %get3A_493 = vector.shape_cast %get3A_492 : vector<1x16xf32> to vector<16xf32>
    %get3A_494 = arith.index_cast %sub3A_489 : i32 to index
    %get3A_495 = arith.constant 16 : index
    %get3A_496 = tpu.vector_load %arg7[%get3A_494, %get3A_495] {strides = array<i32>} : memref<16x128xf32, #tpu.memory_space<vmem>>, vector<1x16xf32>,
    %get3A_497 = vector.shape_cast %get3A_496 : vector<1x16xf32> to vector<16xf32>
    %get3A_498 = arith.index_cast %sub3A_489 : i32 to index
    %get3A_499 = arith.constant 32 : index
    %get3A_500 = tpu.vector_load %arg7[%get3A_498, %get3A_499] {strides = array<i32>} : memref<16x128xf32, #tpu.memory_space<vmem>>, vector<1x16xf32>,
    %get3A_501 = vector.shape_cast %get3A_500 : vector<1x16xf32> to vector<16xf32>
    %get3A_502 = arith.index_cast %sub3A_489 : i32 to index
    %get3A_503 = arith.constant 48 : index
    %get3A_504 = tpu.vector_load %arg7[%get3A_502, %get3A_503] {strides = array<i32>} : memref<16x128xf32, #tpu.memory_space<vmem>>, vector<1x16xf32>,
    %get3A_505 = vector.shape_cast %get3A_504 : vector<1x16xf32> to vector<16xf32>
    %get3A_506 = arith.index_cast %sub3A_489 : i32 to index
    %get3A_507 = arith.constant 64 : index
    %get3A_508 = tpu.vector_load %arg7[%get3A_506, %get3A_507] {strides = array<i32>} : memref<16x128xf32, #tpu.memory_space<vmem>>, vector<1x16xf32>,
    %get3A_509 = vector.shape_cast %get3A_508 : vector<1x16xf32> to vector<16xf32>
    %get3A_510 = arith.index_cast %sub3A_489 : i32 to index
    %get3A_511 = arith.constant 80 : index
    %get3A_512 = tpu.vector_load %arg7[%get3A_510, %get3A_511] {strides = array<i32>} : memref<16x128xf32, #tpu.memory_space<vmem>>, vector<1x16xf32>,
    %get3A_513 = vector.shape_cast %get3A_512 : vector<1x16xf32> to vector<16xf32>
    %get3A_514 = arith.index_cast %sub3A_489 : i32 to index
    %get3A_515 = arith.constant 96 : index
    %get3A_516 = tpu.vector_load %arg7[%get3A_514, %get3A_515] {strides = array<i32>} : memref<16x128xf32, #tpu.memory_space<vmem>>, vector<1x16xf32>,
    %get3A_517 = vector.shape_cast %get3A_516 : vector<1x16xf32> to vector<16xf32>
    %get3A_518 = arith.index_cast %sub3A_489 : i32 to index
    %get3A_519 = arith.constant 112 : index
    %get3A_520 = tpu.vector_load %arg7[%get3A_518, %get3A_519] {strides = array<i32>} : memref<16x128xf32, #tpu.memory_space<vmem>>, vector<1x16xf32>,
    %get3A_521 = vector.shape_cast %get3A_520 : vector<1x16xf32> to vector<16xf32>
    %scan3A_522 = arith.constant 0 : i32
    %scan3A_523 = arith.constant 0 : i32
    %scan3A_524 = arith.constant 256 : i32
    %scan3A_525 = arith.addi %scan3A_523, %scan3A_524 : i32
    %scan3A_526 = arith.constant 1 : i32
    scf.for %scan3A_573 = %scan3A_523 to %scan3A_525 step %scan3A_526  : i32 {
      %get3A_574 = arith.constant 0 : i32
      %get3A_575 = arith.index_cast %get3A_574 : i32 to index
      %get3A_576 = arith.index_cast %scan3A_573 : i32 to index
      %get3A_577 = arith.constant 0 : index
      %get3A_578 = tpu.vector_load %arg8[%get3A_575, %get3A_576, %get3A_577] {strides = array<i32>} : memref<3x256x128xf32, #tpu.memory_space<vmem>>, vector<1x1x16xf32>,
      %get3A_579 = vector.shape_cast %get3A_578 : vector<1x1x16xf32> to vector<16xf32>
      %add3A_580 = arith.addf %get3A_579, %get3A_493 : vector<16xf32>
      %swap3A = arith.constant 0 : i32
      %swap3A_581 = arith.index_cast %swap3A : i32 to index
      %swap3A_582 = arith.index_cast %scan3A_573 : i32 to index
      %swap3A_583 = arith.constant 0 : index
      %swap3A_584 = tpu.vector_load %arg8[%swap3A_581, %swap3A_582, %swap3A_583] {strides = array<i32>} : memref<3x256x128xf32, #tpu.memory_space<vmem>>, vector<1x1x16xf32>,
      %swap3A_585 = vector.shape_cast %swap3A_584 : vector<1x1x16xf32> to vector<16xf32>
      %swap3A_586 = vector.shape_cast %add3A_580 : vector<16xf32> to vector<1x1x16xf32>
      tpu.vector_store %arg8[%swap3A_581, %swap3A_582, %swap3A_583], %swap3A_586 {strides = array<i32>} : memref<3x256x128xf32, #tpu.memory_space<vmem>>, vector<1x1x16xf32>,
      %get3A_587 = arith.constant 0 : i32
      %get3A_588 = arith.index_cast %get3A_587 : i32 to index
      %get3A_589 = arith.index_cast %scan3A_573 : i32 to index
      %get3A_590 = arith.constant 16 : index
      %get3A_591 = tpu.vector_load %arg8[%get3A_588, %get3A_589, %get3A_590] {strides = array<i32>} : memref<3x256x128xf32, #tpu.memory_space<vmem>>, vector<1x1x16xf32>,
      %get3A_592 = vector.shape_cast %get3A_591 : vector<1x1x16xf32> to vector<16xf32>
      %add3A_593 = arith.addf %get3A_592, %get3A_497 : vector<16xf32>
      %swap3A_594 = arith.constant 0 : i32
      %swap3A_595 = arith.index_cast %swap3A_594 : i32 to index
      %swap3A_596 = arith.index_cast %scan3A_573 : i32 to index
      %swap3A_597 = arith.constant 16 : index
      %swap3A_598 = tpu.vector_load %arg8[%swap3A_595, %swap3A_596, %swap3A_597] {strides = array<i32>} : memref<3x256x128xf32, #tpu.memory_space<vmem>>, vector<1x1x16xf32>,
      %swap3A_599 = vector.shape_cast %swap3A_598 : vector<1x1x16xf32> to vector<16xf32>
      %swap3A_600 = vector.shape_cast %add3A_593 : vector<16xf32> to vector<1x1x16xf32>
      tpu.vector_store %arg8[%swap3A_595, %swap3A_596, %swap3A_597], %swap3A_600 {strides = array<i32>} : memref<3x256x128xf32, #tpu.memory_space<vmem>>, vector<1x1x16xf32>,
      %get3A_601 = arith.constant 0 : i32
      %get3A_602 = arith.index_cast %get3A_601 : i32 to index
      %get3A_603 = arith.index_cast %scan3A_573 : i32 to index
      %get3A_604 = arith.constant 32 : index
      %get3A_605 = tpu.vector_load %arg8[%get3A_602, %get3A_603, %get3A_604] {strides = array<i32>} : memref<3x256x128xf32, #tpu.memory_space<vmem>>, vector<1x1x16xf32>,
      %get3A_606 = vector.shape_cast %get3A_605 : vector<1x1x16xf32> to vector<16xf32>
      %add3A_607 = arith.addf %get3A_606, %get3A_501 : vector<16xf32>
      %swap3A_608 = arith.constant 0 : i32
      %swap3A_609 = arith.index_cast %swap3A_608 : i32 to index
      %swap3A_610 = arith.index_cast %scan3A_573 : i32 to index
      %swap3A_611 = arith.constant 32 : index
      %swap3A_612 = tpu.vector_load %arg8[%swap3A_609, %swap3A_610, %swap3A_611] {strides = array<i32>} : memref<3x256x128xf32, #tpu.memory_space<vmem>>, vector<1x1x16xf32>,
      %swap3A_613 = vector.shape_cast %swap3A_612 : vector<1x1x16xf32> to vector<16xf32>
      %swap3A_614 = vector.shape_cast %add3A_607 : vector<16xf32> to vector<1x1x16xf32>
      tpu.vector_store %arg8[%swap3A_609, %swap3A_610, %swap3A_611], %swap3A_614 {strides = array<i32>} : memref<3x256x128xf32, #tpu.memory_space<vmem>>, vector<1x1x16xf32>,
      %get3A_615 = arith.constant 0 : i32
      %get3A_616 = arith.index_cast %get3A_615 : i32 to index
      %get3A_617 = arith.index_cast %scan3A_573 : i32 to index
      %get3A_618 = arith.constant 48 : index
      %get3A_619 = tpu.vector_load %arg8[%get3A_616, %get3A_617, %get3A_618] {strides = array<i32>} : memref<3x256x128xf32, #tpu.memory_space<vmem>>, vector<1x1x16xf32>,
      %get3A_620 = vector.shape_cast %get3A_619 : vector<1x1x16xf32> to vector<16xf32>
      %add3A_621 = arith.addf %get3A_620, %get3A_505 : vector<16xf32>
      %swap3A_622 = arith.constant 0 : i32
      %swap3A_623 = arith.index_cast %swap3A_622 : i32 to index
      %swap3A_624 = arith.index_cast %scan3A_573 : i32 to index
      %swap3A_625 = arith.constant 48 : index
      %swap3A_626 = tpu.vector_load %arg8[%swap3A_623, %swap3A_624, %swap3A_625] {strides = array<i32>} : memref<3x256x128xf32, #tpu.memory_space<vmem>>, vector<1x1x16xf32>,
      %swap3A_627 = vector.shape_cast %swap3A_626 : vector<1x1x16xf32> to vector<16xf32>
      %swap3A_628 = vector.shape_cast %add3A_621 : vector<16xf32> to vector<1x1x16xf32>
      tpu.vector_store %arg8[%swap3A_623, %swap3A_624, %swap3A_625], %swap3A_628 {strides = array<i32>} : memref<3x256x128xf32, #tpu.memory_space<vmem>>, vector<1x1x16xf32>,
      %get3A_629 = arith.constant 0 : i32
      %get3A_630 = arith.index_cast %get3A_629 : i32 to index
      %get3A_631 = arith.index_cast %scan3A_573 : i32 to index
      %get3A_632 = arith.constant 64 : index
      %get3A_633 = tpu.vector_load %arg8[%get3A_630, %get3A_631, %get3A_632] {strides = array<i32>} : memref<3x256x128xf32, #tpu.memory_space<vmem>>, vector<1x1x16xf32>,
      %get3A_634 = vector.shape_cast %get3A_633 : vector<1x1x16xf32> to vector<16xf32>
      %add3A_635 = arith.addf %get3A_634, %get3A_509 : vector<16xf32>
      %swap3A_636 = arith.constant 0 : i32
      %swap3A_637 = arith.index_cast %swap3A_636 : i32 to index
      %swap3A_638 = arith.index_cast %scan3A_573 : i32 to index
      %swap3A_639 = arith.constant 64 : index
      %swap3A_640 = tpu.vector_load %arg8[%swap3A_637, %swap3A_638, %swap3A_639] {strides = array<i32>} : memref<3x256x128xf32, #tpu.memory_space<vmem>>, vector<1x1x16xf32>,
      %swap3A_641 = vector.shape_cast %swap3A_640 : vector<1x1x16xf32> to vector<16xf32>
      %swap3A_642 = vector.shape_cast %add3A_635 : vector<16xf32> to vector<1x1x16xf32>
      tpu.vector_store %arg8[%swap3A_637, %swap3A_638, %swap3A_639], %swap3A_642 {strides = array<i32>} : memref<3x256x128xf32, #tpu.memory_space<vmem>>, vector<1x1x16xf32>,
      %get3A_643 = arith.constant 0 : i32
      %get3A_644 = arith.index_cast %get3A_643 : i32 to index
      %get3A_645 = arith.index_cast %scan3A_573 : i32 to index
      %get3A_646 = arith.constant 80 : index
      %get3A_647 = tpu.vector_load %arg8[%get3A_644, %get3A_645, %get3A_646] {strides = array<i32>} : memref<3x256x128xf32, #tpu.memory_space<vmem>>, vector<1x1x16xf32>,
      %get3A_648 = vector.shape_cast %get3A_647 : vector<1x1x16xf32> to vector<16xf32>
      %add3A_649 = arith.addf %get3A_648, %get3A_513 : vector<16xf32>
      %swap3A_650 = arith.constant 0 : i32
      %swap3A_651 = arith.index_cast %swap3A_650 : i32 to index
      %swap3A_652 = arith.index_cast %scan3A_573 : i32 to index
      %swap3A_653 = arith.constant 80 : index
      %swap3A_654 = tpu.vector_load %arg8[%swap3A_651, %swap3A_652, %swap3A_653] {strides = array<i32>} : memref<3x256x128xf32, #tpu.memory_space<vmem>>, vector<1x1x16xf32>,
      %swap3A_655 = vector.shape_cast %swap3A_654 : vector<1x1x16xf32> to vector<16xf32>
      %swap3A_656 = vector.shape_cast %add3A_649 : vector<16xf32> to vector<1x1x16xf32>
      tpu.vector_store %arg8[%swap3A_651, %swap3A_652, %swap3A_653], %swap3A_656 {strides = array<i32>} : memref<3x256x128xf32, #tpu.memory_space<vmem>>, vector<1x1x16xf32>,
      %get3A_657 = arith.constant 0 : i32
      %get3A_658 = arith.index_cast %get3A_657 : i32 to index
      %get3A_659 = arith.index_cast %scan3A_573 : i32 to index
      %get3A_660 = arith.constant 96 : index
      %get3A_661 = tpu.vector_load %arg8[%get3A_658, %get3A_659, %get3A_660] {strides = array<i32>} : memref<3x256x128xf32, #tpu.memory_space<vmem>>, vector<1x1x16xf32>,
      %get3A_662 = vector.shape_cast %get3A_661 : vector<1x1x16xf32> to vector<16xf32>
      %add3A_663 = arith.addf %get3A_662, %get3A_517 : vector<16xf32>
      %swap3A_664 = arith.constant 0 : i32
      %swap3A_665 = arith.index_cast %swap3A_664 : i32 to index
      %swap3A_666 = arith.index_cast %scan3A_573 : i32 to index
      %swap3A_667 = arith.constant 96 : index
      %swap3A_668 = tpu.vector_load %arg8[%swap3A_665, %swap3A_666, %swap3A_667] {strides = array<i32>} : memref<3x256x128xf32, #tpu.memory_space<vmem>>, vector<1x1x16xf32>,
      %swap3A_669 = vector.shape_cast %swap3A_668 : vector<1x1x16xf32> to vector<16xf32>
      %swap3A_670 = vector.shape_cast %add3A_663 : vector<16xf32> to vector<1x1x16xf32>
      tpu.vector_store %arg8[%swap3A_665, %swap3A_666, %swap3A_667], %swap3A_670 {strides = array<i32>} : memref<3x256x128xf32, #tpu.memory_space<vmem>>, vector<1x1x16xf32>,
      %get3A_671 = arith.constant 0 : i32
      %get3A_672 = arith.index_cast %get3A_671 : i32 to index
      %get3A_673 = arith.index_cast %scan3A_573 : i32 to index
      %get3A_674 = arith.constant 112 : index
      %get3A_675 = tpu.vector_load %arg8[%get3A_672, %get3A_673, %get3A_674] {strides = array<i32>} : memref<3x256x128xf32, #tpu.memory_space<vmem>>, vector<1x1x16xf32>,
      %get3A_676 = vector.shape_cast %get3A_675 : vector<1x1x16xf32> to vector<16xf32>
      %add3A_677 = arith.addf %get3A_676, %get3A_521 : vector<16xf32>
      %swap3A_678 = arith.constant 0 : i32
      %swap3A_679 = arith.index_cast %swap3A_678 : i32 to index
      %swap3A_680 = arith.index_cast %scan3A_573 : i32 to index
      %swap3A_681 = arith.constant 112 : index
      %swap3A_682 = tpu.vector_load %arg8[%swap3A_679, %swap3A_680, %swap3A_681] {strides = array<i32>} : memref<3x256x128xf32, #tpu.memory_space<vmem>>, vector<1x1x16xf32>,
      %swap3A_683 = vector.shape_cast %swap3A_682 : vector<1x1x16xf32> to vector<16xf32>
      %swap3A_684 = vector.shape_cast %add3A_677 : vector<16xf32> to vector<1x1x16xf32>
      tpu.vector_store %arg8[%swap3A_679, %swap3A_680, %swap3A_681], %swap3A_684 {strides = array<i32>} : memref<3x256x128xf32, #tpu.memory_space<vmem>>, vector<1x1x16xf32>,
    }
    %scan3A_527 = arith.constant 256 : i32
    %add3A_528 = arith.constant 6144 : i32
    %add3A_529 = arith.addi %mul3A_2, %add3A_528 : i32
    %dma_start3A_530 = arith.constant 0 : i32
    %dma_start3A_531 = arith.constant 0 : i32
    %dma_start3A_532 = arith.constant 0 : i32
    %dma_start3A_533 = tpu.memref_slice %arg8[%dma_start3A_530, %dma_start3A_531, %dma_start3A_532] : memref<3x256x128xf32, #tpu.memory_space<vmem>> -> memref<1x256x128xf32, #tpu.memory_space<vmem>>
    %dma_start3A_534 = tpu.memref_squeeze %dma_start3A_533 : memref<1x256x128xf32, #tpu.memory_space<vmem>> -> memref<256x128xf32, #tpu.memory_space<vmem>>
    %dma_start3A_535 = arith.constant 0 : i32
    %dma_start3A_536 = tpu.memref_slice %arg5[%add3A_529, %dma_start3A_535] : memref<204800x128xf32, #tpu.memory_space<hbm>> -> memref<256x128xf32, #tpu.memory_space<hbm>>
    %dma_start3A_537 = arith.constant 0 : i32
    %dma_start3A_538 = tpu.memref_slice %arg5[%add3A_529, %dma_start3A_537] : memref<204800x128xf32, #tpu.memory_space<hbm>> -> memref<256x128xf32, #tpu.memory_space<hbm>>
    %dma_start3A_539 = arith.constant 0 : i32
    %dma_start3A_540 = arith.constant 0 : i32
    %dma_start3A_541 = tpu.memref_slice %arg8[%dma_start3A_530, %dma_start3A_539, %dma_start3A_540] : memref<3x256x128xf32, #tpu.memory_space<vmem>> -> memref<1x256x128xf32, #tpu.memory_space<vmem>>
    %dma_start3A_542 = tpu.memref_squeeze %dma_start3A_541 : memref<1x256x128xf32, #tpu.memory_space<vmem>> -> memref<256x128xf32, #tpu.memory_space<vmem>>
    tpu.enqueue_dma source(%dma_start3A_542 : memref<256x128xf32, #tpu.memory_space<vmem>>) target(%dma_start3A_538 : memref<256x128xf32, #tpu.memory_space<hbm>>) target_semaphore(%arg12 : memref<!tpu.dma_semaphore, #tpu.memory_space<semaphore_mem>>)
    %dma_wait3A_543 = arith.constant 2 : i32
    %dma_wait3A_544 = arith.constant 0 : i32
    %dma_wait3A_545 = arith.constant 0 : i32
    %dma_wait3A_546 = tpu.memref_slice %arg8[%dma_wait3A_543, %dma_wait3A_544, %dma_wait3A_545] : memref<3x256x128xf32, #tpu.memory_space<vmem>> -> memref<1x256x128xf32, #tpu.memory_space<vmem>>
    %dma_wait3A_547 = tpu.memref_squeeze %dma_wait3A_546 : memref<1x256x128xf32, #tpu.memory_space<vmem>> -> memref<256x128xf32, #tpu.memory_space<vmem>>
    %dma_wait3A_548 = arith.constant 0 : i32
    %dma_wait3A_549 = arith.constant 0 : i32
    %dma_wait3A_550 = tpu.memref_slice %arg5[%dma_wait3A_548, %dma_wait3A_549] : memref<204800x128xf32, #tpu.memory_space<hbm>> -> memref<256x128xf32, #tpu.memory_space<hbm>>
    %dma_wait3A_551 = arith.constant 0 : i32
    %dma_wait3A_552 = arith.constant 0 : i32
    %dma_wait3A_553 = tpu.memref_slice %arg5[%dma_wait3A_551, %dma_wait3A_552] : memref<204800x128xf32, #tpu.memory_space<hbm>> -> memref<256x128xf32, #tpu.memory_space<hbm>>
    %dma_wait3A_554 = arith.constant 0 : i32
    %dma_wait3A_555 = arith.constant 0 : i32
    %dma_wait3A_556 = tpu.memref_slice %arg8[%dma_wait3A_543, %dma_wait3A_554, %dma_wait3A_555] : memref<3x256x128xf32, #tpu.memory_space<vmem>> -> memref<1x256x128xf32, #tpu.memory_space<vmem>>
    %dma_wait3A_557 = tpu.memref_squeeze %dma_wait3A_556 : memref<1x256x128xf32, #tpu.memory_space<vmem>> -> memref<256x128xf32, #tpu.memory_space<vmem>>
    tpu.wait_dma2 semaphore(%arg14 : memref<!tpu.dma_semaphore, #tpu.memory_space<semaphore_mem>>) src(%dma_wait3A_557 : memref<256x128xf32, #tpu.memory_space<vmem>>) dst(%dma_wait3A_553 : memref<256x128xf32, #tpu.memory_space<hbm>>)
    %dma_wait3A_558 = arith.constant 0 : i32
    %dma_wait3A_559 = arith.constant 0 : i32
    %dma_wait3A_560 = arith.constant 0 : i32
    %dma_wait3A_561 = tpu.memref_slice %arg8[%dma_wait3A_558, %dma_wait3A_559, %dma_wait3A_560] : memref<3x256x128xf32, #tpu.memory_space<vmem>> -> memref<1x256x128xf32, #tpu.memory_space<vmem>>
    %dma_wait3A_562 = tpu.memref_squeeze %dma_wait3A_561 : memref<1x256x128xf32, #tpu.memory_space<vmem>> -> memref<256x128xf32, #tpu.memory_space<vmem>>
    %dma_wait3A_563 = arith.constant 0 : i32
    %dma_wait3A_564 = arith.constant 0 : i32
    %dma_wait3A_565 = tpu.memref_slice %arg5[%dma_wait3A_563, %dma_wait3A_564] : memref<204800x128xf32, #tpu.memory_space<hbm>> -> memref<256x128xf32, #tpu.memory_space<hbm>>
    %dma_wait3A_566 = arith.constant 0 : i32
    %dma_wait3A_567 = arith.constant 0 : i32
    %dma_wait3A_568 = tpu.memref_slice %arg5[%dma_wait3A_566, %dma_wait3A_567] : memref<204800x128xf32, #tpu.memory_space<hbm>> -> memref<256x128xf32, #tpu.memory_space<hbm>>
    %dma_wait3A_569 = arith.constant 0 : i32
    %dma_wait3A_570 = arith.constant 0 : i32
    %dma_wait3A_571 = tpu.memref_slice %arg8[%dma_wait3A_558, %dma_wait3A_569, %dma_wait3A_570] : memref<3x256x128xf32, #tpu.memory_space<vmem>> -> memref<1x256x128xf32, #tpu.memory_space<vmem>>
    %dma_wait3A_572 = tpu.memref_squeeze %dma_wait3A_571 : memref<1x256x128xf32, #tpu.memory_space<vmem>> -> memref<256x128xf32, #tpu.memory_space<vmem>>
    tpu.wait_dma2 semaphore(%arg12 : memref<!tpu.dma_semaphore, #tpu.memory_space<semaphore_mem>>) src(%dma_wait3A_572 : memref<256x128xf32, #tpu.memory_space<vmem>>) dst(%dma_wait3A_568 : memref<256x128xf32, #tpu.memory_space<hbm>>)
    return
  }
}

</mosaic_0001>

<sc_bundles>
// kernel: kernel.3.cloned.1.call-start
scs
__scs_entry_jumppad:
0x0: {  	(pc) =	sbr.rel $0x88, $3  }
0x1: {  	(tag) =	ssettag $0x0;
	lr =	simm.s32 $0x1  }
0x2: {  	[smem:$0x3F9E] =	sst lr;
	_ =	strace $0xD0000000  }
0x3: {  	_ = 	snop  }
0x4: {  	_ = 	snop  }
0x5: {  	_ = 	snop  }
0x6: {  	_ = 	snop  }
0x7: {  	_ = 	snop  }
__scs_overlays_trampoline_lowered:
0x8: {  	[smem:$0x3FAD] =	sst s0  }
0x9: {  	[smem:$0x3FAE] =	sst s1  }
0xa: {  	[smem:$0x3FAF] =	sst s2  }
0xb: {  	[smem:$0x3FB0] =	sst s3  }
0xc: {  	[smem:$0x3FB1] =	sst s4  }
0xd: {  	[smem:$0x3FB2] =	sst s5  }
0xe: {  	[smem:$0x3FB3] =	sst s6  }
0xf: {  	[smem:$0x3FB4] =	sst s7  }
0x10: {  	[smem:$0x3FB5] =	sst s8  }
0x11: {  	[smem:$0x3FB6] =	sst s9;
	s0 =	simm.s32 @!p0 $0x0  }
0x12: {  	s1 =	sld [smem:$0x3F9C];
	s0 =	simm.s32 @p0 $0x1  }
0x13: {  	[smem:$0x3FB7] =	sst s0;
	s0 =	simm.s32 @!p1 $0x0  }
0x14: {  	s2 =	sld [smem:$0x3F9B];
	s0 =	simm.s32 @p1 $0x1  }
0x15: {  	[smem:$0x3FB8] =	sst s0;
	s0 =	simm.s32 @!p2 $0x0  }
0x16: {  	s3 =	sld [smem:$0x3FDB];
	s0 =	simm.s32 @p2 $0x1  }
0x17: {  	s4 =	simm.s32 $0x1BF5;
	[smem:$0x3FBA] =	sst s0  }
0x18: {  	s0 =	sld [smem:$0x3F9D];
	_ =	swait.ge [sflag:s4], $0x0  }
0x19: {  	s7 =	sld [smem:$0x3F9E]  }
0x1a: {  	s8 =	sadd.s32 $0xFFFFE003, lr  }
0x1b: {  	s9 =	sadd.s32 $0xFFFFFEF7, lr;
	s5 =	simm.s32 $0xFFFFFFFF;
	p2 =	slt.u32 s8, $0xFFFFF086  }
0x1c: {  	p1 =	slt.u32 s9, $0xF7A;
	s5 =	simm.s32 @!p2 $0x0  }
0x1d: {  	s5 =	simm.s32 @p1 $0x1;
	p0 =	seq.s32 s7, s2  }
0x1e: {  	s7 =	smul.u32 @!p0 $0xF7A, s2;
	p2 =	seq.s32 @!p0 s5, $0x0  }
0x1f: {  	s9 =	smul.u32 $0xF7A, s1;
	s8 =	simm.s32 @!p0 $0x1BF5;
	p2 =	por !p2, p0  }
0x20: {  	[sflag:s8] =	ssyncset.s32 @!p0 $0xFFFFF086;
	s6 =	sadd.s32 @!p0 s3, s7;
	s7 =	simm.s32 @!p0 $0x108  }
0x21: {  	s3 =	sadd.s32 s3, s9;
	s6 =	sadd.s32 @!p0 $0x88, s6;
	s7 =	simm.s32 @p2 $0x1082  }
0x22: {  	[simem:s7], [sflag:s8] =	dma.local @!p0 [hbm:s6], $0xF7A  }
0x23: {  	s9 =	sor.u32 $0xD0000000, s2;
	s6 =	simm.s32 $0x108;
	_ =	swait.ge @!p0 [sflag:s8], $0x0  }
0x24: {  	s3 =	sadd.s32 $0x88, s3;
	s6 =	simm.s32 @!p1 $0x1082;
	[sflag:s4] =	ssyncset.s32 $0xFFFFF086  }
0x25: {  	[simem:s6], [sflag:s4] =	dma.local [hbm:s3], $0xF7A  }
0x26: {  	[smem:$0x3F9E] =	sst s1;
	(tag) =	ssettag s2;
	_ =	strace s9  }
0x27: {  	s1 =	sld [smem:$0x3FAE]  }
0x28: {  	s2 =	sld [smem:$0x3FAF]  }
0x29: {  	s4 =	sld [smem:$0x3FB1]  }
0x2a: {  	p0 =	seq.s32 s5, $0x0;
	s5 =	sld [smem:$0x3FB2]  }
0x2b: {  	s6 =	sld [smem:$0x3FB3]  }
0x2c: {  	s7 =	sld [smem:$0x3FB4]  }
0x2d: {  	s3 =	simm.s32 $0x108;
	s8 =	sld [smem:$0x3FB5]  }
0x2e: {  	s3 =	simm.s32 @!p0 $0x1082;
	s9 =	sld [smem:$0x3FB6]  }
0x2f: {  	lr =	sadd.s32 s0, s3;
	s0 =	sld [smem:$0x3FAD]  }
0x30: {  	s3 =	sld [smem:$0x3FB0]  }
0x31: {  	[smem:$0x3FB9] =	sst s10  }
0x32: {  	s10 =	sld [smem:$0x3FB7];
	_ =	sdelay $0x3  }
0x33: {  	p0 =	seq.s32 s10, $0x1;
	s10 =	sld [smem:$0x3FB9];
	_ =	sdelay $0x3  }
0x34: {  	[smem:$0x3FB9] =	sst s10  }
0x35: {  	s10 =	sld [smem:$0x3FB8];
	_ =	sdelay $0x3  }
0x36: {  	p1 =	seq.s32 s10, $0x1;
	s10 =	sld [smem:$0x3FB9];
	_ =	sdelay $0x3  }
0x37: {  	[smem:$0x3FB9] =	sst s10  }
0x38: {  	s10 =	sld [smem:$0x3FBA]  }
0x39: {  	_ = 	snop;
	(pc) =	sbr.ind lr, $3  }
0x3a: {  	_ = 	snop  }
0x3b: {  	_ = 	snop  }
0x3c: {  	p2 =	seq.s32 s10, $0x1;
	s10 =	sld [smem:$0x3FB9]  }
0x3d: {  	_ =	shalt  }
0x3e: {  	_ =	shalt  }
0x3f: {  	_ =	shalt  }
0x40: {  	_ =	shalt  }
0x41: {  	_ =	shalt  }
0x42: {  	_ =	shalt  }
0x43: {  	_ =	shalt  }
0x44: {  	_ =	shalt  }
0x45: {  	_ =	shalt  }
0x46: {  	_ =	shalt  }
0x47: {  	_ =	shalt  }
0x48: {  	_ =	shalt  }
0x49: {  	_ =	shalt  }
0x4a: {  	_ =	shalt  }
0x4b: {  	_ =	shalt  }
0x4c: {  	_ =	shalt  }
0x4d: {  	_ =	shalt  }
0x4e: {  	_ =	shalt  }
0x4f: {  	_ =	shalt  }
0x50: {  	_ =	shalt  }
0x51: {  	_ =	shalt  }
0x52: {  	_ =	shalt  }
0x53: {  	_ =	shalt  }
0x54: {  	_ =	shalt  }
0x55: {  	_ =	shalt  }
0x56: {  	_ =	shalt  }
0x57: {  	_ =	shalt  }
0x58: {  	_ =	shalt  }
0x59: {  	_ =	shalt  }
0x5a: {  	_ =	shalt  }
0x5b: {  	_ =	shalt  }
0x5c: {  	_ =	shalt  }
0x5d: {  	_ =	shalt  }
0x5e: {  	_ =	shalt  }
0x5f: {  	_ =	shalt  }
0x60: {  	_ =	shalt  }
0x61: {  	_ =	shalt  }
0x62: {  	_ =	shalt  }
0x63: {  	_ =	shalt  }
0x64: {  	_ =	shalt  }
0x65: {  	_ =	shalt  }
0x66: {  	_ =	shalt  }
0x67: {  	_ =	shalt  }
0x68: {  	_ =	shalt  }
0x69: {  	_ =	shalt  }
0x6a: {  	_ =	shalt  }
0x6b: {  	_ =	shalt  }
0x6c: {  	_ =	shalt  }
0x6d: {  	_ =	shalt  }
0x6e: {  	_ =	shalt  }
0x6f: {  	_ =	shalt  }
0x70: {  	_ =	shalt  }
0x71: {  	_ =	shalt  }
0x72: {  	_ =	shalt  }
0x73: {  	_ =	shalt  }
0x74: {  	_ =	shalt  }
0x75: {  	_ =	shalt  }
0x76: {  	_ =	shalt  }
0x77: {  	_ =	shalt  }
0x78: {  	_ =	shalt  }
0x79: {  	_ =	shalt  }
0x7a: {  	_ =	shalt  }
0x7b: {  	_ =	shalt  }
0x7c: {  	_ =	shalt  }
0x7d: {  	_ =	shalt  }
0x7e: {  	_ =	shalt  }
0x7f: {  	_ =	shalt  }
0x80: {  	_ =	shalt  }
0x81: {  	_ =	shalt  }
0x82: {  	_ =	shalt  }
0x83: {  	_ =	shalt  }
0x84: {  	_ =	shalt  }
0x85: {  	_ =	shalt  }
0x86: {  	_ =	shalt  }
0x87: {  	_ =	shalt  }
.Lfunc_end0:
.L_simem_size_0:
called_computation_lowered:
.L_overlay_start_0:
0x88: {  	s2 =	sld [smem:$0x3FD9]  }
0x89: {  	s3 =	sld [smem:$0x3FFE];
	_ =	sdelay $0x1  }
0x8a: {  	s1 =	srdreg.scid  }
0x8b: {  	s0 =	sand.u32 $0x1, s1  }
0x8c: {  	s17 =	sshll.u32 s0, $0xA;
	s2 =	sadd.s32 s3, s2  }
0x8d: {  	s2 =	sadd.s32 s2, s17  }
0x8e: {  	[smem:$0x3FC5] =	sst s2  }
0x8f: {  	_ = 	snop  }
0x90: {  	s2 =	sld [smem:$0x3FC8]  }
0x91: {  	s18 =	sld [smem:$0x3FD0];
	(tm) =	ssettm $0x1  }
0x92: {  	s4 =	sld [smem:$0x3FFB];
	_ =	sdelay $0x3  }
0x93: {  	_ =	strace s4  }
0x94: {  	s4 =	sld [smem:$0x3FFC];
	_ =	sdelay $0x3  }
0x95: {  	_ =	strace s4  }
0x96: {  	s4 =	sld [smem:$0x3FFD];
	_ =	sdelay $0x3  }
0x97: {  	_ =	strace s4  }
0x98: {  	_ =	strace $0x8FFFFFFF  }
0x99: {  	s19 =	sld [smem:$0x3FDB];
	_ =	sdelay $0x1  }
0x9a: {  	s5 =	simm.s32 $_scs_section_size  }
0x9b: {  	s6 =	simm.s32 $_size__tile_overlayer_lowered;
	s7 =	simm.s32 $_tile_overlayer_lowered  }
0x9c: {  	s22 =	simm.s32 $0x1BFF;
	s21 =	sshll.u32 s7, $0x1;
	s4 =	sadd.s32 s5, s19  }
0x9d: {  	s8 =	simm.s32 $0x0;
	s20 =	sshll.u32 s6, $0x1;
	s6 =	sadd.s32 s21, s4  }
0x9e: {  	[timem:s8], [sflag:s22] =	dma.local [hbm:s6], s20  }
0x9f: {  	_ =	swait.ge [sflag:s22], s20  }
0xa0: {  	s5 =	ssub.s32 $0x0, s20;
	[sflag:s22] =	ssyncset.done $0x0  }
0xa1: {  	[sflag:s22] =	ssyncadd.s32 s5;
	_ =	sdelay $0x1  }
0xa2: {  	s23 =	simm.s32 $0x1B8B  }
0xa3: {  	_ =	swait.ge [sflag:s23], $0x1  }
0xa4: {  	[sflag:s23] =	ssyncset.done $0x0  }
0xa5: {  	s25 =	simm.s32 $0x1B8E;
	s24 =	sld [smem:$0x3FFE];
	[sflag:s23] =	ssyncadd.s32 $0xFFFFFFFF  }
0xa6: {  	s26 =	simm.s32 $execute0_lowered;
	[smem:$0x3FD2] =	sst s25  }
0xa7: {  	s6 =	sshll.u32 s26, $0x1;
	_ =	strace $0x80000046;
	[dreg:$0x1] =	wrdreg $0xFFFFFFFF  }
0xa8: {  	s28 =	simm.s32 $_size_execute0_lowered;
	s4 =	sadd.s32 s4, s6;
	[dreg:$0x0] =	wrdreg $0x0  }
0xa9: {  	s6 =	sshll.u32 s28, $0x1;
	[dreg:$0x2] =	wrdreg s4  }
0xaa: {  	[dreg:$0x3] =	wrdreg s6  }
0xab: {  	[dreg:$0x4] =	wrdreg $0xC0  }
0xac: {  	_ =	task [dreg:s8], $0x5FFFF  }
0xad: {  	[dreg:$0x1] =	wrdreg $0xFFFFFFFF  }
0xae: {  	[dreg:$0x0] =	wrdreg $0x60  }
0xaf: {  	[dreg:$0x2] =	wrdreg s24  }
0xb0: {  	[dreg:$0x3] =	wrdreg s2  }
0xb1: {  	[dreg:$0x4] =	wrdreg s18  }
0xb2: {  	[dreg:$0x5] =	wrdreg $0x9  }
0xb3: {  	_ =	task.clear_ibuf [dreg:s8], $0x6FFFF;
	_ =	strace $0x90000046  }
0xb4: {  	s29 =	simm.s32 $0x9;
	_ =	strace $0x80000048  }
0xb5: {  	_ =	swait.ge [sflag:s29], $0x1  }
0xb6: {  	[sflag:s29] =	ssyncadd.s32 $0xFFFFFFFF  }
0xb7: {  	_ =	strace $0x90000048  }
0xb8: {  	_ =	sfence  }
0xb9: {  	s30 =	sld [smem:$0x0];
	_ =	sdelay $0x2  }
0xba: {  	s31 =	sshll.u32 s1, $0xD;
	s1 =	sshrl.u32 s1, $0x2  }
0xbb: {  	s3 =	sand.u32 $0x4000, s31;
	s1 =	sadd.s32 s1, s30  }
0xbc: {  	s0 =	sor.u32 s3, s0;
	s1 =	sshll.u32 s1, $0x11  }
0xbd: {  	s0 =	sor.u32 s1, s0  }
0xbe: {  	s0 =	sadd.s32 $0x8F2B, s0  }
0xbf: {  	[sflag:s0] =	ssyncadd.remote.s32 $0x1  }
0xc0: {  	_ =	sfence.sel $0xFFFF  }
0xc1: {  	[dreg:$0x0] =	wrdreg $0xFFFFFFFF;
	(pc) =	sbr.abs _section_cstart, $3  }
0xc2: {  	[dreg:$0x1] =	wrdreg $0xFFFFFFFF  }
0xc3: {  	_ =	task.clear_ibuf [dreg:s8], $0x2FFFF;
	_ =	strace $0x9FFFFFFF  }
0xc4: {  	(tm) =	ssettm $0x7FFFFFFF  }
0xc5: {  	_ =	shalt  }
tec
execute0_lowered:
.L_overlay_start_1:
0x0: {  	(tag) =	ssettag $0x1  }
0x1: {  	s0 =	srdreg.scid;
	s1 =	rddreg [dreg:$0x0]  }
0x2: {  	s4 =	stileid.u32;
	s2 =	rddreg [dreg:$0x1]  }
0x3: {  	s29 =	simm.s32 $0xE100;
	s30 =	simm.s32 $0x1;
	s28 =	simm.s32 $0x5  }
0x4: {  	s31 =	simm.s32 $0x6;
	s0 =	sand.u32 $0x1, s0;
	s3 =	sshll.u32 s4, $0x1  }
0x5: {  	s4 =	sshrl.u32 s4, $0x2;
	s8 =	sor.u32 s0, s3;
	s3 =	rddreg [dreg:$0x2]  }
0x6: {  	s5 =	smul.u32 $0xC800, s4;
	s4 =	simm.s32 $0x0;
	s0 =	ssub.s32 $0x2, s0  }
0x7: {  	s6 =	sshll.u32 s8, $0x7;
	[smem:$0x7FF] =	sst s4;
	s16 =	smul.u32 $0x19000, s8  }
0x8: {  	s15 =	sshrl.u32 s0, $0x1;
	s6 =	sand.u32 $0x380, s6;
	_ =	strace $0x80000047  }
0x9: {  	s0 =	ssub.s32 s0, s15;
	s6 =	sor.u32 s5, s6;
	s18 =	sadd.s32 s3, s16  }
0xa: {  	s5 =	smul.u32 $0x19, s8;
	s0 =	smax.u32 s0, $0x1;
	[dreg:$0x6] =	wrdreg s18  }
0xb: {  	s6 =	sshrl.u32 s6, $0x3;
	[dreg:$0xa] =	wrdreg s0;
	s0 =	simm.s32 $0x3  }
0xc: {  	s9 =	sadd.s32 s6, s1;
	s14 =	sand.u32 $0x380, s5;
	s7 =	sshrl.u32 s5, $0x4  }
0xd: {  	s6 =	smul.u32 $0x1900, s8;
	s10 =	sadd.s32 $0x1, s5;
	s17 =	sshll.u32 s5, $0x3  }
0xe: {  	s8 =	smul.u32 $0xC8000, s8;
	s20 =	sadd.s32 $0x2, s5;
	s22 =	sadd.s32 $0x18, s5  }
0xf: {  	s1 =	sadd.s32 s14, s1;
	s7 =	sand.u32 $0x38, s7;
	s9 =	sadd.s32 $0x400, s9  }
0x10: {  	s11 =	sshrl.u32 s10, $0x4;
	s10 =	sand.u32 $0x380, s17;
	s21 =	sshrl.u32 s20, $0x4  }
0x11: {  	s20 =	simm.s32 $0x16100;
	[dreg:$0x4] =	wrdreg s9;
	s1 =	sadd.s32 $0x6800, s1  }
0x12: {  	s19 =	ssub.s32 s11, s7;
	s8 =	sshrl.u32 s8, $0x3;
	s9 =	sshrl.u32 s22, $0x4  }
0x13: {  	s22 =	simm.s32 $0x2;
	[dreg:$0x5] =	wrdreg s1;
	s1 =	sshll.u32 s19, $0x9  }
0x14: {  	s8 =	sadd.s32 s3, s8;
	s9 =	ssub.s32 s9, s7;
	s19 =	simm.s32 $0x80  }
0x15: {  	s12 =	sshra.s32 s1, $0x2;
	s1 =	ssub.s32 s21, s7;
	s23 =	sadd.s32 $0x1000, s8  }
0x16: {  	s24 =	sshll.u32 s9, $0x9;
	s25 =	sadd.s32 $0x2000, s8;
	[dreg:$0x7] =	wrdreg s23  }
0x17: {  	s26 =	sadd.s32 $0x18000, s8;
	s9 =	simm.s32 $0x0;
	[dreg:$0x8] =	wrdreg s25  }
0x18: {  	s1 =	sshll.u32 s1, $0x9;
	s16 =	sshra.s32 s24, $0x2;
	[dreg:$0x9] =	wrdreg s26  }
0x19: {  	s23 =	simm.s32 $0x2100;
	s24 =	simm.s32 $0x6100;
	s26 =	simm.s32 $0xA100  }
0x1a: {  	s25 =	simm.s32 $0x4;
	s14 =	sshra.s32 s1, $0x2;
	s1 =	simm.s32 $0x12100  }
.LBB2_1:
0x1b: {  	[dreg:$0xb] =	wrdreg s9  }
0x1c: {  	s8 =	rddreg [dreg:$0x4];
	s13 =	simm.s32 $0x400;
	s15 =	simm.s32 $0x7  }
0x1d: {  	[tilespmem:s4], [sflag:$0x7] =	stream.strided.gather [hbm4b:s8+s19], $0x1900, s13, s19, $0x38;
	[tilespmem:$0x1A100] =	vst v63  }
0x1e: {  	_ =	swait.ge [sflag:s15], $0x1900  }
0x1f: {  	[sflag:s15] =	ssyncset.done $0x0  }
0x20: {  	s11 =	simm.s32 $0x1900;
	s17 =	rddreg [dreg:$0x5];
	[sflag:s15] =	ssyncadd.s32 $0xFFFFE700  }
0x21: {  	[tilespmem:s11], [sflag:$0x7] =	stream.linear.gather [hbm4b:s17+s4], $0x800, $0x38;
	[tilespmem:$0x1A100] =	vst v63  }
0x22: {  	_ =	swait.ge [sflag:s15], $0x800  }
0x23: {  	[sflag:s15] =	ssyncset.done $0x0  }
0x24: {  	[sflag:s15] =	ssyncadd.s32 $0xFFFFF800  }
0x25: {  	[tilespmem:s23], [sflag:$0x1] =	stream.indirect.gather [hbm4b:s2+s19], $0x80, s4, s19, $0xb8;
	[tilespmem:$0x1A100] =	vst v63  }
0x26: {  	_ = 	snop  }
0x27: {  	[tilespmem:s24], [sflag:$0x1] =	stream.indirect.gather [hbm4b:s2+s19], $0x80, s19, s19, $0xb8;
	[tilespmem:$0x1A100] =	vst v63  }
0x28: {  	s18 =	simm.s32 $0x100  }
0x29: {  	[tilespmem:s26], [sflag:$0x2] =	stream.indirect.gather [hbm4b:s2+s19], $0x80, s18, s19, $0xb8;
	[tilespmem:$0x1A100] =	vst v63  }
0x2a: {  	s21 =	simm.s32 $0x180  }
0x2b: {  	[tilespmem:s29], [sflag:$0x2] =	stream.indirect.gather [hbm4b:s2+s19], $0x80, s21, s19, $0xb8;
	[tilespmem:$0x1A100] =	vst v63  }
0x2c: {  	_ =	swait.ge [sflag:s30], $0x4000  }
0x2d: {  	[sflag:s30] =	ssyncset.done $0x0  }
0x2e: {  	[sflag:s30] =	ssyncadd.s32 $0xFFFFC000  }
0x2f: {  	_ =	swait.ge [sflag:s30], $0x4000  }
0x30: {  	[sflag:s30] =	ssyncset.done $0x0  }
0x31: {  	[sflag:s30] =	ssyncadd.s32 $0xFFFFC000  }
0x32: {  	v6 =	vld [tilespmem:s10+$0x1900]  }
0x33: {  	v7 =	vld [tilespmem:s10+$0x1910]  }
0x34: {  	v5 =	vld [tilespmem:s10+$0x1920]  }
0x35: {  	v4 =	vld [tilespmem:s10+$0x1930]  }
0x36: {  	v3 =	vld [tilespmem:s10+$0x1940]  }
0x37: {  	v2 =	vld [tilespmem:s10+$0x1950]  }
0x38: {  	v1 =	vld [tilespmem:s10+$0x1960]  }
0x39: {  	s9 =	simm.s32 $0x0;
	v0 =	vld [tilespmem:s10+$0x1970]  }
0x3a: {  	v11 =	vld [tilespmem:s9+$0x2100]  }
0x3b: {  	v13 =	vld [tilespmem:s9+$0x2110]  }
0x3c: {  	v12 =	vld [tilespmem:s9+$0x2120]  }
0x3d: {  	v10 =	vld [tilespmem:s9+$0x2130]  }
0x3e: {  	v8 =	vld [tilespmem:s9+$0x2140]  }
0x3f: {  	v9 =	vld [tilespmem:s9+$0x2150];
	v14 =	vadd.f32 v11, v6  }
0x40: {  	s11 =	simm.s32 $0x200;
	v13 =	vadd.f32 v13, v7;
	v11 =	vld [tilespmem:s9+$0x2160]  }
.LBB2_2:
0x41: {  	s13 =	sshra.s32 s11, $0x2;
	p0 =	sne.s32 s11, $0x1FE00;
	[tilespmem:s9+$0x2100] =	vst v14;
	v12 =	vadd.f32 v12, v5;
	v14 =	vld [tilespmem:s9+$0x2170]  }
0x42: {  	v15 =	vld [tilespmem:s13+$0x2100];
	[tilespmem:s9+$0x2110] =	vst v13;
	v10 =	vadd.f32 v10, v4  }
0x43: {  	v13 =	vld [tilespmem:s13+$0x2110];
	[tilespmem:s9+$0x2120] =	vst v12;
	v8 =	vadd.f32 v8, v3  }
.Ltmp0:
0x44: {  	v12 =	vld [tilespmem:s13+$0x2120];
	[tilespmem:s9+$0x2130] =	vst v10;
	v9 =	vadd.f32 v9, v2;
	(pc) =	sbr.rel @p0 .LBB2_2-.Ltmp0, $4  }
0x45: {  	v10 =	vld [tilespmem:s13+$0x2130];
	[tilespmem:s9+$0x2140] =	vst v8;
	v11 =	vadd.f32 v11, v1  }
0x46: {  	v8 =	vld [tilespmem:s13+$0x2140];
	[tilespmem:s9+$0x2150] =	vst v9;
	v16 =	vadd.f32 v14, v0  }
0x47: {  	v14 =	vadd.f32 v15, v6;
	v9 =	vld [tilespmem:s13+$0x2150];
	[tilespmem:s9+$0x2160] =	vst v11  }
0x48: {  	s11 =	sadd.s32 $0x200, s11;
	v13 =	vadd.f32 v13, v7;
	v11 =	vld [tilespmem:s13+$0x2160];
	[tilespmem:s9+$0x2170] =	vst v16;
	s9 =	smov.u32 s13  }
0x49: {  	[tilespmem:s9+$0x2100] =	vst v14;
	v5 =	vadd.f32 v12, v5;
	v6 =	vld [tilespmem:s9+$0x2170]  }
0x4a: {  	[tilespmem:s9+$0x2110] =	vst v13;
	v4 =	vadd.f32 v10, v4  }
0x4b: {  	[tilespmem:s9+$0x2120] =	vst v5;
	v3 =	vadd.f32 v8, v3  }
0x4c: {  	[tilespmem:s9+$0x2130] =	vst v4;
	v2 =	vadd.f32 v9, v2  }
0x4d: {  	[tilespmem:s9+$0x2140] =	vst v3;
	v1 =	vadd.f32 v11, v1  }
0x4e: {  	[tilespmem:s9+$0x2150] =	vst v2;
	v0 =	vadd.f32 v6, v0  }
0x4f: {  	[tilespmem:s9+$0x2160] =	vst v1  }
0x50: {  	s17 =	simm.s32 $0x0;
	s8 =	rddreg [dreg:$0x6];
	[tilespmem:s9+$0x2170] =	vst v0  }
0x51: {  	[hbm4b:s8+s17] =	stream.linear.scatter [tilespmem:s23], [sflag:$0x4], $0x8000, $0x38;
	[tilespmem:$0x1A100] =	vst v63  }
0x52: {  	s18 =	simm.s32 $0x200  }
0x53: {  	[tilespmem:s1], [sflag:$0x3] =	stream.indirect.gather [hbm4b:s2+s19], $0x80, s18, s19, $0xb8;
	[tilespmem:$0x1A100] =	vst v63  }
0x54: {  	s21 =	simm.s32 $0x280  }
0x55: {  	[tilespmem:s20], [sflag:$0x3] =	stream.indirect.gather [hbm4b:s2+s19], $0x80, s21, s19, $0xb8;
	[tilespmem:$0x1A100] =	vst v63  }
0x56: {  	_ =	swait.ge [sflag:s22], $0x4000  }
0x57: {  	[sflag:s22] =	ssyncset.done $0x0  }
0x58: {  	[sflag:s22] =	ssyncadd.s32 $0xFFFFC000  }
0x59: {  	_ =	swait.ge [sflag:s22], $0x4000  }
0x5a: {  	[sflag:s22] =	ssyncset.done $0x0  }
0x5b: {  	[sflag:s22] =	ssyncadd.s32 $0xFFFFC000  }
0x5c: {  	v6 =	vld [tilespmem:s12+$0x1900]  }
0x5d: {  	v7 =	vld [tilespmem:s12+$0x1910]  }
0x5e: {  	v5 =	vld [tilespmem:s12+$0x1920]  }
0x5f: {  	v4 =	vld [tilespmem:s12+$0x1930]  }
0x60: {  	v3 =	vld [tilespmem:s12+$0x1940]  }
0x61: {  	v2 =	vld [tilespmem:s12+$0x1950]  }
0x62: {  	v1 =	vld [tilespmem:s12+$0x1960]  }
0x63: {  	s9 =	simm.s32 $0x0;
	v0 =	vld [tilespmem:s12+$0x1970]  }
0x64: {  	v11 =	vld [tilespmem:s9+$0xA100]  }
0x65: {  	v13 =	vld [tilespmem:s9+$0xA110]  }
0x66: {  	v12 =	vld [tilespmem:s9+$0xA120]  }
0x67: {  	v10 =	vld [tilespmem:s9+$0xA130]  }
0x68: {  	v8 =	vld [tilespmem:s9+$0xA140]  }
0x69: {  	v9 =	vld [tilespmem:s9+$0xA150];
	v14 =	vadd.f32 v11, v6  }
0x6a: {  	s11 =	simm.s32 $0x200;
	v13 =	vadd.f32 v13, v7;
	v11 =	vld [tilespmem:s9+$0xA160]  }
.LBB2_4:
0x6b: {  	s13 =	sshra.s32 s11, $0x2;
	p0 =	sne.s32 s11, $0x1FE00;
	[tilespmem:s9+$0xA100] =	vst v14;
	v12 =	vadd.f32 v12, v5;
	v14 =	vld [tilespmem:s9+$0xA170]  }
0x6c: {  	v15 =	vld [tilespmem:s13+$0xA100];
	[tilespmem:s9+$0xA110] =	vst v13;
	v10 =	vadd.f32 v10, v4  }
0x6d: {  	v13 =	vld [tilespmem:s13+$0xA110];
	[tilespmem:s9+$0xA120] =	vst v12;
	v8 =	vadd.f32 v8, v3  }
.Ltmp1:
0x6e: {  	v12 =	vld [tilespmem:s13+$0xA120];
	[tilespmem:s9+$0xA130] =	vst v10;
	v9 =	vadd.f32 v9, v2;
	(pc) =	sbr.rel @p0 .LBB2_4-.Ltmp1, $4  }
0x6f: {  	v10 =	vld [tilespmem:s13+$0xA130];
	[tilespmem:s9+$0xA140] =	vst v8;
	v11 =	vadd.f32 v11, v1  }
0x70: {  	v8 =	vld [tilespmem:s13+$0xA140];
	[tilespmem:s9+$0xA150] =	vst v9;
	v16 =	vadd.f32 v14, v0  }
0x71: {  	v14 =	vadd.f32 v15, v6;
	v9 =	vld [tilespmem:s13+$0xA150];
	[tilespmem:s9+$0xA160] =	vst v11  }
0x72: {  	s11 =	sadd.s32 $0x200, s11;
	v13 =	vadd.f32 v13, v7;
	v11 =	vld [tilespmem:s13+$0xA160];
	[tilespmem:s9+$0xA170] =	vst v16;
	s9 =	smov.u32 s13  }
0x73: {  	[tilespmem:s9+$0xA100] =	vst v14;
	v5 =	vadd.f32 v12, v5;
	v6 =	vld [tilespmem:s9+$0xA170]  }
0x74: {  	[tilespmem:s9+$0xA110] =	vst v13;
	v4 =	vadd.f32 v10, v4  }
0x75: {  	[tilespmem:s9+$0xA120] =	vst v5;
	v3 =	vadd.f32 v8, v3  }
0x76: {  	[tilespmem:s9+$0xA130] =	vst v4;
	v2 =	vadd.f32 v9, v2  }
0x77: {  	[tilespmem:s9+$0xA140] =	vst v3;
	v1 =	vadd.f32 v11, v1  }
0x78: {  	[tilespmem:s9+$0xA150] =	vst v2;
	v0 =	vadd.f32 v6, v0  }
0x79: {  	[tilespmem:s9+$0xA160] =	vst v1  }
0x7a: {  	s17 =	simm.s32 $0x0;
	s8 =	rddreg [dreg:$0x7];
	[tilespmem:s9+$0xA170] =	vst v0  }
0x7b: {  	[hbm4b:s8+s17] =	stream.linear.scatter [tilespmem:s26], [sflag:$0x5], $0x8000, $0x38;
	[tilespmem:$0x1A100] =	vst v63  }
0x7c: {  	_ =	swait.ge [sflag:s25], $0x8000  }
0x7d: {  	[sflag:s25] =	ssyncset.done $0x0  }
0x7e: {  	s18 =	simm.s32 $0x300;
	[sflag:s25] =	ssyncadd.s32 $0xFFFF8000  }
0x7f: {  	[tilespmem:s23], [sflag:$0x1] =	stream.indirect.gather [hbm4b:s2+s19], $0x80, s18, s19, $0xb8;
	[tilespmem:$0x1A100] =	vst v63  }
0x80: {  	s21 =	simm.s32 $0x380  }
0x81: {  	[tilespmem:s24], [sflag:$0x1] =	stream.indirect.gather [hbm4b:s2+s19], $0x80, s21, s19, $0xb8;
	[tilespmem:$0x1A100] =	vst v63  }
0x82: {  	_ =	swait.ge [sflag:s0], $0x4000  }
0x83: {  	[sflag:s0] =	ssyncset.done $0x0  }
0x84: {  	[sflag:s0] =	ssyncadd.s32 $0xFFFFC000  }
0x85: {  	_ =	swait.ge [sflag:s0], $0x4000  }
0x86: {  	[sflag:s0] =	ssyncset.done $0x0  }
0x87: {  	[sflag:s0] =	ssyncadd.s32 $0xFFFFC000  }
0x88: {  	v6 =	vld [tilespmem:s14+$0x1900]  }
0x89: {  	v7 =	vld [tilespmem:s14+$0x1910]  }
0x8a: {  	v5 =	vld [tilespmem:s14+$0x1920]  }
0x8b: {  	v4 =	vld [tilespmem:s14+$0x1930]  }
0x8c: {  	v3 =	vld [tilespmem:s14+$0x1940]  }
0x8d: {  	v2 =	vld [tilespmem:s14+$0x1950]  }
0x8e: {  	v1 =	vld [tilespmem:s14+$0x1960]  }
0x8f: {  	s9 =	simm.s32 $0x0;
	v0 =	vld [tilespmem:s14+$0x1970]  }
0x90: {  	v11 =	vld [tilespmem:s9+$0x12100]  }
0x91: {  	v13 =	vld [tilespmem:s9+$0x12110]  }
0x92: {  	v12 =	vld [tilespmem:s9+$0x12120]  }
0x93: {  	v10 =	vld [tilespmem:s9+$0x12130]  }
0x94: {  	v8 =	vld [tilespmem:s9+$0x12140]  }
0x95: {  	v9 =	vld [tilespmem:s9+$0x12150];
	v14 =	vadd.f32 v11, v6  }
0x96: {  	s11 =	simm.s32 $0x200;
	v13 =	vadd.f32 v13, v7;
	v11 =	vld [tilespmem:s9+$0x12160]  }
.LBB2_6:
0x97: {  	s13 =	sshra.s32 s11, $0x2;
	p0 =	sne.s32 s11, $0x1FE00;
	[tilespmem:s9+$0x12100] =	vst v14;
	v12 =	vadd.f32 v12, v5;
	v14 =	vld [tilespmem:s9+$0x12170]  }
0x98: {  	v15 =	vld [tilespmem:s13+$0x12100];
	[tilespmem:s9+$0x12110] =	vst v13;
	v10 =	vadd.f32 v10, v4  }
0x99: {  	v13 =	vld [tilespmem:s13+$0x12110];
	[tilespmem:s9+$0x12120] =	vst v12;
	v8 =	vadd.f32 v8, v3  }
.Ltmp2:
0x9a: {  	v12 =	vld [tilespmem:s13+$0x12120];
	[tilespmem:s9+$0x12130] =	vst v10;
	v9 =	vadd.f32 v9, v2;
	(pc) =	sbr.rel @p0 .LBB2_6-.Ltmp2, $4  }
0x9b: {  	v10 =	vld [tilespmem:s13+$0x12130];
	[tilespmem:s9+$0x12140] =	vst v8;
	v11 =	vadd.f32 v11, v1  }
0x9c: {  	v8 =	vld [tilespmem:s13+$0x12140];
	[tilespmem:s9+$0x12150] =	vst v9;
	v16 =	vadd.f32 v14, v0  }
0x9d: {  	v14 =	vadd.f32 v15, v6;
	v9 =	vld [tilespmem:s13+$0x12150];
	[tilespmem:s9+$0x12160] =	vst v11  }
0x9e: {  	s11 =	sadd.s32 $0x200, s11;
	v13 =	vadd.f32 v13, v7;
	v11 =	vld [tilespmem:s13+$0x12160];
	[tilespmem:s9+$0x12170] =	vst v16;
	s9 =	smov.u32 s13  }
0x9f: {  	[tilespmem:s9+$0x12100] =	vst v14;
	v5 =	vadd.f32 v12, v5;
	v6 =	vld [tilespmem:s9+$0x12170]  }
0xa0: {  	[tilespmem:s9+$0x12110] =	vst v13;
	v4 =	vadd.f32 v10, v4  }
0xa1: {  	[tilespmem:s9+$0x12120] =	vst v5;
	v3 =	vadd.f32 v8, v3  }
0xa2: {  	[tilespmem:s9+$0x12130] =	vst v4;
	v2 =	vadd.f32 v9, v2  }
0xa3: {  	[tilespmem:s9+$0x12140] =	vst v3;
	v1 =	vadd.f32 v11, v1  }
0xa4: {  	[tilespmem:s9+$0x12150] =	vst v2;
	v0 =	vadd.f32 v6, v0  }
0xa5: {  	[tilespmem:s9+$0x12160] =	vst v1  }
0xa6: {  	s8 =	rddreg [dreg:$0x8];
	[tilespmem:s9+$0x12170] =	vst v0;
	s9 =	simm.s32 $0x1  }
0xa7: {  	[hbm4b:s8+s4] =	stream.linear.scatter [tilespmem:s1], [sflag:$0x6], $0x8000, $0x38;
	[tilespmem:$0x1A100] =	vst v63  }
.LBB2_8:
0xa8: {  	s13 =	smul.u32 $0x3, s9  }
0xa9: {  	_ =	swait.ge [sflag:s28], $0x8000  }
0xaa: {  	[sflag:s28] =	ssyncset.done $0x0;
	s17 =	sadd.s32 $0x1, s13  }
0xab: {  	[sflag:s28] =	ssyncadd.s32 $0xFFFF8000;
	s11 =	sshll.u32 s17, $0x8  }
0xac: {  	[tilespmem:s26], [sflag:$0x2] =	stream.indirect.gather [hbm4b:s2+s19], $0x80, s11, s19, $0xb8;
	[tilespmem:$0x1A100] =	vst v63  }
0xad: {  	s15 =	sor.u32 $0x80, s11  }
0xae: {  	[tilespmem:s29], [sflag:$0x2] =	stream.indirect.gather [hbm4b:s2+s19], $0x80, s15, s19, $0xb8;
	[tilespmem:$0x1A100] =	vst v63  }
0xaf: {  	_ =	swait.ge [sflag:s30], $0x4000  }
0xb0: {  	s21 =	sadd.s32 s5, s13;
	[sflag:s30] =	ssyncset.done $0x0  }
0xb1: {  	s15 =	sshrl.u32 s21, $0x4;
	[sflag:s30] =	ssyncadd.s32 $0xFFFFC000  }
0xb2: {  	s15 =	ssub.s32 s15, s7;
	_ =	swait.ge [sflag:s30], $0x4000  }
0xb3: {  	s15 =	sshll.u32 s15, $0x9;
	[sflag:s30] =	ssyncset.done $0x0  }
0xb4: {  	s15 =	sshra.s32 s15, $0x2;
	[sflag:s30] =	ssyncadd.s32 $0xFFFFC000  }
0xb5: {  	v6 =	vld [tilespmem:s15+$0x1900]  }
0xb6: {  	v7 =	vld [tilespmem:s15+$0x1910]  }
0xb7: {  	v5 =	vld [tilespmem:s15+$0x1920]  }
0xb8: {  	v4 =	vld [tilespmem:s15+$0x1930]  }
0xb9: {  	v3 =	vld [tilespmem:s15+$0x1940]  }
0xba: {  	v2 =	vld [tilespmem:s15+$0x1950]  }
0xbb: {  	v1 =	vld [tilespmem:s15+$0x1960]  }
0xbc: {  	s18 =	simm.s32 $0x0;
	v0 =	vld [tilespmem:s15+$0x1970]  }
0xbd: {  	v10 =	vld [tilespmem:s18+$0x2100]  }
0xbe: {  	v13 =	vld [tilespmem:s18+$0x2110]  }
0xbf: {  	v12 =	vld [tilespmem:s18+$0x2120]  }
0xc0: {  	v11 =	vld [tilespmem:s18+$0x2130]  }
0xc1: {  	v8 =	vld [tilespmem:s18+$0x2140]  }
0xc2: {  	v9 =	vld [tilespmem:s18+$0x2150];
	v14 =	vadd.f32 v10, v6  }
0xc3: {  	s15 =	simm.s32 $0x200;
	v13 =	vadd.f32 v13, v7;
	v10 =	vld [tilespmem:s18+$0x2160]  }
.LBB2_9:
0xc4: {  	s21 =	sshra.s32 s15, $0x2;
	p0 =	sne.s32 s15, $0x1FE00;
	[tilespmem:s18+$0x2100] =	vst v14;
	v12 =	vadd.f32 v12, v5;
	v14 =	vld [tilespmem:s18+$0x2170]  }
0xc5: {  	v15 =	vld [tilespmem:s21+$0x2100];
	[tilespmem:s18+$0x2110] =	vst v13;
	v11 =	vadd.f32 v11, v4  }
0xc6: {  	v13 =	vld [tilespmem:s21+$0x2110];
	[tilespmem:s18+$0x2120] =	vst v12;
	v8 =	vadd.f32 v8, v3  }
.Ltmp3:
0xc7: {  	v12 =	vld [tilespmem:s21+$0x2120];
	[tilespmem:s18+$0x2130] =	vst v11;
	v9 =	vadd.f32 v9, v2;
	(pc) =	sbr.rel @p0 .LBB2_9-.Ltmp3, $4  }
0xc8: {  	v11 =	vld [tilespmem:s21+$0x2130];
	[tilespmem:s18+$0x2140] =	vst v8;
	v10 =	vadd.f32 v10, v1  }
0xc9: {  	v8 =	vld [tilespmem:s21+$0x2140];
	[tilespmem:s18+$0x2150] =	vst v9;
	v16 =	vadd.f32 v14, v0  }
0xca: {  	v14 =	vadd.f32 v15, v6;
	v9 =	vld [tilespmem:s21+$0x2150];
	[tilespmem:s18+$0x2160] =	vst v10  }
0xcb: {  	s15 =	sadd.s32 $0x200, s15;
	v13 =	vadd.f32 v13, v7;
	v10 =	vld [tilespmem:s21+$0x2160];
	[tilespmem:s18+$0x2170] =	vst v16;
	s18 =	smov.u32 s21  }
0xcc: {  	[tilespmem:s18+$0x2100] =	vst v14;
	v5 =	vadd.f32 v12, v5;
	v6 =	vld [tilespmem:s18+$0x2170]  }
0xcd: {  	[tilespmem:s18+$0x2110] =	vst v13;
	v4 =	vadd.f32 v11, v4  }
0xce: {  	[tilespmem:s18+$0x2120] =	vst v5;
	v3 =	vadd.f32 v8, v3  }
0xcf: {  	s15 =	smul.u32 $0x300, s9;
	[tilespmem:s18+$0x2130] =	vst v4;
	v2 =	vadd.f32 v9, v2  }
0xd0: {  	[tilespmem:s18+$0x2140] =	vst v3;
	v1 =	vadd.f32 v10, v1  }
0xd1: {  	s21 =	sadd.s32 s6, s15;
	[tilespmem:s18+$0x2150] =	vst v2;
	v0 =	vadd.f32 v6, v0  }
0xd2: {  	s21 =	sshll.u32 s21, $0x4;
	[tilespmem:s18+$0x2160] =	vst v1  }
0xd3: {  	s8 =	simm.s32 $0x0;
	s21 =	sadd.s32 s3, s21;
	[tilespmem:s18+$0x2170] =	vst v0  }
0xd4: {  	[hbm4b:s21+s8] =	stream.linear.scatter [tilespmem:s23], [sflag:$0x4], $0x8000, $0x38;
	[tilespmem:$0x1A100] =	vst v63  }
0xd5: {  	_ =	swait.ge [sflag:s31], $0x8000  }
0xd6: {  	s18 =	sadd.s32 $0x2, s13;
	[sflag:s31] =	ssyncset.done $0x0  }
0xd7: {  	s13 =	sshll.u32 s18, $0x8;
	[sflag:s31] =	ssyncadd.s32 $0xFFFF8000  }
0xd8: {  	[tilespmem:s1], [sflag:$0x3] =	stream.indirect.gather [hbm4b:s2+s19], $0x80, s13, s19, $0xb8;
	[tilespmem:$0x1A100] =	vst v63  }
0xd9: {  	s8 =	sor.u32 $0x80, s13  }
0xda: {  	[tilespmem:s20], [sflag:$0x3] =	stream.indirect.gather [hbm4b:s2+s19], $0x80, s8, s19, $0xb8;
	[tilespmem:$0x1A100] =	vst v63  }
0xdb: {  	_ =	swait.ge [sflag:s22], $0x4000  }
0xdc: {  	s17 =	sadd.s32 s5, s17;
	[sflag:s22] =	ssyncset.done $0x0  }
0xdd: {  	s17 =	sshrl.u32 s17, $0x4;
	[sflag:s22] =	ssyncadd.s32 $0xFFFFC000  }
0xde: {  	s17 =	ssub.s32 s17, s7;
	_ =	swait.ge [sflag:s22], $0x4000  }
0xdf: {  	s17 =	sshll.u32 s17, $0x9;
	[sflag:s22] =	ssyncset.done $0x0  }
0xe0: {  	s17 =	sshra.s32 s17, $0x2;
	[sflag:s22] =	ssyncadd.s32 $0xFFFFC000  }
0xe1: {  	v6 =	vld [tilespmem:s17+$0x1900]  }
0xe2: {  	v7 =	vld [tilespmem:s17+$0x1910]  }
0xe3: {  	v5 =	vld [tilespmem:s17+$0x1920]  }
0xe4: {  	v4 =	vld [tilespmem:s17+$0x1930]  }
0xe5: {  	v3 =	vld [tilespmem:s17+$0x1940]  }
0xe6: {  	v2 =	vld [tilespmem:s17+$0x1950]  }
0xe7: {  	v1 =	vld [tilespmem:s17+$0x1960]  }
0xe8: {  	v0 =	vld [tilespmem:s17+$0x1970];
	s17 =	simm.s32 $0x0  }
0xe9: {  	v11 =	vld [tilespmem:s17+$0xA100]  }
0xea: {  	v13 =	vld [tilespmem:s17+$0xA110]  }
0xeb: {  	v12 =	vld [tilespmem:s17+$0xA120]  }
0xec: {  	v10 =	vld [tilespmem:s17+$0xA130]  }
0xed: {  	v8 =	vld [tilespmem:s17+$0xA140]  }
0xee: {  	v9 =	vld [tilespmem:s17+$0xA150];
	v14 =	vadd.f32 v11, v6  }
0xef: {  	s21 =	simm.s32 $0x200;
	v13 =	vadd.f32 v13, v7;
	v11 =	vld [tilespmem:s17+$0xA160]  }
.LBB2_11:
0xf0: {  	s8 =	sshra.s32 s21, $0x2;
	p0 =	sne.s32 s21, $0x1FE00;
	[tilespmem:s17+$0xA100] =	vst v14;
	v12 =	vadd.f32 v12, v5;
	v14 =	vld [tilespmem:s17+$0xA170]  }
0xf1: {  	v15 =	vld [tilespmem:s8+$0xA100];
	[tilespmem:s17+$0xA110] =	vst v13;
	v10 =	vadd.f32 v10, v4  }
0xf2: {  	v13 =	vld [tilespmem:s8+$0xA110];
	[tilespmem:s17+$0xA120] =	vst v12;
	v8 =	vadd.f32 v8, v3  }
.Ltmp4:
0xf3: {  	v12 =	vld [tilespmem:s8+$0xA120];
	[tilespmem:s17+$0xA130] =	vst v10;
	v9 =	vadd.f32 v9, v2;
	(pc) =	sbr.rel @p0 .LBB2_11-.Ltmp4, $4  }
0xf4: {  	v10 =	vld [tilespmem:s8+$0xA130];
	[tilespmem:s17+$0xA140] =	vst v8;
	v11 =	vadd.f32 v11, v1  }
0xf5: {  	v8 =	vld [tilespmem:s8+$0xA140];
	[tilespmem:s17+$0xA150] =	vst v9;
	v16 =	vadd.f32 v14, v0  }
0xf6: {  	v14 =	vadd.f32 v15, v6;
	v9 =	vld [tilespmem:s8+$0xA150];
	[tilespmem:s17+$0xA160] =	vst v11  }
0xf7: {  	s21 =	sadd.s32 $0x200, s21;
	v13 =	vadd.f32 v13, v7;
	v11 =	vld [tilespmem:s8+$0xA160];
	[tilespmem:s17+$0xA170] =	vst v16;
	s17 =	smov.u32 s8  }
0xf8: {  	[tilespmem:s17+$0xA100] =	vst v14;
	v5 =	vadd.f32 v12, v5;
	v6 =	vld [tilespmem:s17+$0xA170]  }
0xf9: {  	[tilespmem:s17+$0xA110] =	vst v13;
	v4 =	vadd.f32 v10, v4  }
0xfa: {  	[tilespmem:s17+$0xA120] =	vst v5;
	v3 =	vadd.f32 v8, v3  }
0xfb: {  	[tilespmem:s17+$0xA130] =	vst v4;
	v2 =	vadd.f32 v9, v2  }
0xfc: {  	[tilespmem:s17+$0xA140] =	vst v3;
	v1 =	vadd.f32 v11, v1  }
0xfd: {  	s8 =	sadd.s32 s6, s11;
	[tilespmem:s17+$0xA150] =	vst v2;
	v0 =	vadd.f32 v6, v0  }
0xfe: {  	s8 =	sshll.u32 s8, $0x4;
	[tilespmem:s17+$0xA160] =	vst v1  }
0xff: {  	s21 =	simm.s32 $0x0;
	s8 =	sadd.s32 s3, s8;
	[tilespmem:s17+$0xA170] =	vst v0  }
0x100: {  	[hbm4b:s8+s21] =	stream.linear.scatter [tilespmem:s26], [sflag:$0x5], $0x8000, $0x38;
	[tilespmem:$0x1A100] =	vst v63  }
0x101: {  	_ =	swait.ge [sflag:s25], $0x8000  }
0x102: {  	[sflag:s25] =	ssyncset.done $0x0  }
0x103: {  	s11 =	sadd.s32 $0x300, s15;
	[sflag:s25] =	ssyncadd.s32 $0xFFFF8000  }
0x104: {  	[tilespmem:s23], [sflag:$0x1] =	stream.indirect.gather [hbm4b:s2+s19], $0x80, s11, s19, $0xb8;
	[tilespmem:$0x1A100] =	vst v63  }
0x105: {  	s17 =	sadd.s32 $0x380, s15  }
0x106: {  	[tilespmem:s24], [sflag:$0x1] =	stream.indirect.gather [hbm4b:s2+s19], $0x80, s17, s19, $0xb8;
	[tilespmem:$0x1A100] =	vst v63  }
0x107: {  	_ =	swait.ge [sflag:s0], $0x4000  }
0x108: {  	s21 =	sadd.s32 s5, s18;
	[sflag:s0] =	ssyncset.done $0x0  }
0x109: {  	s8 =	sshrl.u32 s21, $0x4;
	[sflag:s0] =	ssyncadd.s32 $0xFFFFC000  }
0x10a: {  	s8 =	ssub.s32 s8, s7;
	_ =	swait.ge [sflag:s0], $0x4000  }
0x10b: {  	s8 =	sshll.u32 s8, $0x9;
	[sflag:s0] =	ssyncset.done $0x0  }
0x10c: {  	s8 =	sshra.s32 s8, $0x2;
	[sflag:s0] =	ssyncadd.s32 $0xFFFFC000  }
0x10d: {  	v6 =	vld [tilespmem:s8+$0x1900]  }
0x10e: {  	v7 =	vld [tilespmem:s8+$0x1910]  }
0x10f: {  	v5 =	vld [tilespmem:s8+$0x1920]  }
0x110: {  	v4 =	vld [tilespmem:s8+$0x1930]  }
0x111: {  	v3 =	vld [tilespmem:s8+$0x1940]  }
0x112: {  	v2 =	vld [tilespmem:s8+$0x1950]  }
0x113: {  	v1 =	vld [tilespmem:s8+$0x1960]  }
0x114: {  	s11 =	simm.s32 $0x0;
	v0 =	vld [tilespmem:s8+$0x1970]  }
0x115: {  	v11 =	vld [tilespmem:s11+$0x12100]  }
0x116: {  	v13 =	vld [tilespmem:s11+$0x12110]  }
0x117: {  	v12 =	vld [tilespmem:s11+$0x12120]  }
0x118: {  	v10 =	vld [tilespmem:s11+$0x12130]  }
0x119: {  	v8 =	vld [tilespmem:s11+$0x12140]  }
0x11a: {  	v9 =	vld [tilespmem:s11+$0x12150];
	v14 =	vadd.f32 v11, v6  }
0x11b: {  	s15 =	simm.s32 $0x200;
	v13 =	vadd.f32 v13, v7;
	v11 =	vld [tilespmem:s11+$0x12160]  }
.LBB2_13:
0x11c: {  	s8 =	sshra.s32 s15, $0x2;
	p0 =	sne.s32 s15, $0x1FE00;
	[tilespmem:s11+$0x12100] =	vst v14;
	v12 =	vadd.f32 v12, v5;
	v14 =	vld [tilespmem:s11+$0x12170]  }
0x11d: {  	v15 =	vld [tilespmem:s8+$0x12100];
	[tilespmem:s11+$0x12110] =	vst v13;
	v10 =	vadd.f32 v10, v4  }
0x11e: {  	v13 =	vld [tilespmem:s8+$0x12110];
	[tilespmem:s11+$0x12120] =	vst v12;
	v8 =	vadd.f32 v8, v3  }
.Ltmp5:
0x11f: {  	v12 =	vld [tilespmem:s8+$0x12120];
	[tilespmem:s11+$0x12130] =	vst v10;
	v9 =	vadd.f32 v9, v2;
	(pc) =	sbr.rel @p0 .LBB2_13-.Ltmp5, $4  }
0x120: {  	v10 =	vld [tilespmem:s8+$0x12130];
	[tilespmem:s11+$0x12140] =	vst v8;
	v11 =	vadd.f32 v11, v1  }
0x121: {  	v8 =	vld [tilespmem:s8+$0x12140];
	[tilespmem:s11+$0x12150] =	vst v9;
	v16 =	vadd.f32 v14, v0  }
0x122: {  	v14 =	vadd.f32 v15, v6;
	v9 =	vld [tilespmem:s8+$0x12150];
	[tilespmem:s11+$0x12160] =	vst v11  }
0x123: {  	s15 =	sadd.s32 $0x200, s15;
	v13 =	vadd.f32 v13, v7;
	v11 =	vld [tilespmem:s8+$0x12160];
	[tilespmem:s11+$0x12170] =	vst v16;
	s11 =	smov.u32 s8  }
0x124: {  	[tilespmem:s11+$0x12100] =	vst v14;
	v5 =	vadd.f32 v12, v5;
	v6 =	vld [tilespmem:s11+$0x12170]  }
0x125: {  	[tilespmem:s11+$0x12110] =	vst v13;
	v4 =	vadd.f32 v10, v4  }
0x126: {  	s9 =	sadd.s32 $0x1, s9;
	[tilespmem:s11+$0x12120] =	vst v5;
	v3 =	vadd.f32 v8, v3  }
0x127: {  	p0 =	sne.s32 s9, $0x8;
	[tilespmem:s11+$0x12130] =	vst v4;
	v2 =	vadd.f32 v9, v2  }
.Ltmp6:
0x128: {  	[tilespmem:s11+$0x12140] =	vst v3;
	v1 =	vadd.f32 v11, v1;
	(pc) =	sbr.rel @p0 .LBB2_8-.Ltmp6, $4  }
0x129: {  	s8 =	sadd.s32 s6, s13;
	[tilespmem:s11+$0x12150] =	vst v2;
	v0 =	vadd.f32 v6, v0  }
0x12a: {  	s8 =	sshll.u32 s8, $0x4;
	[tilespmem:s11+$0x12160] =	vst v1  }
0x12b: {  	s8 =	sadd.s32 s3, s8;
	[tilespmem:s11+$0x12170] =	vst v0  }
0x12c: {  	[hbm4b:s8+s4] =	stream.linear.scatter [tilespmem:s1], [sflag:$0x6], $0x8000, $0x38;
	[tilespmem:$0x1A100] =	vst v63  }
0x12d: {  	_ =	swait.ge [sflag:s28], $0x8000  }
0x12e: {  	[sflag:s28] =	ssyncset.done $0x0  }
0x12f: {  	[sflag:s28] =	ssyncadd.s32 $0xFFFF8000  }
0x130: {  	_ =	swait.ge [sflag:s30], $0x4000  }
0x131: {  	[sflag:s30] =	ssyncset.done $0x0  }
0x132: {  	[sflag:s30] =	ssyncadd.s32 $0xFFFFC000  }
0x133: {  	_ =	swait.ge [sflag:s30], $0x4000  }
0x134: {  	[sflag:s30] =	ssyncset.done $0x0  }
0x135: {  	[sflag:s30] =	ssyncadd.s32 $0xFFFFC000  }
0x136: {  	v6 =	vld [tilespmem:s16+$0x1900]  }
0x137: {  	v7 =	vld [tilespmem:s16+$0x1910]  }
0x138: {  	v5 =	vld [tilespmem:s16+$0x1920]  }
0x139: {  	v4 =	vld [tilespmem:s16+$0x1930]  }
0x13a: {  	v3 =	vld [tilespmem:s16+$0x1940]  }
0x13b: {  	v2 =	vld [tilespmem:s16+$0x1950]  }
0x13c: {  	v1 =	vld [tilespmem:s16+$0x1960]  }
0x13d: {  	s9 =	simm.s32 $0x0;
	v0 =	vld [tilespmem:s16+$0x1970]  }
0x13e: {  	v11 =	vld [tilespmem:s9+$0x2100]  }
0x13f: {  	v13 =	vld [tilespmem:s9+$0x2110]  }
0x140: {  	v12 =	vld [tilespmem:s9+$0x2120]  }
0x141: {  	v10 =	vld [tilespmem:s9+$0x2130]  }
0x142: {  	v8 =	vld [tilespmem:s9+$0x2140]  }
0x143: {  	v9 =	vld [tilespmem:s9+$0x2150];
	v14 =	vadd.f32 v11, v6  }
0x144: {  	s11 =	simm.s32 $0x200;
	v13 =	vadd.f32 v13, v7;
	v11 =	vld [tilespmem:s9+$0x2160]  }
.LBB2_16:
0x145: {  	s8 =	sshra.s32 s11, $0x2;
	p0 =	sne.s32 s11, $0x1FE00;
	[tilespmem:s9+$0x2100] =	vst v14;
	v12 =	vadd.f32 v12, v5;
	v14 =	vld [tilespmem:s9+$0x2170]  }
0x146: {  	v15 =	vld [tilespmem:s8+$0x2100];
	[tilespmem:s9+$0x2110] =	vst v13;
	v10 =	vadd.f32 v10, v4  }
0x147: {  	v13 =	vld [tilespmem:s8+$0x2110];
	[tilespmem:s9+$0x2120] =	vst v12;
	v8 =	vadd.f32 v8, v3  }
.Ltmp7:
0x148: {  	v12 =	vld [tilespmem:s8+$0x2120];
	[tilespmem:s9+$0x2130] =	vst v10;
	v9 =	vadd.f32 v9, v2;
	(pc) =	sbr.rel @p0 .LBB2_16-.Ltmp7, $4  }
0x149: {  	v10 =	vld [tilespmem:s8+$0x2130];
	[tilespmem:s9+$0x2140] =	vst v8;
	v11 =	vadd.f32 v11, v1  }
0x14a: {  	v8 =	vld [tilespmem:s8+$0x2140];
	[tilespmem:s9+$0x2150] =	vst v9;
	v16 =	vadd.f32 v14, v0  }
0x14b: {  	v14 =	vadd.f32 v15, v6;
	v9 =	vld [tilespmem:s8+$0x2150];
	[tilespmem:s9+$0x2160] =	vst v11  }
0x14c: {  	s11 =	sadd.s32 $0x200, s11;
	v13 =	vadd.f32 v13, v7;
	v11 =	vld [tilespmem:s8+$0x2160];
	[tilespmem:s9+$0x2170] =	vst v16;
	s9 =	smov.u32 s8  }
0x14d: {  	[tilespmem:s9+$0x2100] =	vst v14;
	v5 =	vadd.f32 v12, v5;
	v6 =	vld [tilespmem:s9+$0x2170]  }
0x14e: {  	[tilespmem:s9+$0x2110] =	vst v13;
	v4 =	vadd.f32 v10, v4  }
0x14f: {  	[tilespmem:s9+$0x2120] =	vst v5;
	v3 =	vadd.f32 v8, v3  }
0x150: {  	[tilespmem:s9+$0x2130] =	vst v4;
	v2 =	vadd.f32 v9, v2  }
0x151: {  	[tilespmem:s9+$0x2140] =	vst v3;
	v1 =	vadd.f32 v11, v1  }
0x152: {  	[tilespmem:s9+$0x2150] =	vst v2;
	v0 =	vadd.f32 v6, v0  }
0x153: {  	[tilespmem:s9+$0x2160] =	vst v1  }
0x154: {  	s8 =	rddreg [dreg:$0x9];
	[tilespmem:s9+$0x2170] =	vst v0  }
0x155: {  	[hbm4b:s8+s4] =	stream.linear.scatter [tilespmem:s23], [sflag:$0x4], $0x8000, $0x38;
	[tilespmem:$0x1A100] =	vst v63  }
0x156: {  	_ =	swait.ge [sflag:s31], $0x8000  }
0x157: {  	[sflag:s31] =	ssyncset.done $0x0  }
0x158: {  	[sflag:s31] =	ssyncadd.s32 $0xFFFF8000  }
0x159: {  	_ =	swait.ge [sflag:s25], $0x8000  }
0x15a: {  	s18 =	rddreg [dreg:$0xb]  }
0x15b: {  	s21 =	rddreg [dreg:$0xa];
	s9 =	sadd.s32 $0x1, s18  }
0x15c: {  	p0 =	sne.s32 s9, s21  }
.Ltmp8:
0x15d: {  	_ = 	snop;
	(pc) =	sbr.rel @p0 .LBB2_1-.Ltmp8, $3  }
0x15e: {  	_ =	sdelay $0x1  }
0x15f: {  	[sflag:s25] =	ssyncset.done $0x0  }
0x160: {  	[sflag:s25] =	ssyncadd.s32 $0xFFFF8000  }
0x161: {  	_ =	sfence.sel $0x180000  }
0x162: {  	[bflag:$0x0] =	sbarrier.arrive $0xFFFF  }
0x163: {  	_ =	strace $0x90000047  }
0x164: {  	s0 =	stileid.u32;
	[bflag:$0x2] =	sbarrier.arrive $0xFFFF  }
0x165: {  	p0 =	sne.s32 s0, $0x0;
	s0 =	rddreg [dreg:$0x3]  }
0x166: {  	s0 =	sadd.s32 @!p0 $0x100000, s0  }
0x167: {  	[sflag:s0] =	ssyncadd.tile.s32 @!p0 $0x1;
	_ =	shalt  }
.Lfunc_end2:
_tile_overlayer_lowered:
.L_overlay_start_2:
0x168: {  	(tag) =	ssettag $0x2  }
0x169: {  	s0 =	rddreg [dreg:$0x0];
	s2 =	stileid.u32  }
0x16a: {  	s1 =	rddreg [dreg:$0x1];
	p0 =	sne.s32 s2, $0x0  }
0x16b: {  	s3 =	rddreg [dreg:$0x2];
	[bflag:$0x3] =	sbarrier.arrive $0xFFFF;
	s2 =	simm.s32 @!p0 $0x1C07  }
0x16c: {  	[timem:s3], [sflag:s2] =	dma.local @!p0 [hbm:s0], s1  }
0x16d: {  	s0 =	simm.s32 @!p0 $0x7  }
0x16e: {  	_ =	swait.ge @!p0 [sflag:s0], s1  }
0x16f: {  	s1 =	ssub.s32 @!p0 $0x0, s1;
	[sflag:s0] =	ssyncset.done @!p0 $0x0  }
0x170: {  	[sflag:s0] =	ssyncadd.s32 @!p0 s1  }
0x171: {  	[bflag:$0x3] =	sbarrier.arrive $0xFFFF  }
0x172: {  	_ =	shalt  }

</sc_bundles>
